<compile_context>
chip_gen: v7x
topology: tpu7x:2x2x1
jax: 0.10.2.dev20260603
libtpu: 0.0.44.dev20260713+nightly
codegen_flags: <defaults>
</compile_context>

<pallas_src>
import functools
import jax
import jax.numpy as jnp
from jax import lax
from jax.experimental import pallas as pl
from jax.experimental.pallas import tpu as pltpu
from jax.experimental.pallas import tpu_sc as plsc

B, N, M = 8, 4096, 1024
_RADII = [0.1, 0.2]
_NSAMPLES = [16, 32]

MB = 128
NBT = 1024
PB = 4096



def _fps_body(x_ref, y_ref, z_ref, idx_ref, cx_ref, cy_ref, cz_ref):
    x = x_ref[...]
    y = y_ref[...]
    z = z_ref[...]
    lane = lax.broadcasted_iota(jnp.int32, (B, N), 1)
    lane_m = lax.broadcasted_iota(jnp.int32, (B, M), 1)
    idx_ref[...] = jnp.zeros((B, M), jnp.int32)
    cx_ref[...] = jnp.zeros((B, M), jnp.float32)
    cy_ref[...] = jnp.zeros((B, M), jnp.float32)
    cz_ref[...] = jnp.zeros((B, M), jnp.float32)

    def body(i, carry):
        dist, far = carry
        onehot = lane == far
        cx = jnp.sum(jnp.where(onehot, x, 0.0), axis=1, keepdims=True)
        cy = jnp.sum(jnp.where(onehot, y, 0.0), axis=1, keepdims=True)
        cz = jnp.sum(jnp.where(onehot, z, 0.0), axis=1, keepdims=True)
        hit = lane_m == i
        idx_ref[...] = jnp.where(hit, far, idx_ref[...])
        cx_ref[...] = jnp.where(hit, cx, cx_ref[...])
        cy_ref[...] = jnp.where(hit, cy, cy_ref[...])
        cz_ref[...] = jnp.where(hit, cz, cz_ref[...])
        dx = x - cx
        dy = y - cy
        dz = z - cz
        d = dx * dx
        d = d + dy * dy
        d = d + dz * dz
        dist = jnp.minimum(dist, d)
        mx = jnp.max(dist, axis=1, keepdims=True)
        far = jnp.min(jnp.where(dist == mx, lane, N), axis=1, keepdims=True)
        return dist, far

    dist0 = jnp.full((B, N), 1e10, jnp.float32)
    far0 = jnp.zeros((B, 1), jnp.int32)
    lax.fori_loop(0, M, body, (dist0, far0))


def _fps_pallas(x, y, z):
    idx, cx, cy, cz = pl.pallas_call(
        _fps_body,
        out_shape=[
            jax.ShapeDtypeStruct((B, M), jnp.int32),
            jax.ShapeDtypeStruct((B, M), jnp.float32),
            jax.ShapeDtypeStruct((B, M), jnp.float32),
            jax.ShapeDtypeStruct((B, M), jnp.float32),
        ],
    )(x, y, z)
    return idx, jnp.stack([cx, cy, cz], axis=-1)



def _ballq_body(r2, S, q_ref, px_ref, py_ref, pz_ref, idx_ref):
    q = q_ref[0]
    px = px_ref[0]
    py = py_ref[0]
    pz = pz_ref[0]
    q2 = q * q
    qq = q2[:, 0:1] + q2[:, 1:2] + q2[:, 2:3]
    pp = px * px
    pp = pp + py * py
    pp = pp + pz * pz
    p = jnp.concatenate([px, py, pz], axis=0)
    dots = lax.dot_general(q, p, (((1,), (0,)), ((), ())))
    sq = (qq + pp) - 2.0 * dots
    valid = sq < r2
    lane = lax.broadcasted_iota(jnp.int32, (MB, N), 1)
    inc = valid.astype(jnp.int32)
    k = 1
    while k < N:
        inc = inc + jnp.where(lane >= k, pltpu.roll(inc, k, axis=1), 0)
        inc = jnp.minimum(inc, S + 1)
        k *= 2
    cnt = jnp.sum(valid.astype(jnp.int32), axis=1, keepdims=True)
    A = jnp.where(valid, inc, 0)
    s_lane = lax.broadcasted_iota(jnp.int32, (MB, S), 1)
    idxm = jnp.zeros((MB, S), jnp.int32)
    for s in range(S):
        m = A == (s + 1)
        v = jnp.max(jnp.where(m, lane, 0), axis=1, keepdims=True)
        idxm = jnp.where(s_lane == s, v, idxm)
    first = jnp.where(cnt > 0, idxm[:, 0:1], N - 1)
    idxm = jnp.where(s_lane < cnt, idxm, first)
    b = pl.program_id(0)
    idx_ref[0] = idxm + b * N


def _ballq_pallas(new_xyz, x, y, z, radius, S):
    grid = (B, M // MB)
    x3 = x.reshape(B, 1, N)
    y3 = y.reshape(B, 1, N)
    z3 = z.reshape(B, 1, N)
    return pl.pallas_call(
        functools.partial(_ballq_body, radius * radius, S),
        grid=grid,
        in_specs=[
            pl.BlockSpec((1, MB, 3), lambda b, m: (b, m, 0)),
            pl.BlockSpec((1, 1, N), lambda b, m: (b, 0, 0)),
            pl.BlockSpec((1, 1, N), lambda b, m: (b, 0, 0)),
            pl.BlockSpec((1, 1, N), lambda b, m: (b, 0, 0)),
        ],
        out_specs=pl.BlockSpec((1, MB, S), lambda b, m: (b, m, 0)),
        out_shape=jax.ShapeDtypeStruct((B, M, S), jnp.int32),
    )(new_xyz, x3, y3, z3)



def _t1_body(xyz_ref, ft_ref, wxt_ref, wft_ref, out_ref):
    out_ref[...] = (lax.dot_general(xyz_ref[0], wxt_ref[...], (((1,), (0,)), ((), ())))
                    + lax.dot_general(ft_ref[0], wft_ref[...], (((1,), (0,)), ((), ()))))


def _t1_pallas(xyz, ftT, WxTp, WfTp):
    grid = (B, N // NBT)
    return pl.pallas_call(
        _t1_body,
        grid=grid,
        in_specs=[
            pl.BlockSpec((1, NBT, 3), lambda b, n: (b, n, 0)),
            pl.BlockSpec((1, NBT, 64), lambda b, n: (b, n, 0)),
            pl.BlockSpec((3, 128), lambda b, n: (0, 0)),
            pl.BlockSpec((64, 128), lambda b, n: (0, 0)),
        ],
        out_specs=pl.BlockSpec((NBT, 128), lambda b, n: (b * (N // NBT) + n, 0)),
        out_shape=jax.ShapeDtypeStruct((B * N, 128), jnp.float32),
    )(xyz, ftT, WxTp, WfTp)


def _q_body(nxyz_ref, wxt_ref, out_ref):
    out_ref[...] = lax.dot_general(nxyz_ref[0], wxt_ref[...], (((1,), (0,)), ((), ())))


def _q_pallas(new_xyz, WxT):
    return pl.pallas_call(
        _q_body,
        grid=(B,),
        in_specs=[
            pl.BlockSpec((1, M, 3), lambda b: (b, 0, 0)),
            pl.BlockSpec((3, 64), lambda b: (0, 0)),
        ],
        out_specs=pl.BlockSpec((M, 64), lambda b: (b, 0)),
        out_shape=jax.ShapeDtypeStruct((B * M, 64), jnp.float32),
    )(new_xyz, WxT)



_SC_CH = 128


def _sc_gather(table, idx):
    info = plsc.get_sparse_core_info()
    nw = info.num_cores * info.num_subcores
    P = idx.shape[0]
    b_per_w = P // nw
    steps = b_per_w // _SC_CH
    mesh = plsc.VectorSubcoreMesh(core_axis_name="c", subcore_axis_name="s")

    @functools.partial(
        pl.kernel, mesh=mesh,
        out_type=jax.ShapeDtypeStruct((P, 128), jnp.float32),
        scratch_types=[
            pltpu.VMEM((_SC_CH,), jnp.int32),
            pltpu.VMEM((_SC_CH, 128), jnp.float32),
            pltpu.SemaphoreType.DMA,
        ],
    )
    def k(table_hbm, idx_hbm, out_hbm, idx_v, rows_v, sem):
        wid = lax.axis_index("s") * info.num_cores + lax.axis_index("c")
        base = wid * b_per_w

        def step(j, _):
            off = base + j * _SC_CH
            pltpu.sync_copy(idx_hbm.at[pl.ds(off, _SC_CH)], idx_v)
            pltpu.async_copy(table_hbm.at[idx_v], rows_v, sem).wait()
            pltpu.sync_copy(rows_v, out_hbm.at[pl.ds(off, _SC_CH)])
            return 0

        lax.fori_loop(0, steps, step, 0)

    return k(table, idx)



def _m1_body(S, g_ref, q_ref, sum_ref, sq_ref):
    pid = pl.program_id(0)
    z = (g_ref[...][:, :64].reshape(PB // S, S, 64) - q_ref[...][:, None, :]).reshape(PB, 64)

    @pl.when(pid == 0)
    def _():
        sum_ref[...] = jnp.zeros_like(sum_ref)
        sq_ref[...] = jnp.zeros_like(sq_ref)

    sum_ref[...] += jnp.sum(z, axis=0, keepdims=True)
    sq_ref[...] += jnp.sum(z * z, axis=0, keepdims=True)


def _m1_pallas(G, Q, S):
    P = G.shape[0]
    return pl.pallas_call(
        functools.partial(_m1_body, S),
        grid=(P // PB,),
        in_specs=[
            pl.BlockSpec((PB, 128), lambda p: (p, 0)),
            pl.BlockSpec((PB // S, 64), lambda p: (p, 0)),
        ],
        out_specs=[
            pl.BlockSpec((1, 64), lambda p: (0, 0)),
            pl.BlockSpec((1, 64), lambda p: (0, 0)),
        ],
        out_shape=[jax.ShapeDtypeStruct((1, 64), jnp.float32),
                   jax.ShapeDtypeStruct((1, 64), jnp.float32)],
    )(G, Q)


def _m2_body(S, g_ref, q_ref, a_ref, c_ref, w_ref, z2_ref, sum_ref, sq_ref):
    pid = pl.program_id(0)
    z = (g_ref[...][:, :64].reshape(PB // S, S, 64) - q_ref[...][:, None, :]).reshape(PB, 64)
    h = jnp.maximum(z * a_ref[...] + c_ref[...], 0.0)
    z2 = lax.dot_general(h, w_ref[...], (((1,), (0,)), ((), ())))
    z2_ref[...] = z2

    @pl.when(pid == 0)
    def _():
        sum_ref[...] = jnp.zeros_like(sum_ref)
        sq_ref[...] = jnp.zeros_like(sq_ref)

    sum_ref[...] += jnp.sum(z2, axis=0, keepdims=True)
    sq_ref[...] += jnp.sum(z2 * z2, axis=0, keepdims=True)


def _m2_pallas(G, Q, a1, c1, W2T, S):
    P = G.shape[0]
    C2 = W2T.shape[1]
    return pl.pallas_call(
        functools.partial(_m2_body, S),
        grid=(P // PB,),
        in_specs=[
            pl.BlockSpec((PB, 128), lambda p: (p, 0)),
            pl.BlockSpec((PB // S, 64), lambda p: (p, 0)),
            pl.BlockSpec((1, 64), lambda p: (0, 0)),
            pl.BlockSpec((1, 64), lambda p: (0, 0)),
            pl.BlockSpec((64, C2), lambda p: (0, 0)),
        ],
        out_specs=[
            pl.BlockSpec((PB, C2), lambda p: (p, 0)),
            pl.BlockSpec((1, C2), lambda p: (0, 0)),
            pl.BlockSpec((1, C2), lambda p: (0, 0)),
        ],
        out_shape=[jax.ShapeDtypeStruct((P, C2), jnp.float32),
                   jax.ShapeDtypeStruct((1, C2), jnp.float32),
                   jax.ShapeDtypeStruct((1, C2), jnp.float32)],
    )(G, Q, a1, c1, W2T)


def _m3_body(zin_ref, a_ref, c_ref, w_ref, z3_ref, sum_ref, sq_ref):
    pid = pl.program_id(0)
    h = jnp.maximum(zin_ref[...] * a_ref[...] + c_ref[...], 0.0)
    z3 = lax.dot_general(h, w_ref[...], (((1,), (0,)), ((), ())))
    z3_ref[...] = z3

    @pl.when(pid == 0)
    def _():
        sum_ref[...] = jnp.zeros_like(sum_ref)
        sq_ref[...] = jnp.zeros_like(sq_ref)

    sum_ref[...] += jnp.sum(z3, axis=0, keepdims=True)
    sq_ref[...] += jnp.sum(z3 * z3, axis=0, keepdims=True)


def _m3_pallas(z2, a2, c2, W3T):
    P, C2 = z2.shape
    C3 = W3T.shape[1]
    return pl.pallas_call(
        _m3_body,
        grid=(P // PB,),
        in_specs=[
            pl.BlockSpec((PB, C2), lambda p: (p, 0)),
            pl.BlockSpec((1, C2), lambda p: (0, 0)),
            pl.BlockSpec((1, C2), lambda p: (0, 0)),
            pl.BlockSpec((C2, C3), lambda p: (0, 0)),
        ],
        out_specs=[
            pl.BlockSpec((PB, C3), lambda p: (p, 0)),
            pl.BlockSpec((1, C3), lambda p: (0, 0)),
            pl.BlockSpec((1, C3), lambda p: (0, 0)),
        ],
        out_shape=[jax.ShapeDtypeStruct((P, C3), jnp.float32),
                   jax.ShapeDtypeStruct((1, C3), jnp.float32),
                   jax.ShapeDtypeStruct((1, C3), jnp.float32)],
    )(z2, a2, c2, W3T)


def _m4_body(S, z_ref, a_ref, c_ref, out_ref):
    y = jnp.maximum(z_ref[...] * a_ref[...] + c_ref[...], 0.0)
    C3 = y.shape[1]
    out_ref[...] = jnp.max(y.reshape(PB // S, S, C3), axis=1)


def _m4_pallas(z3, a3, c3, S):
    P, C3 = z3.shape
    return pl.pallas_call(
        functools.partial(_m4_body, S),
        grid=(P // PB,),
        in_specs=[
            pl.BlockSpec((PB, C3), lambda p: (p, 0)),
            pl.BlockSpec((1, C3), lambda p: (0, 0)),
            pl.BlockSpec((1, C3), lambda p: (0, 0)),
        ],
        out_specs=pl.BlockSpec((PB // S, C3), lambda p: (p, 0)),
        out_shape=jax.ShapeDtypeStruct((P // S, C3), jnp.float32),
    )(z3, a3, c3)


def _affine(s, sq, g, b, P):
    mean = s[0] / P
    var = sq[0] / P - mean * mean
    a = g / jnp.sqrt(var + 1e-5)
    c = b - mean * a
    return a[None, :], c[None, :]



def kernel(xyz, features, W0_0, g0_0, b0_0, W0_1, g0_1, b0_1, W0_2, g0_2, b0_2,
           W1_0, g1_0, b1_0, W1_1, g1_1, b1_1, W1_2, g1_2, b1_2):
    params = [
        [(W0_0, g0_0, b0_0), (W0_1, g0_1, b0_1), (W0_2, g0_2, b0_2)],
        [(W1_0, g1_0, b1_0), (W1_1, g1_1, b1_1), (W1_2, g1_2, b1_2)],
    ]
    x = xyz[..., 0]
    y = xyz[..., 1]
    z = xyz[..., 2]
    _, new_xyz = _fps_pallas(x, y, z)
    ftT = jnp.transpose(features, (0, 2, 1))
    outs = []
    for i, (radius, S) in enumerate(zip(_RADII, _NSAMPLES)):
        W1, g1, b1 = params[i][0]
        WxT = jnp.transpose(W1[:, :3])
        WfT = jnp.transpose(W1[:, 3:])
        WxTp = jnp.concatenate([WxT, jnp.zeros((3, 64), jnp.float32)], axis=1)
        WfTp = jnp.concatenate([WfT, jnp.zeros((64, 64), jnp.float32)], axis=1)
        idx = _ballq_pallas(new_xyz, x, y, z, radius, S).reshape(-1)
        table = _t1_pallas(xyz, ftT, WxTp, WfTp)
        Q = _q_pallas(new_xyz, WxT)
        G = _sc_gather(table, idx)
        P = G.shape[0]
        s1, q1 = _m1_pallas(G, Q, S)
        a1, c1 = _affine(s1, q1, g1, b1, P)
        (W2, g2, b2), (W3, g3, b3) = params[i][1], params[i][2]
        z2, s2, q2 = _m2_pallas(G, Q, a1, c1, jnp.transpose(W2), S)
        a2, c2 = _affine(s2, q2, g2, b2, P)
        z3, s3, q3 = _m3_pallas(z2, a2, c2, jnp.transpose(W3))
        a3, c3 = _affine(s3, q3, g3, b3, P)
        o = _m4_pallas(z3, a3, c3, S)
        outs.append(jnp.transpose(o.reshape(B, M, -1), (0, 2, 1)))
    return new_xyz, jnp.concatenate(outs, axis=1)

# --- scband reference (transcript-rebuilt; emitter-appended) ---
"""Pipeline reference for scband-pointnet-samodule-msg-ssd-37503654428687 (READ-ONLY COPY).

The authoritative reference and input builder live on the scoring server;
editing this copy changes nothing except your own understanding.
"""

import jax, jax.numpy as jnp
import numpy as np
from functools import partial

NPOINT = 1024
RADII = [0.1, 0.2]
NSAMPLES = [16, 32]
MLPS = [[67, 64, 64, 128], [67, 64, 96, 128]]  # use_xyz adds +3 to the first channel


def setup_inputs(seed: int = 0):
    key = jax.random.key(seed)
    ks = jax.random.split(key, 40)
    xyz = jax.random.uniform(ks[0], (8, 4096, 3), dtype=jnp.float32)
    features = jax.random.normal(ks[1], (8, 64, 4096), dtype=jnp.float32)
    inp = {"xyz": xyz, "features": features}
    ki = 2
    for s, spec in enumerate(MLPS):
        for l in range(len(spec) - 1):
            cin, cout = spec[l], spec[l + 1]
            inp[f"W{s}_{l}"] = jax.random.normal(ks[ki], (cout, cin), dtype=jnp.float32) / np.sqrt(cin)
            inp[f"g{s}_{l}"] = jnp.ones((cout,), dtype=jnp.float32)
            inp[f"b{s}_{l}"] = jnp.zeros((cout,), dtype=jnp.float32)
            ki += 1
    return inp


@partial(jax.jit, static_argnums=1)
def fps(xyz, npoint):
    # D-FPS: furthest point sampling on xyz coordinates
    B, N, _ = xyz.shape

    def body(i, state):
        dist, idxs, far = state
        idxs = idxs.at[:, i].set(far)
        centroid = jnp.take_along_axis(xyz, far[:, None, None], axis=1)  # (B,1,3)
        d = jnp.sum((xyz - centroid) ** 2, axis=-1)  # (B,N)
        dist = jnp.minimum(dist, d)
        far = jnp.argmax(dist, axis=-1).astype(jnp.int32)
        return (dist, idxs, far)

    dist0 = jnp.full((B, N), 1e10, dtype=jnp.float32)
    idxs0 = jnp.zeros((B, npoint), dtype=jnp.int32)
    far0 = jnp.zeros((B,), dtype=jnp.int32)
    _, idxs, _ = jax.lax.fori_loop(0, npoint, body, (dist0, idxs0, far0))
    return idxs


def ball_query(radius, nsample, xyz, new_xyz):
    # returns indices (B, M, nsample) of first nsample points within radius (padded with first hit)
    N = xyz.shape[1]
    sq = (jnp.sum(new_xyz ** 2, -1)[:, :, None]
          + jnp.sum(xyz ** 2, -1)[:, None, :]
          - 2.0 * jnp.einsum('bmd,bnd->bmn', new_xyz, xyz))
    valid = sq < radius * radius
    keyv = jnp.where(valid, jnp.arange(N, dtype=jnp.int32)[None, None, :], N)
    sidx = jnp.sort(keyv, axis=-1)[:, :, :nsample]
    first = sidx[:, :, :1]
    idx = jnp.where(sidx >= N, jnp.broadcast_to(first, sidx.shape), sidx)
    return jnp.clip(idx, 0, N - 1)


def batched_gather(arr, idx):
    return jax.vmap(lambda a, i: a[i])(arr, idx)


def mlp_bn_relu(x, params):
    # x: (B, C, M, S); 1x1 Conv2d + BatchNorm2d (batch stats, training mode) + ReLU
    for (W, g, b) in params:
        x = jnp.einsum('oc,bcms->boms', W, x)
        mean = jnp.mean(x, axis=(0, 2, 3), keepdims=True)
        var = jnp.var(x, axis=(0, 2, 3), keepdims=True)
        x = (x - mean) / jnp.sqrt(var + 1e-5)
        x = x * g[None, :, None, None] + b[None, :, None, None]
        x = jax.nn.relu(x)
    return x


def reference(xyz, features, W0_0, g0_0, b0_0, W0_1, g0_1, b0_1, W0_2, g0_2, b0_2,
              W1_0, g1_0, b1_0, W1_1, g1_1, b1_1, W1_2, g1_2, b1_2):
    params = [
        [(W0_0, g0_0, b0_0), (W0_1, g0_1, b0_1), (W0_2, g0_2, b0_2)],
        [(W1_0, g1_0, b1_0), (W1_1, g1_1, b1_1), (W1_2, g1_2, b1_2)],
    ]
    fps_idx = fps(xyz, NPOINT)
    new_xyz = batched_gather(xyz, fps_idx)  # (B, M, 3) gather_operation
    ft = jnp.transpose(features, (0, 2, 1))  # (B, N, C)
    outs = []
    for i in range(len(RADII)):
        idx = ball_query(RADII[i], NSAMPLES[i], xyz, new_xyz)  # (B, M, S)
        g_xyz = batched_gather(xyz, idx) - new_xyz[:, :, None, :]  # centered grouped xyz
        g_feat = batched_gather(ft, idx)
        grouped = jnp.concatenate([g_xyz, g_feat], axis=-1)  # (B, M, S, 3+C)
        x = jnp.transpose(grouped, (0, 3, 1, 2))  # (B, 3+C, M, S)
        x = mlp_bn_relu(x, params[i])
        x = jnp.max(x, axis=-1)  # max_pool over nsample
        outs.append(x)
    return new_xyz, jnp.concatenate(outs, axis=1)  # (B,1024,3), (B,256,1024)

if __name__ == "__main__":
    import jax
    _d = setup_inputs()
    print(jax.jit(kernel)(*tuple(_d.values())))

</pallas_src>

<mosaic_0001>
#map = affine_map<(d0, d1) -> (0, 0)>
#map1 = affine_map<(d0, d1) -> (0)>
module attributes {stable_mosaic.version = 14 : i64} {
  func.func @k(%arg0: i32, %arg1: i32, %arg2: memref<32768x128xf32, #tpu.memory_space<hbm>>, %arg3: memref<131072xi32, #tpu.memory_space<hbm>>, %arg4: memref<131072x128xf32, #tpu.memory_space<hbm>>, %arg5: memref<128xi32, #tpu.memory_space<vmem>>, %arg6: memref<128x128xf32, #tpu.memory_space<vmem>>, %arg7: memref<!tpu.dma_semaphore, #tpu.memory_space<semaphore_mem>>) attributes {dimension_semantics = [#tpu.dimension_semantics<core_parallel>, #tpu.dimension_semantics<subcore_parallel>], iteration_bounds = array<i64: 2, 16>, scalar_prefetch = 0 : i64, scratch_operands = 3 : i64, tpu.core_type = #tpu.core_type<sc_vector_subcore>, window_params = [{transform_indices = #map}, {transform_indices = #map1}, {transform_indices = #map}]} {
    %mul3A = arith.constant 2 : i32
    %mul3A_0 = arith.muli %arg1, %mul3A : i32
    %add3A = arith.addi %mul3A_0, %arg0 : i32
    %mul3A_1 = arith.constant 4096 : i32
    %mul3A_2 = arith.muli %add3A, %mul3A_1 : i32
    %scan3A = arith.constant 0 : i32
    %scan3A_3 = arith.constant 0 : i32
    %scan3A_4 = arith.constant 32 : i32
    %scan3A_5 = arith.addi %scan3A_3, %scan3A_4 : i32
    %scan3A_6 = arith.constant 1 : i32
    %scan3A_7 = scf.for %scan3A_9 = %scan3A_3 to %scan3A_5 step %scan3A_6 iter_args(%scan3A_10 = %scan3A) -> (i32)  : i32 {
      %mul3A_11 = arith.constant 128 : i32
      %mul3A_12 = arith.muli %scan3A_9, %mul3A_11 : i32
      %add3A_13 = arith.addi %mul3A_2, %mul3A_12 : i32
      "tpu.region"() ({
        %run_scoped3A = tpu.sem_alloc : memref<!tpu.dma_semaphore, #tpu.memory_space<semaphore_mem>>
        %dma_start3A_19 = tpu.memref_slice %arg3[%add3A_13] : memref<131072xi32, #tpu.memory_space<hbm>> -> memref<128xi32, #tpu.memory_space<hbm>>
        %dma_start3A_20 = tpu.memref_slice %arg3[%add3A_13] : memref<131072xi32, #tpu.memory_space<hbm>> -> memref<128xi32, #tpu.memory_space<hbm>>
        tpu.enqueue_dma source(%dma_start3A_20 : memref<128xi32, #tpu.memory_space<hbm>>) target(%arg5 : memref<128xi32, #tpu.memory_space<vmem>>) target_semaphore(%run_scoped3A : memref<!tpu.dma_semaphore, #tpu.memory_space<semaphore_mem>>)
        %dma_wait3A_21 = tpu.memref_slice %arg3[%add3A_13] : memref<131072xi32, #tpu.memory_space<hbm>> -> memref<128xi32, #tpu.memory_space<hbm>>
        %dma_wait3A_22 = tpu.memref_slice %arg3[%add3A_13] : memref<131072xi32, #tpu.memory_space<hbm>> -> memref<128xi32, #tpu.memory_space<hbm>>
        tpu.wait_dma2 semaphore(%run_scoped3A : memref<!tpu.dma_semaphore, #tpu.memory_space<semaphore_mem>>) src(%dma_wait3A_22 : memref<128xi32, #tpu.memory_space<hbm>>) dst(%arg5 : memref<128xi32, #tpu.memory_space<vmem>>)
        tpu.yield
      }) : () -> ()
      %dma_start3A = arith.constant 0 : i32
      %dma_start3A_14 = arith.constant 0 : i32
      %dma_start3A_15 = tpu.memref_slice %arg2[%dma_start3A, %dma_start3A_14] : memref<32768x128xf32, #tpu.memory_space<hbm>> -> memref<32768x128xf32, #tpu.memory_space<hbm>>
      tpu.enqueue_indirect_dma source(%dma_start3A_15 : memref<32768x128xf32, #tpu.memory_space<hbm>>) target(%arg6 : memref<128x128xf32, #tpu.memory_space<vmem>>) offsets(%arg5 : memref<128xi32, #tpu.memory_space<vmem>>) semaphore(%arg7 : memref<!tpu.dma_semaphore, #tpu.memory_space<semaphore_mem>>)
      %dma_wait3A = arith.constant 0 : i32
      %dma_wait3A_16 = arith.constant 0 : i32
      %dma_wait3A_17 = tpu.memref_slice %arg2[%dma_wait3A, %dma_wait3A_16] : memref<32768x128xf32, #tpu.memory_space<hbm>> -> memref<32768x128xf32, #tpu.memory_space<hbm>>
      tpu.wait_indirect_dma semaphore(%arg7 : memref<!tpu.dma_semaphore, #tpu.memory_space<semaphore_mem>>) src(%dma_wait3A_17 : memref<32768x128xf32, #tpu.memory_space<hbm>>) dst(%arg6 : memref<128x128xf32, #tpu.memory_space<vmem>>)
      "tpu.region"() ({
        %run_scoped3A = tpu.sem_alloc : memref<!tpu.dma_semaphore, #tpu.memory_space<semaphore_mem>>
        %dma_start3A_19 = arith.constant 0 : i32
        %dma_start3A_20 = tpu.memref_slice %arg4[%add3A_13, %dma_start3A_19] : memref<131072x128xf32, #tpu.memory_space<hbm>> -> memref<128x128xf32, #tpu.memory_space<hbm>>
        %dma_start3A_21 = arith.constant 0 : i32
        %dma_start3A_22 = tpu.memref_slice %arg4[%add3A_13, %dma_start3A_21] : memref<131072x128xf32, #tpu.memory_space<hbm>> -> memref<128x128xf32, #tpu.memory_space<hbm>>
        tpu.enqueue_dma source(%arg6 : memref<128x128xf32, #tpu.memory_space<vmem>>) target(%dma_start3A_22 : memref<128x128xf32, #tpu.memory_space<hbm>>) target_semaphore(%run_scoped3A : memref<!tpu.dma_semaphore, #tpu.memory_space<semaphore_mem>>)
        %dma_wait3A_23 = arith.constant 0 : i32
        %dma_wait3A_24 = tpu.memref_slice %arg4[%add3A_13, %dma_wait3A_23] : memref<131072x128xf32, #tpu.memory_space<hbm>> -> memref<128x128xf32, #tpu.memory_space<hbm>>
        %dma_wait3A_25 = arith.constant 0 : i32
        %dma_wait3A_26 = tpu.memref_slice %arg4[%add3A_13, %dma_wait3A_25] : memref<131072x128xf32, #tpu.memory_space<hbm>> -> memref<128x128xf32, #tpu.memory_space<hbm>>
        tpu.wait_dma2 semaphore(%run_scoped3A : memref<!tpu.dma_semaphore, #tpu.memory_space<semaphore_mem>>) src(%arg6 : memref<128x128xf32, #tpu.memory_space<vmem>>) dst(%dma_wait3A_26 : memref<128x128xf32, #tpu.memory_space<hbm>>)
        tpu.yield
      }) : () -> ()
      %scan3A_18 = arith.constant 0 : i32
      scf.yield %scan3A_18 : i32
    }
    %scan3A_8 = arith.constant 32 : i32
    return
  }
}

#map = affine_map<(d0, d1) -> (0, 0)>
#map1 = affine_map<(d0, d1) -> (0)>
module attributes {stable_mosaic.version = 14 : i64} {
  func.func @k(%arg0: i32, %arg1: i32, %arg2: memref<32768x128xf32, #tpu.memory_space<hbm>>, %arg3: memref<262144xi32, #tpu.memory_space<hbm>>, %arg4: memref<262144x128xf32, #tpu.memory_space<hbm>>, %arg5: memref<128xi32, #tpu.memory_space<vmem>>, %arg6: memref<128x128xf32, #tpu.memory_space<vmem>>, %arg7: memref<!tpu.dma_semaphore, #tpu.memory_space<semaphore_mem>>) attributes {dimension_semantics = [#tpu.dimension_semantics<core_parallel>, #tpu.dimension_semantics<subcore_parallel>], iteration_bounds = array<i64: 2, 16>, scalar_prefetch = 0 : i64, scratch_operands = 3 : i64, tpu.core_type = #tpu.core_type<sc_vector_subcore>, window_params = [{transform_indices = #map}, {transform_indices = #map1}, {transform_indices = #map}]} {
    %mul3A = arith.constant 2 : i32
    %mul3A_0 = arith.muli %arg1, %mul3A : i32
    %add3A = arith.addi %mul3A_0, %arg0 : i32
    %mul3A_1 = arith.constant 8192 : i32
    %mul3A_2 = arith.muli %add3A, %mul3A_1 : i32
    %scan3A = arith.constant 0 : i32
    %scan3A_3 = arith.constant 0 : i32
    %scan3A_4 = arith.constant 64 : i32
    %scan3A_5 = arith.addi %scan3A_3, %scan3A_4 : i32
    %scan3A_6 = arith.constant 1 : i32
    %scan3A_7 = scf.for %scan3A_9 = %scan3A_3 to %scan3A_5 step %scan3A_6 iter_args(%scan3A_10 = %scan3A) -> (i32)  : i32 {
      %mul3A_11 = arith.constant 128 : i32
      %mul3A_12 = arith.muli %scan3A_9, %mul3A_11 : i32
      %add3A_13 = arith.addi %mul3A_2, %mul3A_12 : i32
      "tpu.region"() ({
        %run_scoped3A = tpu.sem_alloc : memref<!tpu.dma_semaphore, #tpu.memory_space<semaphore_mem>>
        %dma_start3A_19 = tpu.memref_slice %arg3[%add3A_13] : memref<262144xi32, #tpu.memory_space<hbm>> -> memref<128xi32, #tpu.memory_space<hbm>>
        %dma_start3A_20 = tpu.memref_slice %arg3[%add3A_13] : memref<262144xi32, #tpu.memory_space<hbm>> -> memref<128xi32, #tpu.memory_space<hbm>>
        tpu.enqueue_dma source(%dma_start3A_20 : memref<128xi32, #tpu.memory_space<hbm>>) target(%arg5 : memref<128xi32, #tpu.memory_space<vmem>>) target_semaphore(%run_scoped3A : memref<!tpu.dma_semaphore, #tpu.memory_space<semaphore_mem>>)
        %dma_wait3A_21 = tpu.memref_slice %arg3[%add3A_13] : memref<262144xi32, #tpu.memory_space<hbm>> -> memref<128xi32, #tpu.memory_space<hbm>>
        %dma_wait3A_22 = tpu.memref_slice %arg3[%add3A_13] : memref<262144xi32, #tpu.memory_space<hbm>> -> memref<128xi32, #tpu.memory_space<hbm>>
        tpu.wait_dma2 semaphore(%run_scoped3A : memref<!tpu.dma_semaphore, #tpu.memory_space<semaphore_mem>>) src(%dma_wait3A_22 : memref<128xi32, #tpu.memory_space<hbm>>) dst(%arg5 : memref<128xi32, #tpu.memory_space<vmem>>)
        tpu.yield
      }) : () -> ()
      %dma_start3A = arith.constant 0 : i32
      %dma_start3A_14 = arith.constant 0 : i32
      %dma_start3A_15 = tpu.memref_slice %arg2[%dma_start3A, %dma_start3A_14] : memref<32768x128xf32, #tpu.memory_space<hbm>> -> memref<32768x128xf32, #tpu.memory_space<hbm>>
      tpu.enqueue_indirect_dma source(%dma_start3A_15 : memref<32768x128xf32, #tpu.memory_space<hbm>>) target(%arg6 : memref<128x128xf32, #tpu.memory_space<vmem>>) offsets(%arg5 : memref<128xi32, #tpu.memory_space<vmem>>) semaphore(%arg7 : memref<!tpu.dma_semaphore, #tpu.memory_space<semaphore_mem>>)
      %dma_wait3A = arith.constant 0 : i32
      %dma_wait3A_16 = arith.constant 0 : i32
      %dma_wait3A_17 = tpu.memref_slice %arg2[%dma_wait3A, %dma_wait3A_16] : memref<32768x128xf32, #tpu.memory_space<hbm>> -> memref<32768x128xf32, #tpu.memory_space<hbm>>
      tpu.wait_indirect_dma semaphore(%arg7 : memref<!tpu.dma_semaphore, #tpu.memory_space<semaphore_mem>>) src(%dma_wait3A_17 : memref<32768x128xf32, #tpu.memory_space<hbm>>) dst(%arg6 : memref<128x128xf32, #tpu.memory_space<vmem>>)
      "tpu.region"() ({
        %run_scoped3A = tpu.sem_alloc : memref<!tpu.dma_semaphore, #tpu.memory_space<semaphore_mem>>
        %dma_start3A_19 = arith.constant 0 : i32
        %dma_start3A_20 = tpu.memref_slice %arg4[%add3A_13, %dma_start3A_19] : memref<262144x128xf32, #tpu.memory_space<hbm>> -> memref<128x128xf32, #tpu.memory_space<hbm>>
        %dma_start3A_21 = arith.constant 0 : i32
        %dma_start3A_22 = tpu.memref_slice %arg4[%add3A_13, %dma_start3A_21] : memref<262144x128xf32, #tpu.memory_space<hbm>> -> memref<128x128xf32, #tpu.memory_space<hbm>>
        tpu.enqueue_dma source(%arg6 : memref<128x128xf32, #tpu.memory_space<vmem>>) target(%dma_start3A_22 : memref<128x128xf32, #tpu.memory_space<hbm>>) target_semaphore(%run_scoped3A : memref<!tpu.dma_semaphore, #tpu.memory_space<semaphore_mem>>)
        %dma_wait3A_23 = arith.constant 0 : i32
        %dma_wait3A_24 = tpu.memref_slice %arg4[%add3A_13, %dma_wait3A_23] : memref<262144x128xf32, #tpu.memory_space<hbm>> -> memref<128x128xf32, #tpu.memory_space<hbm>>
        %dma_wait3A_25 = arith.constant 0 : i32
        %dma_wait3A_26 = tpu.memref_slice %arg4[%add3A_13, %dma_wait3A_25] : memref<262144x128xf32, #tpu.memory_space<hbm>> -> memref<128x128xf32, #tpu.memory_space<hbm>>
        tpu.wait_dma2 semaphore(%run_scoped3A : memref<!tpu.dma_semaphore, #tpu.memory_space<semaphore_mem>>) src(%arg6 : memref<128x128xf32, #tpu.memory_space<vmem>>) dst(%dma_wait3A_26 : memref<128x128xf32, #tpu.memory_space<hbm>>)
        tpu.yield
      }) : () -> ()
      %scan3A_18 = arith.constant 0 : i32
      scf.yield %scan3A_18 : i32
    }
    %scan3A_8 = arith.constant 64 : i32
    return
  }
}

module attributes {stable_mosaic.version = 14 : i64} {
  func.func @_fps_body(%arg0: memref<8x4096xf32, #tpu.memory_space<vmem>>, %arg1: memref<8x4096xf32, #tpu.memory_space<vmem>>, %arg2: memref<8x4096xf32, #tpu.memory_space<vmem>>, %arg3: memref<8x1024xi32, #tpu.memory_space<vmem>>, %arg4: memref<8x1024xf32, #tpu.memory_space<vmem>>, %arg5: memref<8x1024xf32, #tpu.memory_space<vmem>>, %arg6: memref<8x1024xf32, #tpu.memory_space<vmem>>) attributes {dimension_semantics = [], scalar_prefetch = 0 : i64, scratch_operands = 0 : i64, tpu.core_type = #tpu.core_type<tc>} {
    %get3A = arith.constant 0 : index
    %get3A_0 = arith.constant 0 : index
    %get3A_1 = vector.load %arg0[%get3A, %get3A_0] : memref<8x4096xf32, #tpu.memory_space<vmem>>, vector<8x4096xf32>
    %get3A_2 = arith.constant 0 : index
    %get3A_3 = arith.constant 0 : index
    %get3A_4 = vector.load %arg1[%get3A_2, %get3A_3] : memref<8x4096xf32, #tpu.memory_space<vmem>>, vector<8x4096xf32>
    %get3A_5 = arith.constant 0 : index
    %get3A_6 = arith.constant 0 : index
    %get3A_7 = vector.load %arg2[%get3A_5, %get3A_6] : memref<8x4096xf32, #tpu.memory_space<vmem>>, vector<8x4096xf32>
    %iota3A = tpu.iota {dimensions = array<i32: 1>} : vector<8x4096xi32>
    %iota3A_8 = tpu.iota {dimensions = array<i32: 1>} : vector<8x1024xi32>
    %broadcast_in_dim3A = arith.constant 0 : i32
    %broadcast_in_dim3A_9 = vector.broadcast %broadcast_in_dim3A : i32 to vector<8x1024xi32>
    %swap3A = arith.constant 0 : index
    %swap3A_10 = arith.constant 0 : index
    %swap3A_11 = vector.load %arg3[%swap3A, %swap3A_10] : memref<8x1024xi32, #tpu.memory_space<vmem>>, vector<8x1024xi32>
    tpu.vector_store %arg3[%swap3A, %swap3A_10], %broadcast_in_dim3A_9 {strides = array<i32>} : memref<8x1024xi32, #tpu.memory_space<vmem>>, vector<8x1024xi32>,
    %broadcast_in_dim3A_12 = arith.constant 0.000000e+00 : f32
    %broadcast_in_dim3A_13 = vector.broadcast %broadcast_in_dim3A_12 : f32 to vector<8x1024xf32>
    %swap3A_14 = arith.constant 0 : index
    %swap3A_15 = arith.constant 0 : index
    %swap3A_16 = vector.load %arg4[%swap3A_14, %swap3A_15] : memref<8x1024xf32, #tpu.memory_space<vmem>>, vector<8x1024xf32>
    tpu.vector_store %arg4[%swap3A_14, %swap3A_15], %broadcast_in_dim3A_13 {strides = array<i32>} : memref<8x1024xf32, #tpu.memory_space<vmem>>, vector<8x1024xf32>,
    %broadcast_in_dim3A_17 = arith.constant 0.000000e+00 : f32
    %broadcast_in_dim3A_18 = vector.broadcast %broadcast_in_dim3A_17 : f32 to vector<8x1024xf32>
    %swap3A_19 = arith.constant 0 : index
    %swap3A_20 = arith.constant 0 : index
    %swap3A_21 = vector.load %arg5[%swap3A_19, %swap3A_20] : memref<8x1024xf32, #tpu.memory_space<vmem>>, vector<8x1024xf32>
    tpu.vector_store %arg5[%swap3A_19, %swap3A_20], %broadcast_in_dim3A_18 {strides = array<i32>} : memref<8x1024xf32, #tpu.memory_space<vmem>>, vector<8x1024xf32>,
    %broadcast_in_dim3A_22 = arith.constant 0.000000e+00 : f32
    %broadcast_in_dim3A_23 = vector.broadcast %broadcast_in_dim3A_22 : f32 to vector<8x1024xf32>
    %swap3A_24 = arith.constant 0 : index
    %swap3A_25 = arith.constant 0 : index
    %swap3A_26 = vector.load %arg6[%swap3A_24, %swap3A_25] : memref<8x1024xf32, #tpu.memory_space<vmem>>, vector<8x1024xf32>
    tpu.vector_store %arg6[%swap3A_24, %swap3A_25], %broadcast_in_dim3A_23 {strides = array<i32>} : memref<8x1024xf32, #tpu.memory_space<vmem>>, vector<8x1024xf32>,
    %broadcast_in_dim3A_27 = arith.constant 1.000000e+10 : f32
    %broadcast_in_dim3A_28 = vector.broadcast %broadcast_in_dim3A_27 : f32 to vector<8x4096xf32>
    %broadcast_in_dim3A_29 = arith.constant 0 : i32
    %broadcast_in_dim3A_30 = vector.broadcast %broadcast_in_dim3A_29 : i32 to vector<8x1xi32>
    %scan3A = arith.constant 0 : i32
    %scan3A_31 = arith.constant 1024 : i32
    %scan3A_32 = arith.addi %scan3A, %scan3A_31 : i32
    %scan3A_33 = arith.constant 1 : i32
    %scan3A_34:2 = scf.for %scan3A_36 = %scan3A to %scan3A_32 step %scan3A_33 iter_args(%scan3A_37 = %broadcast_in_dim3A_28, %scan3A_38 = %broadcast_in_dim3A_30) -> (vector<8x4096xf32>, vector<8x1xi32>)  : i32 {
      %eq3A = vector.broadcast %scan3A_38 : vector<8x1xi32> to vector<8x4096xi32>
      %eq3A_39 = arith.cmpi eq, %iota3A, %eq3A : vector<8x4096xi32>
      %jit3A = arith.constant 0.000000e+00 : f32
      %broadcast_in_dim3A_40 = vector.broadcast %jit3A : f32 to vector<8x4096xf32>
      %select_n3A = arith.select %eq3A_39, %get3A_1, %broadcast_in_dim3A_40 : vector<8x4096xi1>, vector<8x4096xf32>
      %reduce_sum3A = arith.constant dense<0.000000e+00> : vector<8xf32>
      %reduce_sum3A_41 = vector.multi_reduction <add>, %select_n3A, %reduce_sum3A [1] : vector<8x4096xf32> to vector<8xf32>
      %broadcast_in_dim3A_42 = vector.shape_cast %reduce_sum3A_41 : vector<8xf32> to vector<8x1xf32>
      %jit3A_43 = arith.constant 0.000000e+00 : f32
      %broadcast_in_dim3A_44 = vector.broadcast %jit3A_43 : f32 to vector<8x4096xf32>
      %select_n3A_45 = arith.select %eq3A_39, %get3A_4, %broadcast_in_dim3A_44 : vector<8x4096xi1>, vector<8x4096xf32>
      %reduce_sum3A_46 = arith.constant dense<0.000000e+00> : vector<8xf32>
      %reduce_sum3A_47 = vector.multi_reduction <add>, %select_n3A_45, %reduce_sum3A_46 [1] : vector<8x4096xf32> to vector<8xf32>
      %broadcast_in_dim3A_48 = vector.shape_cast %reduce_sum3A_47 : vector<8xf32> to vector<8x1xf32>
      %jit3A_49 = arith.constant 0.000000e+00 : f32
      %broadcast_in_dim3A_50 = vector.broadcast %jit3A_49 : f32 to vector<8x4096xf32>
      %select_n3A_51 = arith.select %eq3A_39, %get3A_7, %broadcast_in_dim3A_50 : vector<8x4096xi1>, vector<8x4096xf32>
      %reduce_sum3A_52 = arith.constant dense<0.000000e+00> : vector<8xf32>
      %reduce_sum3A_53 = vector.multi_reduction <add>, %select_n3A_51, %reduce_sum3A_52 [1] : vector<8x4096xf32> to vector<8xf32>
      %broadcast_in_dim3A_54 = vector.shape_cast %reduce_sum3A_53 : vector<8xf32> to vector<8x1xf32>
      %eq3A_55 = vector.broadcast %scan3A_36 : i32 to vector<8x1024xi32>
      %eq3A_56 = arith.cmpi eq, %iota3A_8, %eq3A_55 : vector<8x1024xi32>
      %get3A_57 = arith.constant 0 : index
      %get3A_58 = arith.constant 0 : index
      %get3A_59 = vector.load %arg3[%get3A_57, %get3A_58] : memref<8x1024xi32, #tpu.memory_space<vmem>>, vector<8x1024xi32>
      %broadcast_in_dim3A_60 = vector.shape_cast %scan3A_38 : vector<8x1xi32> to vector<8x1xi32>
      %broadcast_in_dim3A_61 = vector.broadcast %broadcast_in_dim3A_60 : vector<8x1xi32> to vector<8x1024xi32>
      %select_n3A_62 = arith.select %eq3A_56, %broadcast_in_dim3A_61, %get3A_59 : vector<8x1024xi1>, vector<8x1024xi32>
      %swap3A_63 = arith.constant 0 : index
      %swap3A_64 = arith.constant 0 : index
      %swap3A_65 = vector.load %arg3[%swap3A_63, %swap3A_64] : memref<8x1024xi32, #tpu.memory_space<vmem>>, vector<8x1024xi32>
      tpu.vector_store %arg3[%swap3A_63, %swap3A_64], %select_n3A_62 {strides = array<i32>} : memref<8x1024xi32, #tpu.memory_space<vmem>>, vector<8x1024xi32>,
      %get3A_66 = arith.constant 0 : index
      %get3A_67 = arith.constant 0 : index
      %get3A_68 = vector.load %arg4[%get3A_66, %get3A_67] : memref<8x1024xf32, #tpu.memory_space<vmem>>, vector<8x1024xf32>
      %broadcast_in_dim3A_69 = vector.shape_cast %broadcast_in_dim3A_42 : vector<8x1xf32> to vector<8x1xf32>
      %broadcast_in_dim3A_70 = vector.broadcast %broadcast_in_dim3A_69 : vector<8x1xf32> to vector<8x1024xf32>
      %select_n3A_71 = arith.select %eq3A_56, %broadcast_in_dim3A_70, %get3A_68 : vector<8x1024xi1>, vector<8x1024xf32>
      %swap3A_72 = arith.constant 0 : index
      %swap3A_73 = arith.constant 0 : index
      %swap3A_74 = vector.load %arg4[%swap3A_72, %swap3A_73] : memref<8x1024xf32, #tpu.memory_space<vmem>>, vector<8x1024xf32>
      tpu.vector_store %arg4[%swap3A_72, %swap3A_73], %select_n3A_71 {strides = array<i32>} : memref<8x1024xf32, #tpu.memory_space<vmem>>, vector<8x1024xf32>,
      %get3A_75 = arith.constant 0 : index
      %get3A_76 = arith.constant 0 : index
      %get3A_77 = vector.load %arg5[%get3A_75, %get3A_76] : memref<8x1024xf32, #tpu.memory_space<vmem>>, vector<8x1024xf32>
      %broadcast_in_dim3A_78 = vector.shape_cast %broadcast_in_dim3A_48 : vector<8x1xf32> to vector<8x1xf32>
      %broadcast_in_dim3A_79 = vector.broadcast %broadcast_in_dim3A_78 : vector<8x1xf32> to vector<8x1024xf32>
      %select_n3A_80 = arith.select %eq3A_56, %broadcast_in_dim3A_79, %get3A_77 : vector<8x1024xi1>, vector<8x1024xf32>
      %swap3A_81 = arith.constant 0 : index
      %swap3A_82 = arith.constant 0 : index
      %swap3A_83 = vector.load %arg5[%swap3A_81, %swap3A_82] : memref<8x1024xf32, #tpu.memory_space<vmem>>, vector<8x1024xf32>
      tpu.vector_store %arg5[%swap3A_81, %swap3A_82], %select_n3A_80 {strides = array<i32>} : memref<8x1024xf32, #tpu.memory_space<vmem>>, vector<8x1024xf32>,
      %get3A_84 = arith.constant 0 : index
      %get3A_85 = arith.constant 0 : index
      %get3A_86 = vector.load %arg6[%get3A_84, %get3A_85] : memref<8x1024xf32, #tpu.memory_space<vmem>>, vector<8x1024xf32>
      %broadcast_in_dim3A_87 = vector.shape_cast %broadcast_in_dim3A_54 : vector<8x1xf32> to vector<8x1xf32>
      %broadcast_in_dim3A_88 = vector.broadcast %broadcast_in_dim3A_87 : vector<8x1xf32> to vector<8x1024xf32>
      %select_n3A_89 = arith.select %eq3A_56, %broadcast_in_dim3A_88, %get3A_86 : vector<8x1024xi1>, vector<8x1024xf32>
      %swap3A_90 = arith.constant 0 : index
      %swap3A_91 = arith.constant 0 : index
      %swap3A_92 = vector.load %arg6[%swap3A_90, %swap3A_91] : memref<8x1024xf32, #tpu.memory_space<vmem>>, vector<8x1024xf32>
      tpu.vector_store %arg6[%swap3A_90, %swap3A_91], %select_n3A_89 {strides = array<i32>} : memref<8x1024xf32, #tpu.memory_space<vmem>>, vector<8x1024xf32>,
      %sub3A = vector.broadcast %broadcast_in_dim3A_42 : vector<8x1xf32> to vector<8x4096xf32>
      %sub3A_93 = arith.subf %get3A_1, %sub3A : vector<8x4096xf32>
      %sub3A_94 = vector.broadcast %broadcast_in_dim3A_48 : vector<8x1xf32> to vector<8x4096xf32>
      %sub3A_95 = arith.subf %get3A_4, %sub3A_94 : vector<8x4096xf32>
      %sub3A_96 = vector.broadcast %broadcast_in_dim3A_54 : vector<8x1xf32> to vector<8x4096xf32>
      %sub3A_97 = arith.subf %get3A_7, %sub3A_96 : vector<8x4096xf32>
      %mul3A = arith.mulf %sub3A_93, %sub3A_93 : vector<8x4096xf32>
      %mul3A_98 = arith.mulf %sub3A_95, %sub3A_95 : vector<8x4096xf32>
      %add3A = arith.addf %mul3A, %mul3A_98 : vector<8x4096xf32>
      %mul3A_99 = arith.mulf %sub3A_97, %sub3A_97 : vector<8x4096xf32>
      %add3A_100 = arith.addf %add3A, %mul3A_99 : vector<8x4096xf32>
      %min3A = arith.minimumf %scan3A_37, %add3A_100 : vector<8x4096xf32>
      %reduce_max3A = arith.constant dense<0xFF800000> : vector<8xf32>
      %reduce_max3A_101 = vector.multi_reduction <maximumf>, %min3A, %reduce_max3A [1] : vector<8x4096xf32> to vector<8xf32>
      %broadcast_in_dim3A_102 = vector.shape_cast %reduce_max3A_101 : vector<8xf32> to vector<8x1xf32>
      %eq3A_103 = vector.broadcast %broadcast_in_dim3A_102 : vector<8x1xf32> to vector<8x4096xf32>
      %eq3A_104 = arith.cmpf oeq, %min3A, %eq3A_103 : vector<8x4096xf32>
      %jit3A_105 = arith.constant 4096 : i32
      %broadcast_in_dim3A_106 = vector.broadcast %jit3A_105 : i32 to vector<8x4096xi32>
      %select_n3A_107 = arith.select %eq3A_104, %iota3A, %broadcast_in_dim3A_106 : vector<8x4096xi1>, vector<8x4096xi32>
      %reduce_min3A = arith.constant dense<2147483647> : vector<8xi32>
      %reduce_min3A_108 = vector.multi_reduction <minsi>, %select_n3A_107, %reduce_min3A [1] : vector<8x4096xi32> to vector<8xi32>
      %broadcast_in_dim3A_109 = vector.shape_cast %reduce_min3A_108 : vector<8xi32> to vector<8x1xi32>
      scf.yield %min3A, %broadcast_in_dim3A_109 : vector<8x4096xf32>, vector<8x1xi32>
    }
    %scan3A_35 = arith.constant 1024 : i32
    return
  }
}

module attributes {stable_mosaic.version = 14 : i64} {
  func.func @_ballq_body(%arg0: i32, %arg1: i32, %arg2: memref<1x128x3xf32, #tpu.memory_space<vmem>>, %arg3: memref<1x1x4096xf32, #tpu.memory_space<vmem>>, %arg4: memref<1x1x4096xf32, #tpu.memory_space<vmem>>, %arg5: memref<1x1x4096xf32, #tpu.memory_space<vmem>>, %arg6: memref<1x128x16xi32, #tpu.memory_space<vmem>>) attributes {dimension_semantics = [#tpu.dimension_semantics<arbitrary>, #tpu.dimension_semantics<arbitrary>], iteration_bounds = array<i64: 8, 8>, scalar_prefetch = 0 : i64, scratch_operands = 0 : i64, tpu.core_type = #tpu.core_type<tc>, window_params = [{transform_indices = @transform_0, window_bounds = array<i64: 1, 128, 3>}, {transform_indices = @transform_1, window_bounds = array<i64: 1, 1, 4096>}, {transform_indices = @transform_2, window_bounds = array<i64: 1, 1, 4096>}, {transform_indices = @transform_3, window_bounds = array<i64: 1, 1, 4096>}, {transform_indices = @transform_4, window_bounds = array<i64: 1, 128, 16>}]} {
    %get3A = arith.constant 0 : index
    %get3A_0 = arith.constant 0 : index
    %get3A_1 = arith.constant 0 : index
    %get3A_2 = vector.load %arg2[%get3A, %get3A_0, %get3A_1] : memref<1x128x3xf32, #tpu.memory_space<vmem>>, vector<1x128x3xf32>
    %get3A_3 = vector.shape_cast %get3A_2 : vector<1x128x3xf32> to vector<128x3xf32>
    %get3A_4 = arith.constant 0 : index
    %get3A_5 = arith.constant 0 : index
    %get3A_6 = arith.constant 0 : index
    %get3A_7 = vector.load %arg3[%get3A_4, %get3A_5, %get3A_6] : memref<1x1x4096xf32, #tpu.memory_space<vmem>>, vector<1x1x4096xf32>
    %get3A_8 = vector.shape_cast %get3A_7 : vector<1x1x4096xf32> to vector<1x4096xf32>
    %get3A_9 = arith.constant 0 : index
    %get3A_10 = arith.constant 0 : index
    %get3A_11 = arith.constant 0 : index
    %get3A_12 = vector.load %arg4[%get3A_9, %get3A_10, %get3A_11] : memref<1x1x4096xf32, #tpu.memory_space<vmem>>, vector<1x1x4096xf32>
    %get3A_13 = vector.shape_cast %get3A_12 : vector<1x1x4096xf32> to vector<1x4096xf32>
    %get3A_14 = arith.constant 0 : index
    %get3A_15 = arith.constant 0 : index
    %get3A_16 = arith.constant 0 : index
    %get3A_17 = vector.load %arg5[%get3A_14, %get3A_15, %get3A_16] : memref<1x1x4096xf32, #tpu.memory_space<vmem>>, vector<1x1x4096xf32>
    %get3A_18 = vector.shape_cast %get3A_17 : vector<1x1x4096xf32> to vector<1x4096xf32>
    %mul3A = arith.mulf %get3A_3, %get3A_3 : vector<128x3xf32>
    %slice3A = vector.extract_strided_slice %mul3A {offsets = [0, 0], sizes = [128, 1], strides = [1, 1]} : vector<128x3xf32> to vector<128x1xf32>
    %slice3A_19 = vector.extract_strided_slice %mul3A {offsets = [0, 1], sizes = [128, 1], strides = [1, 1]} : vector<128x3xf32> to vector<128x1xf32>
    %add3A = arith.addf %slice3A, %slice3A_19 : vector<128x1xf32>
    %slice3A_20 = vector.extract_strided_slice %mul3A {offsets = [0, 2], sizes = [128, 1], strides = [1, 1]} : vector<128x3xf32> to vector<128x1xf32>
    %add3A_21 = arith.addf %add3A, %slice3A_20 : vector<128x1xf32>
    %mul3A_22 = arith.mulf %get3A_8, %get3A_8 : vector<1x4096xf32>
    %mul3A_23 = arith.mulf %get3A_13, %get3A_13 : vector<1x4096xf32>
    %add3A_24 = arith.addf %mul3A_22, %mul3A_23 : vector<1x4096xf32>
    %mul3A_25 = arith.mulf %get3A_18, %get3A_18 : vector<1x4096xf32>
    %add3A_26 = arith.addf %add3A_24, %mul3A_25 : vector<1x4096xf32>
    %concatenate3A = tpu.concatenate %get3A_8, %get3A_13, %get3A_18 in 0 : vector<1x4096xf32>, vector<1x4096xf32>, vector<1x4096xf32> -> vector<3x4096xf32>
    %dot_general3A = arith.constant dense<0.000000e+00> : vector<128x4096xf32>
    %dot_general3A_27 = tpu.matmul %get3A_3, %concatenate3A, %dot_general3A {dimension_numbers = #tpu.dot_dimension_numbers<[1], [0], [0], [1], [0, 0, 1, 1], [], []>, transpose_lhs_hint = false} : vector<128x3xf32>, vector<3x4096xf32>, vector<128x4096xf32> -> vector<128x4096xf32>
    %add3A_28 = vector.broadcast %add3A_21 : vector<128x1xf32> to vector<128x4096xf32>
    %add3A_29 = vector.broadcast %add3A_26 : vector<1x4096xf32> to vector<128x4096xf32>
    %add3A_30 = arith.addf %add3A_28, %add3A_29 : vector<128x4096xf32>
    %mul3A_31 = arith.constant 2.000000e+00 : f32
    %mul3A_32 = vector.broadcast %mul3A_31 : f32 to vector<128x4096xf32>
    %mul3A_33 = arith.mulf %mul3A_32, %dot_general3A_27 : vector<128x4096xf32>
    %sub3A = arith.subf %add3A_30, %mul3A_33 : vector<128x4096xf32>
    %lt3A = arith.constant 0.00999999977 : f32
    %lt3A_34 = vector.broadcast %lt3A : f32 to vector<128x4096xf32>
    %lt3A_35 = arith.cmpf olt, %sub3A, %lt3A_34 : vector<128x4096xf32>
    %iota3A = tpu.iota {dimensions = array<i32: 1>} : vector<128x4096xi32>
    %convert_element_type3A = arith.extui %lt3A_35 : vector<128x4096xi1> to vector<128x4096xi32>
    %ge3A = arith.constant 1 : i32
    %ge3A_36 = vector.broadcast %ge3A : i32 to vector<128x4096xi32>
    %ge3A_37 = arith.cmpi sge, %iota3A, %ge3A_36 : vector<128x4096xi32>
    %roll3A = arith.constant 1 : i32
    %roll3A_38 = tpu.dynamic_rotate %convert_element_type3A by %roll3A dim 1 : vector<128x4096xi32>, i32 -> vector<128x4096xi32>
    %jit3A = arith.constant 0 : i32
    %broadcast_in_dim3A = vector.broadcast %jit3A : i32 to vector<128x4096xi32>
    %select_n3A = arith.select %ge3A_37, %roll3A_38, %broadcast_in_dim3A : vector<128x4096xi1>, vector<128x4096xi32>
    %add3A_39 = arith.addi %convert_element_type3A, %select_n3A : vector<128x4096xi32>
    %min3A = arith.constant 17 : i32
    %min3A_40 = vector.broadcast %min3A : i32 to vector<128x4096xi32>
    %min3A_41 = arith.minsi %add3A_39, %min3A_40 : vector<128x4096xi32>
    %ge3A_42 = arith.constant 2 : i32
    %ge3A_43 = vector.broadcast %ge3A_42 : i32 to vector<128x4096xi32>
    %ge3A_44 = arith.cmpi sge, %iota3A, %ge3A_43 : vector<128x4096xi32>
    %roll3A_45 = arith.constant 2 : i32
    %roll3A_46 = tpu.dynamic_rotate %min3A_41 by %roll3A_45 dim 1 : vector<128x4096xi32>, i32 -> vector<128x4096xi32>
    %jit3A_47 = arith.constant 0 : i32
    %broadcast_in_dim3A_48 = vector.broadcast %jit3A_47 : i32 to vector<128x4096xi32>
    %select_n3A_49 = arith.select %ge3A_44, %roll3A_46, %broadcast_in_dim3A_48 : vector<128x4096xi1>, vector<128x4096xi32>
    %add3A_50 = arith.addi %min3A_41, %select_n3A_49 : vector<128x4096xi32>
    %min3A_51 = arith.constant 17 : i32
    %min3A_52 = vector.broadcast %min3A_51 : i32 to vector<128x4096xi32>
    %min3A_53 = arith.minsi %add3A_50, %min3A_52 : vector<128x4096xi32>
    %ge3A_54 = arith.constant 4 : i32
    %ge3A_55 = vector.broadcast %ge3A_54 : i32 to vector<128x4096xi32>
    %ge3A_56 = arith.cmpi sge, %iota3A, %ge3A_55 : vector<128x4096xi32>
    %roll3A_57 = arith.constant 4 : i32
    %roll3A_58 = tpu.dynamic_rotate %min3A_53 by %roll3A_57 dim 1 : vector<128x4096xi32>, i32 -> vector<128x4096xi32>
    %jit3A_59 = arith.constant 0 : i32
    %broadcast_in_dim3A_60 = vector.broadcast %jit3A_59 : i32 to vector<128x4096xi32>
    %select_n3A_61 = arith.select %ge3A_56, %roll3A_58, %broadcast_in_dim3A_60 : vector<128x4096xi1>, vector<128x4096xi32>
    %add3A_62 = arith.addi %min3A_53, %select_n3A_61 : vector<128x4096xi32>
    %min3A_63 = arith.constant 17 : i32
    %min3A_64 = vector.broadcast %min3A_63 : i32 to vector<128x4096xi32>
    %min3A_65 = arith.minsi %add3A_62, %min3A_64 : vector<128x4096xi32>
    %ge3A_66 = arith.constant 8 : i32
    %ge3A_67 = vector.broadcast %ge3A_66 : i32 to vector<128x4096xi32>
    %ge3A_68 = arith.cmpi sge, %iota3A, %ge3A_67 : vector<128x4096xi32>
    %roll3A_69 = arith.constant 8 : i32
    %roll3A_70 = tpu.dynamic_rotate %min3A_65 by %roll3A_69 dim 1 : vector<128x4096xi32>, i32 -> vector<128x4096xi32>
    %jit3A_71 = arith.constant 0 : i32
    %broadcast_in_dim3A_72 = vector.broadcast %jit3A_71 : i32 to vector<128x4096xi32>
    %select_n3A_73 = arith.select %ge3A_68, %roll3A_70, %broadcast_in_dim3A_72 : vector<128x4096xi1>, vector<128x4096xi32>
    %add3A_74 = arith.addi %min3A_65, %select_n3A_73 : vector<128x4096xi32>
    %min3A_75 = arith.constant 17 : i32
    %min3A_76 = vector.broadcast %min3A_75 : i32 to vector<128x4096xi32>
    %min3A_77 = arith.minsi %add3A_74, %min3A_76 : vector<128x4096xi32>
    %ge3A_78 = arith.constant 16 : i32
    %ge3A_79 = vector.broadcast %ge3A_78 : i32 to vector<128x4096xi32>
    %ge3A_80 = arith.cmpi sge, %iota3A, %ge3A_79 : vector<128x4096xi32>
    %roll3A_81 = arith.constant 16 : i32
    %roll3A_82 = tpu.dynamic_rotate %min3A_77 by %roll3A_81 dim 1 : vector<128x4096xi32>, i32 -> vector<128x4096xi32>
    %jit3A_83 = arith.constant 0 : i32
    %broadcast_in_dim3A_84 = vector.broadcast %jit3A_83 : i32 to vector<128x4096xi32>
    %select_n3A_85 = arith.select %ge3A_80, %roll3A_82, %broadcast_in_dim3A_84 : vector<128x4096xi1>, vector<128x4096xi32>
    %add3A_86 = arith.addi %min3A_77, %select_n3A_85 : vector<128x4096xi32>
    %min3A_87 = arith.constant 17 : i32
    %min3A_88 = vector.broadcast %min3A_87 : i32 to vector<128x4096xi32>
    %min3A_89 = arith.minsi %add3A_86, %min3A_88 : vector<128x4096xi32>
    %ge3A_90 = arith.constant 32 : i32
    %ge3A_91 = vector.broadcast %ge3A_90 : i32 to vector<128x4096xi32>
    %ge3A_92 = arith.cmpi sge, %iota3A, %ge3A_91 : vector<128x4096xi32>
    %roll3A_93 = arith.constant 32 : i32
    %roll3A_94 = tpu.dynamic_rotate %min3A_89 by %roll3A_93 dim 1 : vector<128x4096xi32>, i32 -> vector<128x4096xi32>
    %jit3A_95 = arith.constant 0 : i32
    %broadcast_in_dim3A_96 = vector.broadcast %jit3A_95 : i32 to vector<128x4096xi32>
    %select_n3A_97 = arith.select %ge3A_92, %roll3A_94, %broadcast_in_dim3A_96 : vector<128x4096xi1>, vector<128x4096xi32>
    %add3A_98 = arith.addi %min3A_89, %select_n3A_97 : vector<128x4096xi32>
    %min3A_99 = arith.constant 17 : i32
    %min3A_100 = vector.broadcast %min3A_99 : i32 to vector<128x4096xi32>
    %min3A_101 = arith.minsi %add3A_98, %min3A_100 : vector<128x4096xi32>
    %ge3A_102 = arith.constant 64 : i32
    %ge3A_103 = vector.broadcast %ge3A_102 : i32 to vector<128x4096xi32>
    %ge3A_104 = arith.cmpi sge, %iota3A, %ge3A_103 : vector<128x4096xi32>
    %roll3A_105 = arith.constant 64 : i32
    %roll3A_106 = tpu.dynamic_rotate %min3A_101 by %roll3A_105 dim 1 : vector<128x4096xi32>, i32 -> vector<128x4096xi32>
    %jit3A_107 = arith.constant 0 : i32
    %broadcast_in_dim3A_108 = vector.broadcast %jit3A_107 : i32 to vector<128x4096xi32>
    %select_n3A_109 = arith.select %ge3A_104, %roll3A_106, %broadcast_in_dim3A_108 : vector<128x4096xi1>, vector<128x4096xi32>
    %add3A_110 = arith.addi %min3A_101, %select_n3A_109 : vector<128x4096xi32>
    %min3A_111 = arith.constant 17 : i32
    %min3A_112 = vector.broadcast %min3A_111 : i32 to vector<128x4096xi32>
    %min3A_113 = arith.minsi %add3A_110, %min3A_112 : vector<128x4096xi32>
    %ge3A_114 = arith.constant 128 : i32
    %ge3A_115 = vector.broadcast %ge3A_114 : i32 to vector<128x4096xi32>
    %ge3A_116 = arith.cmpi sge, %iota3A, %ge3A_115 : vector<128x4096xi32>
    %roll3A_117 = arith.constant 128 : i32
    %roll3A_118 = tpu.dynamic_rotate %min3A_113 by %roll3A_117 dim 1 : vector<128x4096xi32>, i32 -> vector<128x4096xi32>
    %jit3A_119 = arith.constant 0 : i32
    %broadcast_in_dim3A_120 = vector.broadcast %jit3A_119 : i32 to vector<128x4096xi32>
    %select_n3A_121 = arith.select %ge3A_116, %roll3A_118, %broadcast_in_dim3A_120 : vector<128x4096xi1>, vector<128x4096xi32>
    %add3A_122 = arith.addi %min3A_113, %select_n3A_121 : vector<128x4096xi32>
    %min3A_123 = arith.constant 17 : i32
    %min3A_124 = vector.broadcast %min3A_123 : i32 to vector<128x4096xi32>
    %min3A_125 = arith.minsi %add3A_122, %min3A_124 : vector<128x4096xi32>
    %ge3A_126 = arith.constant 256 : i32
    %ge3A_127 = vector.broadcast %ge3A_126 : i32 to vector<128x4096xi32>
    %ge3A_128 = arith.cmpi sge, %iota3A, %ge3A_127 : vector<128x4096xi32>
    %roll3A_129 = arith.constant 256 : i32
    %roll3A_130 = tpu.dynamic_rotate %min3A_125 by %roll3A_129 dim 1 : vector<128x4096xi32>, i32 -> vector<128x4096xi32>
    %jit3A_131 = arith.constant 0 : i32
    %broadcast_in_dim3A_132 = vector.broadcast %jit3A_131 : i32 to vector<128x4096xi32>
    %select_n3A_133 = arith.select %ge3A_128, %roll3A_130, %broadcast_in_dim3A_132 : vector<128x4096xi1>, vector<128x4096xi32>
    %add3A_134 = arith.addi %min3A_125, %select_n3A_133 : vector<128x4096xi32>
    %min3A_135 = arith.constant 17 : i32
    %min3A_136 = vector.broadcast %min3A_135 : i32 to vector<128x4096xi32>
    %min3A_137 = arith.minsi %add3A_134, %min3A_136 : vector<128x4096xi32>
    %ge3A_138 = arith.constant 512 : i32
    %ge3A_139 = vector.broadcast %ge3A_138 : i32 to vector<128x4096xi32>
    %ge3A_140 = arith.cmpi sge, %iota3A, %ge3A_139 : vector<128x4096xi32>
    %roll3A_141 = arith.constant 512 : i32
    %roll3A_142 = tpu.dynamic_rotate %min3A_137 by %roll3A_141 dim 1 : vector<128x4096xi32>, i32 -> vector<128x4096xi32>
    %jit3A_143 = arith.constant 0 : i32
    %broadcast_in_dim3A_144 = vector.broadcast %jit3A_143 : i32 to vector<128x4096xi32>
    %select_n3A_145 = arith.select %ge3A_140, %roll3A_142, %broadcast_in_dim3A_144 : vector<128x4096xi1>, vector<128x4096xi32>
    %add3A_146 = arith.addi %min3A_137, %select_n3A_145 : vector<128x4096xi32>
    %min3A_147 = arith.constant 17 : i32
    %min3A_148 = vector.broadcast %min3A_147 : i32 to vector<128x4096xi32>
    %min3A_149 = arith.minsi %add3A_146, %min3A_148 : vector<128x4096xi32>
    %ge3A_150 = arith.constant 1024 : i32
    %ge3A_151 = vector.broadcast %ge3A_150 : i32 to vector<128x4096xi32>
    %ge3A_152 = arith.cmpi sge, %iota3A, %ge3A_151 : vector<128x4096xi32>
    %roll3A_153 = arith.constant 1024 : i32
    %roll3A_154 = tpu.dynamic_rotate %min3A_149 by %roll3A_153 dim 1 : vector<128x4096xi32>, i32 -> vector<128x4096xi32>
    %jit3A_155 = arith.constant 0 : i32
    %broadcast_in_dim3A_156 = vector.broadcast %jit3A_155 : i32 to vector<128x4096xi32>
    %select_n3A_157 = arith.select %ge3A_152, %roll3A_154, %broadcast_in_dim3A_156 : vector<128x4096xi1>, vector<128x4096xi32>
    %add3A_158 = arith.addi %min3A_149, %select_n3A_157 : vector<128x4096xi32>
    %min3A_159 = arith.constant 17 : i32
    %min3A_160 = vector.broadcast %min3A_159 : i32 to vector<128x4096xi32>
    %min3A_161 = arith.minsi %add3A_158, %min3A_160 : vector<128x4096xi32>
    %ge3A_162 = arith.constant 2048 : i32
    %ge3A_163 = vector.broadcast %ge3A_162 : i32 to vector<128x4096xi32>
    %ge3A_164 = arith.cmpi sge, %iota3A, %ge3A_163 : vector<128x4096xi32>
    %roll3A_165 = arith.constant 2048 : i32
    %roll3A_166 = tpu.dynamic_rotate %min3A_161 by %roll3A_165 dim 1 : vector<128x4096xi32>, i32 -> vector<128x4096xi32>
    %jit3A_167 = arith.constant 0 : i32
    %broadcast_in_dim3A_168 = vector.broadcast %jit3A_167 : i32 to vector<128x4096xi32>
    %select_n3A_169 = arith.select %ge3A_164, %roll3A_166, %broadcast_in_dim3A_168 : vector<128x4096xi1>, vector<128x4096xi32>
    %add3A_170 = arith.addi %min3A_161, %select_n3A_169 : vector<128x4096xi32>
    %min3A_171 = arith.constant 17 : i32
    %min3A_172 = vector.broadcast %min3A_171 : i32 to vector<128x4096xi32>
    %min3A_173 = arith.minsi %add3A_170, %min3A_172 : vector<128x4096xi32>
    %convert_element_type3A_174 = arith.extui %lt3A_35 : vector<128x4096xi1> to vector<128x4096xi32>
    %reduce_sum3A = arith.constant dense<0> : vector<128xi32>
    %reduce_sum3A_175 = vector.multi_reduction <add>, %convert_element_type3A_174, %reduce_sum3A [1] : vector<128x4096xi32> to vector<128xi32>
    %broadcast_in_dim3A_176 = vector.shape_cast %reduce_sum3A_175 : vector<128xi32> to vector<128x1xi32>
    %jit3A_177 = arith.constant 0 : i32
    %broadcast_in_dim3A_178 = vector.broadcast %jit3A_177 : i32 to vector<128x4096xi32>
    %select_n3A_179 = arith.select %lt3A_35, %min3A_173, %broadcast_in_dim3A_178 : vector<128x4096xi1>, vector<128x4096xi32>
    %iota3A_180 = tpu.iota {dimensions = array<i32: 1>} : vector<128x16xi32>
    %broadcast_in_dim3A_181 = arith.constant 0 : i32
    %broadcast_in_dim3A_182 = vector.broadcast %broadcast_in_dim3A_181 : i32 to vector<128x16xi32>
    %eq3A = arith.constant 1 : i32
    %eq3A_183 = vector.broadcast %eq3A : i32 to vector<128x4096xi32>
    %eq3A_184 = arith.cmpi eq, %select_n3A_179, %eq3A_183 : vector<128x4096xi32>
    %jit3A_185 = arith.constant 0 : i32
    %broadcast_in_dim3A_186 = vector.broadcast %jit3A_185 : i32 to vector<128x4096xi32>
    %select_n3A_187 = arith.select %eq3A_184, %iota3A, %broadcast_in_dim3A_186 : vector<128x4096xi1>, vector<128x4096xi32>
    %reduce_max3A = arith.constant dense<-2147483648> : vector<128xi32>
    %reduce_max3A_188 = vector.multi_reduction <maxsi>, %select_n3A_187, %reduce_max3A [1] : vector<128x4096xi32> to vector<128xi32>
    %broadcast_in_dim3A_189 = vector.shape_cast %reduce_max3A_188 : vector<128xi32> to vector<128x1xi32>
    %eq3A_190 = arith.constant 0 : i32
    %eq3A_191 = vector.broadcast %eq3A_190 : i32 to vector<128x16xi32>
    %eq3A_192 = arith.cmpi eq, %iota3A_180, %eq3A_191 : vector<128x16xi32>
    %broadcast_in_dim3A_193 = vector.shape_cast %broadcast_in_dim3A_189 : vector<128x1xi32> to vector<128x1xi32>
    %broadcast_in_dim3A_194 = vector.broadcast %broadcast_in_dim3A_193 : vector<128x1xi32> to vector<128x16xi32>
    %select_n3A_195 = arith.select %eq3A_192, %broadcast_in_dim3A_194, %broadcast_in_dim3A_182 : vector<128x16xi1>, vector<128x16xi32>
    %eq3A_196 = arith.constant 2 : i32
    %eq3A_197 = vector.broadcast %eq3A_196 : i32 to vector<128x4096xi32>
    %eq3A_198 = arith.cmpi eq, %select_n3A_179, %eq3A_197 : vector<128x4096xi32>
    %jit3A_199 = arith.constant 0 : i32
    %broadcast_in_dim3A_200 = vector.broadcast %jit3A_199 : i32 to vector<128x4096xi32>
    %select_n3A_201 = arith.select %eq3A_198, %iota3A, %broadcast_in_dim3A_200 : vector<128x4096xi1>, vector<128x4096xi32>
    %reduce_max3A_202 = arith.constant dense<-2147483648> : vector<128xi32>
    %reduce_max3A_203 = vector.multi_reduction <maxsi>, %select_n3A_201, %reduce_max3A_202 [1] : vector<128x4096xi32> to vector<128xi32>
    %broadcast_in_dim3A_204 = vector.shape_cast %reduce_max3A_203 : vector<128xi32> to vector<128x1xi32>
    %eq3A_205 = arith.constant 1 : i32
    %eq3A_206 = vector.broadcast %eq3A_205 : i32 to vector<128x16xi32>
    %eq3A_207 = arith.cmpi eq, %iota3A_180, %eq3A_206 : vector<128x16xi32>
    %broadcast_in_dim3A_208 = vector.shape_cast %broadcast_in_dim3A_204 : vector<128x1xi32> to vector<128x1xi32>
    %broadcast_in_dim3A_209 = vector.broadcast %broadcast_in_dim3A_208 : vector<128x1xi32> to vector<128x16xi32>
    %select_n3A_210 = arith.select %eq3A_207, %broadcast_in_dim3A_209, %select_n3A_195 : vector<128x16xi1>, vector<128x16xi32>
    %eq3A_211 = arith.constant 3 : i32
    %eq3A_212 = vector.broadcast %eq3A_211 : i32 to vector<128x4096xi32>
    %eq3A_213 = arith.cmpi eq, %select_n3A_179, %eq3A_212 : vector<128x4096xi32>
    %jit3A_214 = arith.constant 0 : i32
    %broadcast_in_dim3A_215 = vector.broadcast %jit3A_214 : i32 to vector<128x4096xi32>
    %select_n3A_216 = arith.select %eq3A_213, %iota3A, %broadcast_in_dim3A_215 : vector<128x4096xi1>, vector<128x4096xi32>
    %reduce_max3A_217 = arith.constant dense<-2147483648> : vector<128xi32>
    %reduce_max3A_218 = vector.multi_reduction <maxsi>, %select_n3A_216, %reduce_max3A_217 [1] : vector<128x4096xi32> to vector<128xi32>
    %broadcast_in_dim3A_219 = vector.shape_cast %reduce_max3A_218 : vector<128xi32> to vector<128x1xi32>
    %eq3A_220 = arith.constant 2 : i32
    %eq3A_221 = vector.broadcast %eq3A_220 : i32 to vector<128x16xi32>
    %eq3A_222 = arith.cmpi eq, %iota3A_180, %eq3A_221 : vector<128x16xi32>
    %broadcast_in_dim3A_223 = vector.shape_cast %broadcast_in_dim3A_219 : vector<128x1xi32> to vector<128x1xi32>
    %broadcast_in_dim3A_224 = vector.broadcast %broadcast_in_dim3A_223 : vector<128x1xi32> to vector<128x16xi32>
    %select_n3A_225 = arith.select %eq3A_222, %broadcast_in_dim3A_224, %select_n3A_210 : vector<128x16xi1>, vector<128x16xi32>
    %eq3A_226 = arith.constant 4 : i32
    %eq3A_227 = vector.broadcast %eq3A_226 : i32 to vector<128x4096xi32>
    %eq3A_228 = arith.cmpi eq, %select_n3A_179, %eq3A_227 : vector<128x4096xi32>
    %jit3A_229 = arith.constant 0 : i32
    %broadcast_in_dim3A_230 = vector.broadcast %jit3A_229 : i32 to vector<128x4096xi32>
    %select_n3A_231 = arith.select %eq3A_228, %iota3A, %broadcast_in_dim3A_230 : vector<128x4096xi1>, vector<128x4096xi32>
    %reduce_max3A_232 = arith.constant dense<-2147483648> : vector<128xi32>
    %reduce_max3A_233 = vector.multi_reduction <maxsi>, %select_n3A_231, %reduce_max3A_232 [1] : vector<128x4096xi32> to vector<128xi32>
    %broadcast_in_dim3A_234 = vector.shape_cast %reduce_max3A_233 : vector<128xi32> to vector<128x1xi32>
    %eq3A_235 = arith.constant 3 : i32
    %eq3A_236 = vector.broadcast %eq3A_235 : i32 to vector<128x16xi32>
    %eq3A_237 = arith.cmpi eq, %iota3A_180, %eq3A_236 : vector<128x16xi32>
    %broadcast_in_dim3A_238 = vector.shape_cast %broadcast_in_dim3A_234 : vector<128x1xi32> to vector<128x1xi32>
    %broadcast_in_dim3A_239 = vector.broadcast %broadcast_in_dim3A_238 : vector<128x1xi32> to vector<128x16xi32>
    %select_n3A_240 = arith.select %eq3A_237, %broadcast_in_dim3A_239, %select_n3A_225 : vector<128x16xi1>, vector<128x16xi32>
    %eq3A_241 = arith.constant 5 : i32
    %eq3A_242 = vector.broadcast %eq3A_241 : i32 to vector<128x4096xi32>
    %eq3A_243 = arith.cmpi eq, %select_n3A_179, %eq3A_242 : vector<128x4096xi32>
    %jit3A_244 = arith.constant 0 : i32
    %broadcast_in_dim3A_245 = vector.broadcast %jit3A_244 : i32 to vector<128x4096xi32>
    %select_n3A_246 = arith.select %eq3A_243, %iota3A, %broadcast_in_dim3A_245 : vector<128x4096xi1>, vector<128x4096xi32>
    %reduce_max3A_247 = arith.constant dense<-2147483648> : vector<128xi32>
    %reduce_max3A_248 = vector.multi_reduction <maxsi>, %select_n3A_246, %reduce_max3A_247 [1] : vector<128x4096xi32> to vector<128xi32>
    %broadcast_in_dim3A_249 = vector.shape_cast %reduce_max3A_248 : vector<128xi32> to vector<128x1xi32>
    %eq3A_250 = arith.constant 4 : i32
    %eq3A_251 = vector.broadcast %eq3A_250 : i32 to vector<128x16xi32>
    %eq3A_252 = arith.cmpi eq, %iota3A_180, %eq3A_251 : vector<128x16xi32>
    %broadcast_in_dim3A_253 = vector.shape_cast %broadcast_in_dim3A_249 : vector<128x1xi32> to vector<128x1xi32>
    %broadcast_in_dim3A_254 = vector.broadcast %broadcast_in_dim3A_253 : vector<128x1xi32> to vector<128x16xi32>
    %select_n3A_255 = arith.select %eq3A_252, %broadcast_in_dim3A_254, %select_n3A_240 : vector<128x16xi1>, vector<128x16xi32>
    %eq3A_256 = arith.constant 6 : i32
    %eq3A_257 = vector.broadcast %eq3A_256 : i32 to vector<128x4096xi32>
    %eq3A_258 = arith.cmpi eq, %select_n3A_179, %eq3A_257 : vector<128x4096xi32>
    %jit3A_259 = arith.constant 0 : i32
    %broadcast_in_dim3A_260 = vector.broadcast %jit3A_259 : i32 to vector<128x4096xi32>
    %select_n3A_261 = arith.select %eq3A_258, %iota3A, %broadcast_in_dim3A_260 : vector<128x4096xi1>, vector<128x4096xi32>
    %reduce_max3A_262 = arith.constant dense<-2147483648> : vector<128xi32>
    %reduce_max3A_263 = vector.multi_reduction <maxsi>, %select_n3A_261, %reduce_max3A_262 [1] : vector<128x4096xi32> to vector<128xi32>
    %broadcast_in_dim3A_264 = vector.shape_cast %reduce_max3A_263 : vector<128xi32> to vector<128x1xi32>
    %eq3A_265 = arith.constant 5 : i32
    %eq3A_266 = vector.broadcast %eq3A_265 : i32 to vector<128x16xi32>
    %eq3A_267 = arith.cmpi eq, %iota3A_180, %eq3A_266 : vector<128x16xi32>
    %broadcast_in_dim3A_268 = vector.shape_cast %broadcast_in_dim3A_264 : vector<128x1xi32> to vector<128x1xi32>
    %broadcast_in_dim3A_269 = vector.broadcast %broadcast_in_dim3A_268 : vector<128x1xi32> to vector<128x16xi32>
    %select_n3A_270 = arith.select %eq3A_267, %broadcast_in_dim3A_269, %select_n3A_255 : vector<128x16xi1>, vector<128x16xi32>
    %eq3A_271 = arith.constant 7 : i32
    %eq3A_272 = vector.broadcast %eq3A_271 : i32 to vector<128x4096xi32>
    %eq3A_273 = arith.cmpi eq, %select_n3A_179, %eq3A_272 : vector<128x4096xi32>
    %jit3A_274 = arith.constant 0 : i32
    %broadcast_in_dim3A_275 = vector.broadcast %jit3A_274 : i32 to vector<128x4096xi32>
    %select_n3A_276 = arith.select %eq3A_273, %iota3A, %broadcast_in_dim3A_275 : vector<128x4096xi1>, vector<128x4096xi32>
    %reduce_max3A_277 = arith.constant dense<-2147483648> : vector<128xi32>
    %reduce_max3A_278 = vector.multi_reduction <maxsi>, %select_n3A_276, %reduce_max3A_277 [1] : vector<128x4096xi32> to vector<128xi32>
    %broadcast_in_dim3A_279 = vector.shape_cast %reduce_max3A_278 : vector<128xi32> to vector<128x1xi32>
    %eq3A_280 = arith.constant 6 : i32
    %eq3A_281 = vector.broadcast %eq3A_280 : i32 to vector<128x16xi32>
    %eq3A_282 = arith.cmpi eq, %iota3A_180, %eq3A_281 : vector<128x16xi32>
    %broadcast_in_dim3A_283 = vector.shape_cast %broadcast_in_dim3A_279 : vector<128x1xi32> to vector<128x1xi32>
    %broadcast_in_dim3A_284 = vector.broadcast %broadcast_in_dim3A_283 : vector<128x1xi32> to vector<128x16xi32>
    %select_n3A_285 = arith.select %eq3A_282, %broadcast_in_dim3A_284, %select_n3A_270 : vector<128x16xi1>, vector<128x16xi32>
    %eq3A_286 = arith.constant 8 : i32
    %eq3A_287 = vector.broadcast %eq3A_286 : i32 to vector<128x4096xi32>
    %eq3A_288 = arith.cmpi eq, %select_n3A_179, %eq3A_287 : vector<128x4096xi32>
    %jit3A_289 = arith.constant 0 : i32
    %broadcast_in_dim3A_290 = vector.broadcast %jit3A_289 : i32 to vector<128x4096xi32>
    %select_n3A_291 = arith.select %eq3A_288, %iota3A, %broadcast_in_dim3A_290 : vector<128x4096xi1>, vector<128x4096xi32>
    %reduce_max3A_292 = arith.constant dense<-2147483648> : vector<128xi32>
    %reduce_max3A_293 = vector.multi_reduction <maxsi>, %select_n3A_291, %reduce_max3A_292 [1] : vector<128x4096xi32> to vector<128xi32>
    %broadcast_in_dim3A_294 = vector.shape_cast %reduce_max3A_293 : vector<128xi32> to vector<128x1xi32>
    %eq3A_295 = arith.constant 7 : i32
    %eq3A_296 = vector.broadcast %eq3A_295 : i32 to vector<128x16xi32>
    %eq3A_297 = arith.cmpi eq, %iota3A_180, %eq3A_296 : vector<128x16xi32>
    %broadcast_in_dim3A_298 = vector.shape_cast %broadcast_in_dim3A_294 : vector<128x1xi32> to vector<128x1xi32>
    %broadcast_in_dim3A_299 = vector.broadcast %broadcast_in_dim3A_298 : vector<128x1xi32> to vector<128x16xi32>
    %select_n3A_300 = arith.select %eq3A_297, %broadcast_in_dim3A_299, %select_n3A_285 : vector<128x16xi1>, vector<128x16xi32>
    %eq3A_301 = arith.constant 9 : i32
    %eq3A_302 = vector.broadcast %eq3A_301 : i32 to vector<128x4096xi32>
    %eq3A_303 = arith.cmpi eq, %select_n3A_179, %eq3A_302 : vector<128x4096xi32>
    %jit3A_304 = arith.constant 0 : i32
    %broadcast_in_dim3A_305 = vector.broadcast %jit3A_304 : i32 to vector<128x4096xi32>
    %select_n3A_306 = arith.select %eq3A_303, %iota3A, %broadcast_in_dim3A_305 : vector<128x4096xi1>, vector<128x4096xi32>
    %reduce_max3A_307 = arith.constant dense<-2147483648> : vector<128xi32>
    %reduce_max3A_308 = vector.multi_reduction <maxsi>, %select_n3A_306, %reduce_max3A_307 [1] : vector<128x4096xi32> to vector<128xi32>
    %broadcast_in_dim3A_309 = vector.shape_cast %reduce_max3A_308 : vector<128xi32> to vector<128x1xi32>
    %eq3A_310 = arith.constant 8 : i32
    %eq3A_311 = vector.broadcast %eq3A_310 : i32 to vector<128x16xi32>
    %eq3A_312 = arith.cmpi eq, %iota3A_180, %eq3A_311 : vector<128x16xi32>
    %broadcast_in_dim3A_313 = vector.shape_cast %broadcast_in_dim3A_309 : vector<128x1xi32> to vector<128x1xi32>
    %broadcast_in_dim3A_314 = vector.broadcast %broadcast_in_dim3A_313 : vector<128x1xi32> to vector<128x16xi32>
    %select_n3A_315 = arith.select %eq3A_312, %broadcast_in_dim3A_314, %select_n3A_300 : vector<128x16xi1>, vector<128x16xi32>
    %eq3A_316 = arith.constant 10 : i32
    %eq3A_317 = vector.broadcast %eq3A_316 : i32 to vector<128x4096xi32>
    %eq3A_318 = arith.cmpi eq, %select_n3A_179, %eq3A_317 : vector<128x4096xi32>
    %jit3A_319 = arith.constant 0 : i32
    %broadcast_in_dim3A_320 = vector.broadcast %jit3A_319 : i32 to vector<128x4096xi32>
    %select_n3A_321 = arith.select %eq3A_318, %iota3A, %broadcast_in_dim3A_320 : vector<128x4096xi1>, vector<128x4096xi32>
    %reduce_max3A_322 = arith.constant dense<-2147483648> : vector<128xi32>
    %reduce_max3A_323 = vector.multi_reduction <maxsi>, %select_n3A_321, %reduce_max3A_322 [1] : vector<128x4096xi32> to vector<128xi32>
    %broadcast_in_dim3A_324 = vector.shape_cast %reduce_max3A_323 : vector<128xi32> to vector<128x1xi32>
    %eq3A_325 = arith.constant 9 : i32
    %eq3A_326 = vector.broadcast %eq3A_325 : i32 to vector<128x16xi32>
    %eq3A_327 = arith.cmpi eq, %iota3A_180, %eq3A_326 : vector<128x16xi32>
    %broadcast_in_dim3A_328 = vector.shape_cast %broadcast_in_dim3A_324 : vector<128x1xi32> to vector<128x1xi32>
    %broadcast_in_dim3A_329 = vector.broadcast %broadcast_in_dim3A_328 : vector<128x1xi32> to vector<128x16xi32>
    %select_n3A_330 = arith.select %eq3A_327, %broadcast_in_dim3A_329, %select_n3A_315 : vector<128x16xi1>, vector<128x16xi32>
    %eq3A_331 = arith.constant 11 : i32
    %eq3A_332 = vector.broadcast %eq3A_331 : i32 to vector<128x4096xi32>
    %eq3A_333 = arith.cmpi eq, %select_n3A_179, %eq3A_332 : vector<128x4096xi32>
    %jit3A_334 = arith.constant 0 : i32
    %broadcast_in_dim3A_335 = vector.broadcast %jit3A_334 : i32 to vector<128x4096xi32>
    %select_n3A_336 = arith.select %eq3A_333, %iota3A, %broadcast_in_dim3A_335 : vector<128x4096xi1>, vector<128x4096xi32>
    %reduce_max3A_337 = arith.constant dense<-2147483648> : vector<128xi32>
    %reduce_max3A_338 = vector.multi_reduction <maxsi>, %select_n3A_336, %reduce_max3A_337 [1] : vector<128x4096xi32> to vector<128xi32>
    %broadcast_in_dim3A_339 = vector.shape_cast %reduce_max3A_338 : vector<128xi32> to vector<128x1xi32>
    %eq3A_340 = arith.constant 10 : i32
    %eq3A_341 = vector.broadcast %eq3A_340 : i32 to vector<128x16xi32>
    %eq3A_342 = arith.cmpi eq, %iota3A_180, %eq3A_341 : vector<128x16xi32>
    %broadcast_in_dim3A_343 = vector.shape_cast %broadcast_in_dim3A_339 : vector<128x1xi32> to vector<128x1xi32>
    %broadcast_in_dim3A_344 = vector.broadcast %broadcast_in_dim3A_343 : vector<128x1xi32> to vector<128x16xi32>
    %select_n3A_345 = arith.select %eq3A_342, %broadcast_in_dim3A_344, %select_n3A_330 : vector<128x16xi1>, vector<128x16xi32>
    %eq3A_346 = arith.constant 12 : i32
    %eq3A_347 = vector.broadcast %eq3A_346 : i32 to vector<128x4096xi32>
    %eq3A_348 = arith.cmpi eq, %select_n3A_179, %eq3A_347 : vector<128x4096xi32>
    %jit3A_349 = arith.constant 0 : i32
    %broadcast_in_dim3A_350 = vector.broadcast %jit3A_349 : i32 to vector<128x4096xi32>
    %select_n3A_351 = arith.select %eq3A_348, %iota3A, %broadcast_in_dim3A_350 : vector<128x4096xi1>, vector<128x4096xi32>
    %reduce_max3A_352 = arith.constant dense<-2147483648> : vector<128xi32>
    %reduce_max3A_353 = vector.multi_reduction <maxsi>, %select_n3A_351, %reduce_max3A_352 [1] : vector<128x4096xi32> to vector<128xi32>
    %broadcast_in_dim3A_354 = vector.shape_cast %reduce_max3A_353 : vector<128xi32> to vector<128x1xi32>
    %eq3A_355 = arith.constant 11 : i32
    %eq3A_356 = vector.broadcast %eq3A_355 : i32 to vector<128x16xi32>
    %eq3A_357 = arith.cmpi eq, %iota3A_180, %eq3A_356 : vector<128x16xi32>
    %broadcast_in_dim3A_358 = vector.shape_cast %broadcast_in_dim3A_354 : vector<128x1xi32> to vector<128x1xi32>
    %broadcast_in_dim3A_359 = vector.broadcast %broadcast_in_dim3A_358 : vector<128x1xi32> to vector<128x16xi32>
    %select_n3A_360 = arith.select %eq3A_357, %broadcast_in_dim3A_359, %select_n3A_345 : vector<128x16xi1>, vector<128x16xi32>
    %eq3A_361 = arith.constant 13 : i32
    %eq3A_362 = vector.broadcast %eq3A_361 : i32 to vector<128x4096xi32>
    %eq3A_363 = arith.cmpi eq, %select_n3A_179, %eq3A_362 : vector<128x4096xi32>
    %jit3A_364 = arith.constant 0 : i32
    %broadcast_in_dim3A_365 = vector.broadcast %jit3A_364 : i32 to vector<128x4096xi32>
    %select_n3A_366 = arith.select %eq3A_363, %iota3A, %broadcast_in_dim3A_365 : vector<128x4096xi1>, vector<128x4096xi32>
    %reduce_max3A_367 = arith.constant dense<-2147483648> : vector<128xi32>
    %reduce_max3A_368 = vector.multi_reduction <maxsi>, %select_n3A_366, %reduce_max3A_367 [1] : vector<128x4096xi32> to vector<128xi32>
    %broadcast_in_dim3A_369 = vector.shape_cast %reduce_max3A_368 : vector<128xi32> to vector<128x1xi32>
    %eq3A_370 = arith.constant 12 : i32
    %eq3A_371 = vector.broadcast %eq3A_370 : i32 to vector<128x16xi32>
    %eq3A_372 = arith.cmpi eq, %iota3A_180, %eq3A_371 : vector<128x16xi32>
    %broadcast_in_dim3A_373 = vector.shape_cast %broadcast_in_dim3A_369 : vector<128x1xi32> to vector<128x1xi32>
    %broadcast_in_dim3A_374 = vector.broadcast %broadcast_in_dim3A_373 : vector<128x1xi32> to vector<128x16xi32>
    %select_n3A_375 = arith.select %eq3A_372, %broadcast_in_dim3A_374, %select_n3A_360 : vector<128x16xi1>, vector<128x16xi32>
    %eq3A_376 = arith.constant 14 : i32
    %eq3A_377 = vector.broadcast %eq3A_376 : i32 to vector<128x4096xi32>
    %eq3A_378 = arith.cmpi eq, %select_n3A_179, %eq3A_377 : vector<128x4096xi32>
    %jit3A_379 = arith.constant 0 : i32
    %broadcast_in_dim3A_380 = vector.broadcast %jit3A_379 : i32 to vector<128x4096xi32>
    %select_n3A_381 = arith.select %eq3A_378, %iota3A, %broadcast_in_dim3A_380 : vector<128x4096xi1>, vector<128x4096xi32>
    %reduce_max3A_382 = arith.constant dense<-2147483648> : vector<128xi32>
    %reduce_max3A_383 = vector.multi_reduction <maxsi>, %select_n3A_381, %reduce_max3A_382 [1] : vector<128x4096xi32> to vector<128xi32>
    %broadcast_in_dim3A_384 = vector.shape_cast %reduce_max3A_383 : vector<128xi32> to vector<128x1xi32>
    %eq3A_385 = arith.constant 13 : i32
    %eq3A_386 = vector.broadcast %eq3A_385 : i32 to vector<128x16xi32>
    %eq3A_387 = arith.cmpi eq, %iota3A_180, %eq3A_386 : vector<128x16xi32>
    %broadcast_in_dim3A_388 = vector.shape_cast %broadcast_in_dim3A_384 : vector<128x1xi32> to vector<128x1xi32>
    %broadcast_in_dim3A_389 = vector.broadcast %broadcast_in_dim3A_388 : vector<128x1xi32> to vector<128x16xi32>
    %select_n3A_390 = arith.select %eq3A_387, %broadcast_in_dim3A_389, %select_n3A_375 : vector<128x16xi1>, vector<128x16xi32>
    %eq3A_391 = arith.constant 15 : i32
    %eq3A_392 = vector.broadcast %eq3A_391 : i32 to vector<128x4096xi32>
    %eq3A_393 = arith.cmpi eq, %select_n3A_179, %eq3A_392 : vector<128x4096xi32>
    %jit3A_394 = arith.constant 0 : i32
    %broadcast_in_dim3A_395 = vector.broadcast %jit3A_394 : i32 to vector<128x4096xi32>
    %select_n3A_396 = arith.select %eq3A_393, %iota3A, %broadcast_in_dim3A_395 : vector<128x4096xi1>, vector<128x4096xi32>
    %reduce_max3A_397 = arith.constant dense<-2147483648> : vector<128xi32>
    %reduce_max3A_398 = vector.multi_reduction <maxsi>, %select_n3A_396, %reduce_max3A_397 [1] : vector<128x4096xi32> to vector<128xi32>
    %broadcast_in_dim3A_399 = vector.shape_cast %reduce_max3A_398 : vector<128xi32> to vector<128x1xi32>
    %eq3A_400 = arith.constant 14 : i32
    %eq3A_401 = vector.broadcast %eq3A_400 : i32 to vector<128x16xi32>
    %eq3A_402 = arith.cmpi eq, %iota3A_180, %eq3A_401 : vector<128x16xi32>
    %broadcast_in_dim3A_403 = vector.shape_cast %broadcast_in_dim3A_399 : vector<128x1xi32> to vector<128x1xi32>
    %broadcast_in_dim3A_404 = vector.broadcast %broadcast_in_dim3A_403 : vector<128x1xi32> to vector<128x16xi32>
    %select_n3A_405 = arith.select %eq3A_402, %broadcast_in_dim3A_404, %select_n3A_390 : vector<128x16xi1>, vector<128x16xi32>
    %eq3A_406 = arith.constant 16 : i32
    %eq3A_407 = vector.broadcast %eq3A_406 : i32 to vector<128x4096xi32>
    %eq3A_408 = arith.cmpi eq, %select_n3A_179, %eq3A_407 : vector<128x4096xi32>
    %jit3A_409 = arith.constant 0 : i32
    %broadcast_in_dim3A_410 = vector.broadcast %jit3A_409 : i32 to vector<128x4096xi32>
    %select_n3A_411 = arith.select %eq3A_408, %iota3A, %broadcast_in_dim3A_410 : vector<128x4096xi1>, vector<128x4096xi32>
    %reduce_max3A_412 = arith.constant dense<-2147483648> : vector<128xi32>
    %reduce_max3A_413 = vector.multi_reduction <maxsi>, %select_n3A_411, %reduce_max3A_412 [1] : vector<128x4096xi32> to vector<128xi32>
    %broadcast_in_dim3A_414 = vector.shape_cast %reduce_max3A_413 : vector<128xi32> to vector<128x1xi32>
    %eq3A_415 = arith.constant 15 : i32
    %eq3A_416 = vector.broadcast %eq3A_415 : i32 to vector<128x16xi32>
    %eq3A_417 = arith.cmpi eq, %iota3A_180, %eq3A_416 : vector<128x16xi32>
    %broadcast_in_dim3A_418 = vector.shape_cast %broadcast_in_dim3A_414 : vector<128x1xi32> to vector<128x1xi32>
    %broadcast_in_dim3A_419 = vector.broadcast %broadcast_in_dim3A_418 : vector<128x1xi32> to vector<128x16xi32>
    %select_n3A_420 = arith.select %eq3A_417, %broadcast_in_dim3A_419, %select_n3A_405 : vector<128x16xi1>, vector<128x16xi32>
    %gt3A = arith.constant 0 : i32
    %gt3A_421 = vector.broadcast %gt3A : i32 to vector<128x1xi32>
    %gt3A_422 = arith.cmpi sgt, %broadcast_in_dim3A_176, %gt3A_421 : vector<128x1xi32>
    %slice3A_423 = vector.extract_strided_slice %select_n3A_420 {offsets = [0, 0], sizes = [128, 1], strides = [1, 1]} : vector<128x16xi32> to vector<128x1xi32>
    %jit3A_424 = arith.constant 4095 : i32
    %broadcast_in_dim3A_425 = vector.broadcast %jit3A_424 : i32 to vector<128x1xi32>
    %select_n3A_426 = arith.select %gt3A_422, %slice3A_423, %broadcast_in_dim3A_425 : vector<128x1xi1>, vector<128x1xi32>
    %lt3A_427 = vector.broadcast %broadcast_in_dim3A_176 : vector<128x1xi32> to vector<128x16xi32>
    %lt3A_428 = arith.cmpi slt, %iota3A_180, %lt3A_427 : vector<128x16xi32>
    %broadcast_in_dim3A_429 = vector.shape_cast %select_n3A_426 : vector<128x1xi32> to vector<128x1xi32>
    %broadcast_in_dim3A_430 = vector.broadcast %broadcast_in_dim3A_429 : vector<128x1xi32> to vector<128x16xi32>
    %select_n3A_431 = arith.select %lt3A_428, %select_n3A_420, %broadcast_in_dim3A_430 : vector<128x16xi1>, vector<128x16xi32>
    %mul3A_432 = arith.constant 4096 : i32
    %mul3A_433 = arith.muli %arg0, %mul3A_432 : i32
    %add3A_434 = vector.broadcast %mul3A_433 : i32 to vector<128x16xi32>
    %add3A_435 = arith.addi %select_n3A_431, %add3A_434 : vector<128x16xi32>
    %swap3A = arith.constant 0 : index
    %swap3A_436 = arith.constant 0 : index
    %swap3A_437 = arith.constant 0 : index
    %swap3A_438 = vector.load %arg6[%swap3A, %swap3A_436, %swap3A_437] : memref<1x128x16xi32, #tpu.memory_space<vmem>>, vector<1x128x16xi32>
    %swap3A_439 = vector.shape_cast %swap3A_438 : vector<1x128x16xi32> to vector<128x16xi32>
    %swap3A_440 = vector.shape_cast %add3A_435 : vector<128x16xi32> to vector<1x128x16xi32>
    tpu.vector_store %arg6[%swap3A, %swap3A_436, %swap3A_437], %swap3A_440 {strides = array<i32>} : memref<1x128x16xi32, #tpu.memory_space<vmem>>, vector<1x128x16xi32>,
    return
  }
  func.func @transform_0(%arg0: i32, %arg1: i32) -> (i32, i32, i32) {
    %c0_i32 = arith.constant 0 : i32
    %c0_i32_0 = arith.constant 0 : i32
    return %arg0, %arg1, %c0_i32 : i32, i32, i32
  }
  func.func @transform_1(%arg0: i32, %arg1: i32) -> (i32, i32, i32) {
    %c0_i32 = arith.constant 0 : i32
    %c0_i32_0 = arith.constant 0 : i32
    %c0_i32_1 = arith.constant 0 : i32
    return %arg0, %c0_i32, %c0_i32_0 : i32, i32, i32
  }
  func.func @transform_2(%arg0: i32, %arg1: i32) -> (i32, i32, i32) {
    %c0_i32 = arith.constant 0 : i32
    %c0_i32_0 = arith.constant 0 : i32
    %c0_i32_1 = arith.constant 0 : i32
    return %arg0, %c0_i32, %c0_i32_0 : i32, i32, i32
  }
  func.func @transform_3(%arg0: i32, %arg1: i32) -> (i32, i32, i32) {
    %c0_i32 = arith.constant 0 : i32
    %c0_i32_0 = arith.constant 0 : i32
    %c0_i32_1 = arith.constant 0 : i32
    return %arg0, %c0_i32, %c0_i32_0 : i32, i32, i32
  }
  func.func @transform_4(%arg0: i32, %arg1: i32) -> (i32, i32, i32) {
    %c0_i32 = arith.constant 0 : i32
    %c0_i32_0 = arith.constant 0 : i32
    return %arg0, %arg1, %c0_i32 : i32, i32, i32
  }
}

module attributes {stable_mosaic.version = 14 : i64} {
  func.func @_t1_body(%arg0: i32, %arg1: i32, %arg2: memref<1x1024x3xf32, #tpu.memory_space<vmem>>, %arg3: memref<1x1024x64xf32, #tpu.memory_space<vmem>>, %arg4: memref<3x128xf32, #tpu.memory_space<vmem>>, %arg5: memref<64x128xf32, #tpu.memory_space<vmem>>, %arg6: memref<1024x128xf32, #tpu.memory_space<vmem>>) attributes {dimension_semantics = [#tpu.dimension_semantics<arbitrary>, #tpu.dimension_semantics<arbitrary>], iteration_bounds = array<i64: 8, 4>, scalar_prefetch = 0 : i64, scratch_operands = 0 : i64, tpu.core_type = #tpu.core_type<tc>, window_params = [{transform_indices = @transform_0, window_bounds = array<i64: 1, 1024, 3>}, {transform_indices = @transform_1, window_bounds = array<i64: 1, 1024, 64>}, {pipeline_mode = #tpu.pipeline_mode<synchronous>, transform_indices = @transform_2, window_bounds = array<i64: 3, 128>}, {pipeline_mode = #tpu.pipeline_mode<synchronous>, transform_indices = @transform_3, window_bounds = array<i64: 64, 128>}, {transform_indices = @transform_4, window_bounds = array<i64: 1024, 128>}]} {
    %get3A = arith.constant 0 : index
    %get3A_0 = arith.constant 0 : index
    %get3A_1 = arith.constant 0 : index
    %get3A_2 = vector.load %arg2[%get3A, %get3A_0, %get3A_1] : memref<1x1024x3xf32, #tpu.memory_space<vmem>>, vector<1x1024x3xf32>
    %get3A_3 = vector.shape_cast %get3A_2 : vector<1x1024x3xf32> to vector<1024x3xf32>
    %get3A_4 = arith.constant 0 : index
    %get3A_5 = arith.constant 0 : index
    %get3A_6 = vector.load %arg4[%get3A_4, %get3A_5] : memref<3x128xf32, #tpu.memory_space<vmem>>, vector<3x128xf32>
    %dot_general3A = arith.constant dense<0.000000e+00> : vector<1024x128xf32>
    %dot_general3A_7 = tpu.matmul %get3A_3, %get3A_6, %dot_general3A {dimension_numbers = #tpu.dot_dimension_numbers<[1], [0], [0], [1], [0, 0, 1, 1], [], []>, transpose_lhs_hint = false} : vector<1024x3xf32>, vector<3x128xf32>, vector<1024x128xf32> -> vector<1024x128xf32>
    %get3A_8 = arith.constant 0 : index
    %get3A_9 = arith.constant 0 : index
    %get3A_10 = arith.constant 0 : index
    %get3A_11 = vector.load %arg3[%get3A_8, %get3A_9, %get3A_10] : memref<1x1024x64xf32, #tpu.memory_space<vmem>>, vector<1x1024x64xf32>
    %get3A_12 = vector.shape_cast %get3A_11 : vector<1x1024x64xf32> to vector<1024x64xf32>
    %get3A_13 = arith.constant 0 : index
    %get3A_14 = arith.constant 0 : index
    %get3A_15 = vector.load %arg5[%get3A_13, %get3A_14] : memref<64x128xf32, #tpu.memory_space<vmem>>, vector<64x128xf32>
    %dot_general3A_16 = arith.constant dense<0.000000e+00> : vector<1024x128xf32>
    %dot_general3A_17 = tpu.matmul %get3A_12, %get3A_15, %dot_general3A_16 {dimension_numbers = #tpu.dot_dimension_numbers<[1], [0], [0], [1], [0, 0, 1, 1], [], []>, transpose_lhs_hint = false} : vector<1024x64xf32>, vector<64x128xf32>, vector<1024x128xf32> -> vector<1024x128xf32>
    %add3A = arith.addf %dot_general3A_7, %dot_general3A_17 : vector<1024x128xf32>
    %swap3A = arith.constant 0 : index
    %swap3A_18 = arith.constant 0 : index
    %swap3A_19 = vector.load %arg6[%swap3A, %swap3A_18] : memref<1024x128xf32, #tpu.memory_space<vmem>>, vector<1024x128xf32>
    tpu.vector_store %arg6[%swap3A, %swap3A_18], %add3A {strides = array<i32>} : memref<1024x128xf32, #tpu.memory_space<vmem>>, vector<1024x128xf32>,
    return
  }
  func.func @transform_0(%arg0: i32, %arg1: i32) -> (i32, i32, i32) {
    %c0_i32 = arith.constant 0 : i32
    %c0_i32_0 = arith.constant 0 : i32
    return %arg0, %arg1, %c0_i32 : i32, i32, i32
  }
  func.func @transform_1(%arg0: i32, %arg1: i32) -> (i32, i32, i32) {
    %c0_i32 = arith.constant 0 : i32
    %c0_i32_0 = arith.constant 0 : i32
    return %arg0, %arg1, %c0_i32 : i32, i32, i32
  }
  func.func @transform_2(%arg0: i32, %arg1: i32) -> (i32, i32) {
    %c0_i32 = arith.constant 0 : i32
    %c0_i32_0 = arith.constant 0 : i32
    %c0_i32_1 = arith.constant 0 : i32
    return %c0_i32, %c0_i32_0 : i32, i32
  }
  func.func @transform_3(%arg0: i32, %arg1: i32) -> (i32, i32) {
    %c0_i32 = arith.constant 0 : i32
    %c0_i32_0 = arith.constant 0 : i32
    %c0_i32_1 = arith.constant 0 : i32
    return %c0_i32, %c0_i32_0 : i32, i32
  }
  func.func @transform_4(%arg0: i32, %arg1: i32) -> (i32, i32) {
    %mul3A = arith.constant 4 : i32
    %mul3A_0 = arith.muli %arg0, %mul3A : i32
    %add3A = arith.addi %mul3A_0, %arg1 : i32
    %c0_i32 = arith.constant 0 : i32
    %c0_i32_1 = arith.constant 0 : i32
    return %add3A, %c0_i32 : i32, i32
  }
}

module attributes {stable_mosaic.version = 14 : i64} {
  func.func @_ballq_body(%arg0: i32, %arg1: i32, %arg2: memref<1x128x3xf32, #tpu.memory_space<vmem>>, %arg3: memref<1x1x4096xf32, #tpu.memory_space<vmem>>, %arg4: memref<1x1x4096xf32, #tpu.memory_space<vmem>>, %arg5: memref<1x1x4096xf32, #tpu.memory_space<vmem>>, %arg6: memref<1x128x32xi32, #tpu.memory_space<vmem>>) attributes {dimension_semantics = [#tpu.dimension_semantics<arbitrary>, #tpu.dimension_semantics<arbitrary>], iteration_bounds = array<i64: 8, 8>, scalar_prefetch = 0 : i64, scratch_operands = 0 : i64, tpu.core_type = #tpu.core_type<tc>, window_params = [{transform_indices = @transform_0, window_bounds = array<i64: 1, 128, 3>}, {transform_indices = @transform_1, window_bounds = array<i64: 1, 1, 4096>}, {transform_indices = @transform_2, window_bounds = array<i64: 1, 1, 4096>}, {transform_indices = @transform_3, window_bounds = array<i64: 1, 1, 4096>}, {transform_indices = @transform_4, window_bounds = array<i64: 1, 128, 32>}]} {
    %get3A = arith.constant 0 : index
    %get3A_0 = arith.constant 0 : index
    %get3A_1 = arith.constant 0 : index
    %get3A_2 = vector.load %arg2[%get3A, %get3A_0, %get3A_1] : memref<1x128x3xf32, #tpu.memory_space<vmem>>, vector<1x128x3xf32>
    %get3A_3 = vector.shape_cast %get3A_2 : vector<1x128x3xf32> to vector<128x3xf32>
    %get3A_4 = arith.constant 0 : index
    %get3A_5 = arith.constant 0 : index
    %get3A_6 = arith.constant 0 : index
    %get3A_7 = vector.load %arg3[%get3A_4, %get3A_5, %get3A_6] : memref<1x1x4096xf32, #tpu.memory_space<vmem>>, vector<1x1x4096xf32>
    %get3A_8 = vector.shape_cast %get3A_7 : vector<1x1x4096xf32> to vector<1x4096xf32>
    %get3A_9 = arith.constant 0 : index
    %get3A_10 = arith.constant 0 : index
    %get3A_11 = arith.constant 0 : index
    %get3A_12 = vector.load %arg4[%get3A_9, %get3A_10, %get3A_11] : memref<1x1x4096xf32, #tpu.memory_space<vmem>>, vector<1x1x4096xf32>
    %get3A_13 = vector.shape_cast %get3A_12 : vector<1x1x4096xf32> to vector<1x4096xf32>
    %get3A_14 = arith.constant 0 : index
    %get3A_15 = arith.constant 0 : index
    %get3A_16 = arith.constant 0 : index
    %get3A_17 = vector.load %arg5[%get3A_14, %get3A_15, %get3A_16] : memref<1x1x4096xf32, #tpu.memory_space<vmem>>, vector<1x1x4096xf32>
    %get3A_18 = vector.shape_cast %get3A_17 : vector<1x1x4096xf32> to vector<1x4096xf32>
    %mul3A = arith.mulf %get3A_3, %get3A_3 : vector<128x3xf32>
    %slice3A = vector.extract_strided_slice %mul3A {offsets = [0, 0], sizes = [128, 1], strides = [1, 1]} : vector<128x3xf32> to vector<128x1xf32>
    %slice3A_19 = vector.extract_strided_slice %mul3A {offsets = [0, 1], sizes = [128, 1], strides = [1, 1]} : vector<128x3xf32> to vector<128x1xf32>
    %add3A = arith.addf %slice3A, %slice3A_19 : vector<128x1xf32>
    %slice3A_20 = vector.extract_strided_slice %mul3A {offsets = [0, 2], sizes = [128, 1], strides = [1, 1]} : vector<128x3xf32> to vector<128x1xf32>
    %add3A_21 = arith.addf %add3A, %slice3A_20 : vector<128x1xf32>
    %mul3A_22 = arith.mulf %get3A_8, %get3A_8 : vector<1x4096xf32>
    %mul3A_23 = arith.mulf %get3A_13, %get3A_13 : vector<1x4096xf32>
    %add3A_24 = arith.addf %mul3A_22, %mul3A_23 : vector<1x4096xf32>
    %mul3A_25 = arith.mulf %get3A_18, %get3A_18 : vector<1x4096xf32>
    %add3A_26 = arith.addf %add3A_24, %mul3A_25 : vector<1x4096xf32>
    %concatenate3A = tpu.concatenate %get3A_8, %get3A_13, %get3A_18 in 0 : vector<1x4096xf32>, vector<1x4096xf32>, vector<1x4096xf32> -> vector<3x4096xf32>
    %dot_general3A = arith.constant dense<0.000000e+00> : vector<128x4096xf32>
    %dot_general3A_27 = tpu.matmul %get3A_3, %concatenate3A, %dot_general3A {dimension_numbers = #tpu.dot_dimension_numbers<[1], [0], [0], [1], [0, 0, 1, 1], [], []>, transpose_lhs_hint = false} : vector<128x3xf32>, vector<3x4096xf32>, vector<128x4096xf32> -> vector<128x4096xf32>
    %add3A_28 = vector.broadcast %add3A_21 : vector<128x1xf32> to vector<128x4096xf32>
    %add3A_29 = vector.broadcast %add3A_26 : vector<1x4096xf32> to vector<128x4096xf32>
    %add3A_30 = arith.addf %add3A_28, %add3A_29 : vector<128x4096xf32>
    %mul3A_31 = arith.constant 2.000000e+00 : f32
    %mul3A_32 = vector.broadcast %mul3A_31 : f32 to vector<128x4096xf32>
    %mul3A_33 = arith.mulf %mul3A_32, %dot_general3A_27 : vector<128x4096xf32>
    %sub3A = arith.subf %add3A_30, %mul3A_33 : vector<128x4096xf32>
    %lt3A = arith.constant 4.000000e-02 : f32
    %lt3A_34 = vector.broadcast %lt3A : f32 to vector<128x4096xf32>
    %lt3A_35 = arith.cmpf olt, %sub3A, %lt3A_34 : vector<128x4096xf32>
    %iota3A = tpu.iota {dimensions = array<i32: 1>} : vector<128x4096xi32>
    %convert_element_type3A = arith.extui %lt3A_35 : vector<128x4096xi1> to vector<128x4096xi32>
    %ge3A = arith.constant 1 : i32
    %ge3A_36 = vector.broadcast %ge3A : i32 to vector<128x4096xi32>
    %ge3A_37 = arith.cmpi sge, %iota3A, %ge3A_36 : vector<128x4096xi32>
    %roll3A = arith.constant 1 : i32
    %roll3A_38 = tpu.dynamic_rotate %convert_element_type3A by %roll3A dim 1 : vector<128x4096xi32>, i32 -> vector<128x4096xi32>
    %jit3A = arith.constant 0 : i32
    %broadcast_in_dim3A = vector.broadcast %jit3A : i32 to vector<128x4096xi32>
    %select_n3A = arith.select %ge3A_37, %roll3A_38, %broadcast_in_dim3A : vector<128x4096xi1>, vector<128x4096xi32>
    %add3A_39 = arith.addi %convert_element_type3A, %select_n3A : vector<128x4096xi32>
    %min3A = arith.constant 33 : i32
    %min3A_40 = vector.broadcast %min3A : i32 to vector<128x4096xi32>
    %min3A_41 = arith.minsi %add3A_39, %min3A_40 : vector<128x4096xi32>
    %ge3A_42 = arith.constant 2 : i32
    %ge3A_43 = vector.broadcast %ge3A_42 : i32 to vector<128x4096xi32>
    %ge3A_44 = arith.cmpi sge, %iota3A, %ge3A_43 : vector<128x4096xi32>
    %roll3A_45 = arith.constant 2 : i32
    %roll3A_46 = tpu.dynamic_rotate %min3A_41 by %roll3A_45 dim 1 : vector<128x4096xi32>, i32 -> vector<128x4096xi32>
    %jit3A_47 = arith.constant 0 : i32
    %broadcast_in_dim3A_48 = vector.broadcast %jit3A_47 : i32 to vector<128x4096xi32>
    %select_n3A_49 = arith.select %ge3A_44, %roll3A_46, %broadcast_in_dim3A_48 : vector<128x4096xi1>, vector<128x4096xi32>
    %add3A_50 = arith.addi %min3A_41, %select_n3A_49 : vector<128x4096xi32>
    %min3A_51 = arith.constant 33 : i32
    %min3A_52 = vector.broadcast %min3A_51 : i32 to vector<128x4096xi32>
    %min3A_53 = arith.minsi %add3A_50, %min3A_52 : vector<128x4096xi32>
    %ge3A_54 = arith.constant 4 : i32
    %ge3A_55 = vector.broadcast %ge3A_54 : i32 to vector<128x4096xi32>
    %ge3A_56 = arith.cmpi sge, %iota3A, %ge3A_55 : vector<128x4096xi32>
    %roll3A_57 = arith.constant 4 : i32
    %roll3A_58 = tpu.dynamic_rotate %min3A_53 by %roll3A_57 dim 1 : vector<128x4096xi32>, i32 -> vector<128x4096xi32>
    %jit3A_59 = arith.constant 0 : i32
    %broadcast_in_dim3A_60 = vector.broadcast %jit3A_59 : i32 to vector<128x4096xi32>
    %select_n3A_61 = arith.select %ge3A_56, %roll3A_58, %broadcast_in_dim3A_60 : vector<128x4096xi1>, vector<128x4096xi32>
    %add3A_62 = arith.addi %min3A_53, %select_n3A_61 : vector<128x4096xi32>
    %min3A_63 = arith.constant 33 : i32
    %min3A_64 = vector.broadcast %min3A_63 : i32 to vector<128x4096xi32>
    %min3A_65 = arith.minsi %add3A_62, %min3A_64 : vector<128x4096xi32>
    %ge3A_66 = arith.constant 8 : i32
    %ge3A_67 = vector.broadcast %ge3A_66 : i32 to vector<128x4096xi32>
    %ge3A_68 = arith.cmpi sge, %iota3A, %ge3A_67 : vector<128x4096xi32>
    %roll3A_69 = arith.constant 8 : i32
    %roll3A_70 = tpu.dynamic_rotate %min3A_65 by %roll3A_69 dim 1 : vector<128x4096xi32>, i32 -> vector<128x4096xi32>
    %jit3A_71 = arith.constant 0 : i32
    %broadcast_in_dim3A_72 = vector.broadcast %jit3A_71 : i32 to vector<128x4096xi32>
    %select_n3A_73 = arith.select %ge3A_68, %roll3A_70, %broadcast_in_dim3A_72 : vector<128x4096xi1>, vector<128x4096xi32>
    %add3A_74 = arith.addi %min3A_65, %select_n3A_73 : vector<128x4096xi32>
    %min3A_75 = arith.constant 33 : i32
    %min3A_76 = vector.broadcast %min3A_75 : i32 to vector<128x4096xi32>
    %min3A_77 = arith.minsi %add3A_74, %min3A_76 : vector<128x4096xi32>
    %ge3A_78 = arith.constant 16 : i32
    %ge3A_79 = vector.broadcast %ge3A_78 : i32 to vector<128x4096xi32>
    %ge3A_80 = arith.cmpi sge, %iota3A, %ge3A_79 : vector<128x4096xi32>
    %roll3A_81 = arith.constant 16 : i32
    %roll3A_82 = tpu.dynamic_rotate %min3A_77 by %roll3A_81 dim 1 : vector<128x4096xi32>, i32 -> vector<128x4096xi32>
    %jit3A_83 = arith.constant 0 : i32
    %broadcast_in_dim3A_84 = vector.broadcast %jit3A_83 : i32 to vector<128x4096xi32>
    %select_n3A_85 = arith.select %ge3A_80, %roll3A_82, %broadcast_in_dim3A_84 : vector<128x4096xi1>, vector<128x4096xi32>
    %add3A_86 = arith.addi %min3A_77, %select_n3A_85 : vector<128x4096xi32>
    %min3A_87 = arith.constant 33 : i32
    %min3A_88 = vector.broadcast %min3A_87 : i32 to vector<128x4096xi32>
    %min3A_89 = arith.minsi %add3A_86, %min3A_88 : vector<128x4096xi32>
    %ge3A_90 = arith.constant 32 : i32
    %ge3A_91 = vector.broadcast %ge3A_90 : i32 to vector<128x4096xi32>
    %ge3A_92 = arith.cmpi sge, %iota3A, %ge3A_91 : vector<128x4096xi32>
    %roll3A_93 = arith.constant 32 : i32
    %roll3A_94 = tpu.dynamic_rotate %min3A_89 by %roll3A_93 dim 1 : vector<128x4096xi32>, i32 -> vector<128x4096xi32>
    %jit3A_95 = arith.constant 0 : i32
    %broadcast_in_dim3A_96 = vector.broadcast %jit3A_95 : i32 to vector<128x4096xi32>
    %select_n3A_97 = arith.select %ge3A_92, %roll3A_94, %broadcast_in_dim3A_96 : vector<128x4096xi1>, vector<128x4096xi32>
    %add3A_98 = arith.addi %min3A_89, %select_n3A_97 : vector<128x4096xi32>
    %min3A_99 = arith.constant 33 : i32
    %min3A_100 = vector.broadcast %min3A_99 : i32 to vector<128x4096xi32>
    %min3A_101 = arith.minsi %add3A_98, %min3A_100 : vector<128x4096xi32>
    %ge3A_102 = arith.constant 64 : i32
    %ge3A_103 = vector.broadcast %ge3A_102 : i32 to vector<128x4096xi32>
    %ge3A_104 = arith.cmpi sge, %iota3A, %ge3A_103 : vector<128x4096xi32>
    %roll3A_105 = arith.constant 64 : i32
    %roll3A_106 = tpu.dynamic_rotate %min3A_101 by %roll3A_105 dim 1 : vector<128x4096xi32>, i32 -> vector<128x4096xi32>
    %jit3A_107 = arith.constant 0 : i32
    %broadcast_in_dim3A_108 = vector.broadcast %jit3A_107 : i32 to vector<128x4096xi32>
    %select_n3A_109 = arith.select %ge3A_104, %roll3A_106, %broadcast_in_dim3A_108 : vector<128x4096xi1>, vector<128x4096xi32>
    %add3A_110 = arith.addi %min3A_101, %select_n3A_109 : vector<128x4096xi32>
    %min3A_111 = arith.constant 33 : i32
    %min3A_112 = vector.broadcast %min3A_111 : i32 to vector<128x4096xi32>
    %min3A_113 = arith.minsi %add3A_110, %min3A_112 : vector<128x4096xi32>
    %ge3A_114 = arith.constant 128 : i32
    %ge3A_115 = vector.broadcast %ge3A_114 : i32 to vector<128x4096xi32>
    %ge3A_116 = arith.cmpi sge, %iota3A, %ge3A_115 : vector<128x4096xi32>
    %roll3A_117 = arith.constant 128 : i32
    %roll3A_118 = tpu.dynamic_rotate %min3A_113 by %roll3A_117 dim 1 : vector<128x4096xi32>, i32 -> vector<128x4096xi32>
    %jit3A_119 = arith.constant 0 : i32
    %broadcast_in_dim3A_120 = vector.broadcast %jit3A_119 : i32 to vector<128x4096xi32>
    %select_n3A_121 = arith.select %ge3A_116, %roll3A_118, %broadcast_in_dim3A_120 : vector<128x4096xi1>, vector<128x4096xi32>
    %add3A_122 = arith.addi %min3A_113, %select_n3A_121 : vector<128x4096xi32>
    %min3A_123 = arith.constant 33 : i32
    %min3A_124 = vector.broadcast %min3A_123 : i32 to vector<128x4096xi32>
    %min3A_125 = arith.minsi %add3A_122, %min3A_124 : vector<128x4096xi32>
    %ge3A_126 = arith.constant 256 : i32
    %ge3A_127 = vector.broadcast %ge3A_126 : i32 to vector<128x4096xi32>
    %ge3A_128 = arith.cmpi sge, %iota3A, %ge3A_127 : vector<128x4096xi32>
    %roll3A_129 = arith.constant 256 : i32
    %roll3A_130 = tpu.dynamic_rotate %min3A_125 by %roll3A_129 dim 1 : vector<128x4096xi32>, i32 -> vector<128x4096xi32>
    %jit3A_131 = arith.constant 0 : i32
    %broadcast_in_dim3A_132 = vector.broadcast %jit3A_131 : i32 to vector<128x4096xi32>
    %select_n3A_133 = arith.select %ge3A_128, %roll3A_130, %broadcast_in_dim3A_132 : vector<128x4096xi1>, vector<128x4096xi32>
    %add3A_134 = arith.addi %min3A_125, %select_n3A_133 : vector<128x4096xi32>
    %min3A_135 = arith.constant 33 : i32
    %min3A_136 = vector.broadcast %min3A_135 : i32 to vector<128x4096xi32>
    %min3A_137 = arith.minsi %add3A_134, %min3A_136 : vector<128x4096xi32>
    %ge3A_138 = arith.constant 512 : i32
    %ge3A_139 = vector.broadcast %ge3A_138 : i32 to vector<128x4096xi32>
    %ge3A_140 = arith.cmpi sge, %iota3A, %ge3A_139 : vector<128x4096xi32>
    %roll3A_141 = arith.constant 512 : i32
    %roll3A_142 = tpu.dynamic_rotate %min3A_137 by %roll3A_141 dim 1 : vector<128x4096xi32>, i32 -> vector<128x4096xi32>
    %jit3A_143 = arith.constant 0 : i32
    %broadcast_in_dim3A_144 = vector.broadcast %jit3A_143 : i32 to vector<128x4096xi32>
    %select_n3A_145 = arith.select %ge3A_140, %roll3A_142, %broadcast_in_dim3A_144 : vector<128x4096xi1>, vector<128x4096xi32>
    %add3A_146 = arith.addi %min3A_137, %select_n3A_145 : vector<128x4096xi32>
    %min3A_147 = arith.constant 33 : i32
    %min3A_148 = vector.broadcast %min3A_147 : i32 to vector<128x4096xi32>
    %min3A_149 = arith.minsi %add3A_146, %min3A_148 : vector<128x4096xi32>
    %ge3A_150 = arith.constant 1024 : i32
    %ge3A_151 = vector.broadcast %ge3A_150 : i32 to vector<128x4096xi32>
    %ge3A_152 = arith.cmpi sge, %iota3A, %ge3A_151 : vector<128x4096xi32>
    %roll3A_153 = arith.constant 1024 : i32
    %roll3A_154 = tpu.dynamic_rotate %min3A_149 by %roll3A_153 dim 1 : vector<128x4096xi32>, i32 -> vector<128x4096xi32>
    %jit3A_155 = arith.constant 0 : i32
    %broadcast_in_dim3A_156 = vector.broadcast %jit3A_155 : i32 to vector<128x4096xi32>
    %select_n3A_157 = arith.select %ge3A_152, %roll3A_154, %broadcast_in_dim3A_156 : vector<128x4096xi1>, vector<128x4096xi32>
    %add3A_158 = arith.addi %min3A_149, %select_n3A_157 : vector<128x4096xi32>
    %min3A_159 = arith.constant 33 : i32
    %min3A_160 = vector.broadcast %min3A_159 : i32 to vector<128x4096xi32>
    %min3A_161 = arith.minsi %add3A_158, %min3A_160 : vector<128x4096xi32>
    %ge3A_162 = arith.constant 2048 : i32
    %ge3A_163 = vector.broadcast %ge3A_162 : i32 to vector<128x4096xi32>
    %ge3A_164 = arith.cmpi sge, %iota3A, %ge3A_163 : vector<128x4096xi32>
    %roll3A_165 = arith.constant 2048 : i32
    %roll3A_166 = tpu.dynamic_rotate %min3A_161 by %roll3A_165 dim 1 : vector<128x4096xi32>, i32 -> vector<128x4096xi32>
    %jit3A_167 = arith.constant 0 : i32
    %broadcast_in_dim3A_168 = vector.broadcast %jit3A_167 : i32 to vector<128x4096xi32>
    %select_n3A_169 = arith.select %ge3A_164, %roll3A_166, %broadcast_in_dim3A_168 : vector<128x4096xi1>, vector<128x4096xi32>
    %add3A_170 = arith.addi %min3A_161, %select_n3A_169 : vector<128x4096xi32>
    %min3A_171 = arith.constant 33 : i32
    %min3A_172 = vector.broadcast %min3A_171 : i32 to vector<128x4096xi32>
    %min3A_173 = arith.minsi %add3A_170, %min3A_172 : vector<128x4096xi32>
    %convert_element_type3A_174 = arith.extui %lt3A_35 : vector<128x4096xi1> to vector<128x4096xi32>
    %reduce_sum3A = arith.constant dense<0> : vector<128xi32>
    %reduce_sum3A_175 = vector.multi_reduction <add>, %convert_element_type3A_174, %reduce_sum3A [1] : vector<128x4096xi32> to vector<128xi32>
    %broadcast_in_dim3A_176 = vector.shape_cast %reduce_sum3A_175 : vector<128xi32> to vector<128x1xi32>
    %jit3A_177 = arith.constant 0 : i32
    %broadcast_in_dim3A_178 = vector.broadcast %jit3A_177 : i32 to vector<128x4096xi32>
    %select_n3A_179 = arith.select %lt3A_35, %min3A_173, %broadcast_in_dim3A_178 : vector<128x4096xi1>, vector<128x4096xi32>
    %iota3A_180 = tpu.iota {dimensions = array<i32: 1>} : vector<128x32xi32>
    %broadcast_in_dim3A_181 = arith.constant 0 : i32
    %broadcast_in_dim3A_182 = vector.broadcast %broadcast_in_dim3A_181 : i32 to vector<128x32xi32>
    %eq3A = arith.constant 1 : i32
    %eq3A_183 = vector.broadcast %eq3A : i32 to vector<128x4096xi32>
    %eq3A_184 = arith.cmpi eq, %select_n3A_179, %eq3A_183 : vector<128x4096xi32>
    %jit3A_185 = arith.constant 0 : i32
    %broadcast_in_dim3A_186 = vector.broadcast %jit3A_185 : i32 to vector<128x4096xi32>
    %select_n3A_187 = arith.select %eq3A_184, %iota3A, %broadcast_in_dim3A_186 : vector<128x4096xi1>, vector<128x4096xi32>
    %reduce_max3A = arith.constant dense<-2147483648> : vector<128xi32>
    %reduce_max3A_188 = vector.multi_reduction <maxsi>, %select_n3A_187, %reduce_max3A [1] : vector<128x4096xi32> to vector<128xi32>
    %broadcast_in_dim3A_189 = vector.shape_cast %reduce_max3A_188 : vector<128xi32> to vector<128x1xi32>
    %eq3A_190 = arith.constant 0 : i32
    %eq3A_191 = vector.broadcast %eq3A_190 : i32 to vector<128x32xi32>
    %eq3A_192 = arith.cmpi eq, %iota3A_180, %eq3A_191 : vector<128x32xi32>
    %broadcast_in_dim3A_193 = vector.shape_cast %broadcast_in_dim3A_189 : vector<128x1xi32> to vector<128x1xi32>
    %broadcast_in_dim3A_194 = vector.broadcast %broadcast_in_dim3A_193 : vector<128x1xi32> to vector<128x32xi32>
    %select_n3A_195 = arith.select %eq3A_192, %broadcast_in_dim3A_194, %broadcast_in_dim3A_182 : vector<128x32xi1>, vector<128x32xi32>
    %eq3A_196 = arith.constant 2 : i32
    %eq3A_197 = vector.broadcast %eq3A_196 : i32 to vector<128x4096xi32>
    %eq3A_198 = arith.cmpi eq, %select_n3A_179, %eq3A_197 : vector<128x4096xi32>
    %jit3A_199 = arith.constant 0 : i32
    %broadcast_in_dim3A_200 = vector.broadcast %jit3A_199 : i32 to vector<128x4096xi32>
    %select_n3A_201 = arith.select %eq3A_198, %iota3A, %broadcast_in_dim3A_200 : vector<128x4096xi1>, vector<128x4096xi32>
    %reduce_max3A_202 = arith.constant dense<-2147483648> : vector<128xi32>
    %reduce_max3A_203 = vector.multi_reduction <maxsi>, %select_n3A_201, %reduce_max3A_202 [1] : vector<128x4096xi32> to vector<128xi32>
    %broadcast_in_dim3A_204 = vector.shape_cast %reduce_max3A_203 : vector<128xi32> to vector<128x1xi32>
    %eq3A_205 = arith.constant 1 : i32
    %eq3A_206 = vector.broadcast %eq3A_205 : i32 to vector<128x32xi32>
    %eq3A_207 = arith.cmpi eq, %iota3A_180, %eq3A_206 : vector<128x32xi32>
    %broadcast_in_dim3A_208 = vector.shape_cast %broadcast_in_dim3A_204 : vector<128x1xi32> to vector<128x1xi32>
    %broadcast_in_dim3A_209 = vector.broadcast %broadcast_in_dim3A_208 : vector<128x1xi32> to vector<128x32xi32>
    %select_n3A_210 = arith.select %eq3A_207, %broadcast_in_dim3A_209, %select_n3A_195 : vector<128x32xi1>, vector<128x32xi32>
    %eq3A_211 = arith.constant 3 : i32
    %eq3A_212 = vector.broadcast %eq3A_211 : i32 to vector<128x4096xi32>
    %eq3A_213 = arith.cmpi eq, %select_n3A_179, %eq3A_212 : vector<128x4096xi32>
    %jit3A_214 = arith.constant 0 : i32
    %broadcast_in_dim3A_215 = vector.broadcast %jit3A_214 : i32 to vector<128x4096xi32>
    %select_n3A_216 = arith.select %eq3A_213, %iota3A, %broadcast_in_dim3A_215 : vector<128x4096xi1>, vector<128x4096xi32>
    %reduce_max3A_217 = arith.constant dense<-2147483648> : vector<128xi32>
    %reduce_max3A_218 = vector.multi_reduction <maxsi>, %select_n3A_216, %reduce_max3A_217 [1] : vector<128x4096xi32> to vector<128xi32>
    %broadcast_in_dim3A_219 = vector.shape_cast %reduce_max3A_218 : vector<128xi32> to vector<128x1xi32>
    %eq3A_220 = arith.constant 2 : i32
    %eq3A_221 = vector.broadcast %eq3A_220 : i32 to vector<128x32xi32>
    %eq3A_222 = arith.cmpi eq, %iota3A_180, %eq3A_221 : vector<128x32xi32>
    %broadcast_in_dim3A_223 = vector.shape_cast %broadcast_in_dim3A_219 : vector<128x1xi32> to vector<128x1xi32>
    %broadcast_in_dim3A_224 = vector.broadcast %broadcast_in_dim3A_223 : vector<128x1xi32> to vector<128x32xi32>
    %select_n3A_225 = arith.select %eq3A_222, %broadcast_in_dim3A_224, %select_n3A_210 : vector<128x32xi1>, vector<128x32xi32>
    %eq3A_226 = arith.constant 4 : i32
    %eq3A_227 = vector.broadcast %eq3A_226 : i32 to vector<128x4096xi32>
    %eq3A_228 = arith.cmpi eq, %select_n3A_179, %eq3A_227 : vector<128x4096xi32>
    %jit3A_229 = arith.constant 0 : i32
    %broadcast_in_dim3A_230 = vector.broadcast %jit3A_229 : i32 to vector<128x4096xi32>
    %select_n3A_231 = arith.select %eq3A_228, %iota3A, %broadcast_in_dim3A_230 : vector<128x4096xi1>, vector<128x4096xi32>
    %reduce_max3A_232 = arith.constant dense<-2147483648> : vector<128xi32>
    %reduce_max3A_233 = vector.multi_reduction <maxsi>, %select_n3A_231, %reduce_max3A_232 [1] : vector<128x4096xi32> to vector<128xi32>
    %broadcast_in_dim3A_234 = vector.shape_cast %reduce_max3A_233 : vector<128xi32> to vector<128x1xi32>
    %eq3A_235 = arith.constant 3 : i32
    %eq3A_236 = vector.broadcast %eq3A_235 : i32 to vector<128x32xi32>
    %eq3A_237 = arith.cmpi eq, %iota3A_180, %eq3A_236 : vector<128x32xi32>
    %broadcast_in_dim3A_238 = vector.shape_cast %broadcast_in_dim3A_234 : vector<128x1xi32> to vector<128x1xi32>
    %broadcast_in_dim3A_239 = vector.broadcast %broadcast_in_dim3A_238 : vector<128x1xi32> to vector<128x32xi32>
    %select_n3A_240 = arith.select %eq3A_237, %broadcast_in_dim3A_239, %select_n3A_225 : vector<128x32xi1>, vector<128x32xi32>
    %eq3A_241 = arith.constant 5 : i32
    %eq3A_242 = vector.broadcast %eq3A_241 : i32 to vector<128x4096xi32>
    %eq3A_243 = arith.cmpi eq, %select_n3A_179, %eq3A_242 : vector<128x4096xi32>
    %jit3A_244 = arith.constant 0 : i32
    %broadcast_in_dim3A_245 = vector.broadcast %jit3A_244 : i32 to vector<128x4096xi32>
    %select_n3A_246 = arith.select %eq3A_243, %iota3A, %broadcast_in_dim3A_245 : vector<128x4096xi1>, vector<128x4096xi32>
    %reduce_max3A_247 = arith.constant dense<-2147483648> : vector<128xi32>
    %reduce_max3A_248 = vector.multi_reduction <maxsi>, %select_n3A_246, %reduce_max3A_247 [1] : vector<128x4096xi32> to vector<128xi32>
    %broadcast_in_dim3A_249 = vector.shape_cast %reduce_max3A_248 : vector<128xi32> to vector<128x1xi32>
    %eq3A_250 = arith.constant 4 : i32
    %eq3A_251 = vector.broadcast %eq3A_250 : i32 to vector<128x32xi32>
    %eq3A_252 = arith.cmpi eq, %iota3A_180, %eq3A_251 : vector<128x32xi32>
    %broadcast_in_dim3A_253 = vector.shape_cast %broadcast_in_dim3A_249 : vector<128x1xi32> to vector<128x1xi32>
    %broadcast_in_dim3A_254 = vector.broadcast %broadcast_in_dim3A_253 : vector<128x1xi32> to vector<128x32xi32>
    %select_n3A_255 = arith.select %eq3A_252, %broadcast_in_dim3A_254, %select_n3A_240 : vector<128x32xi1>, vector<128x32xi32>
    %eq3A_256 = arith.constant 6 : i32
    %eq3A_257 = vector.broadcast %eq3A_256 : i32 to vector<128x4096xi32>
    %eq3A_258 = arith.cmpi eq, %select_n3A_179, %eq3A_257 : vector<128x4096xi32>
    %jit3A_259 = arith.constant 0 : i32
    %broadcast_in_dim3A_260 = vector.broadcast %jit3A_259 : i32 to vector<128x4096xi32>
    %select_n3A_261 = arith.select %eq3A_258, %iota3A, %broadcast_in_dim3A_260 : vector<128x4096xi1>, vector<128x4096xi32>
    %reduce_max3A_262 = arith.constant dense<-2147483648> : vector<128xi32>
    %reduce_max3A_263 = vector.multi_reduction <maxsi>, %select_n3A_261, %reduce_max3A_262 [1] : vector<128x4096xi32> to vector<128xi32>
    %broadcast_in_dim3A_264 = vector.shape_cast %reduce_max3A_263 : vector<128xi32> to vector<128x1xi32>
    %eq3A_265 = arith.constant 5 : i32
    %eq3A_266 = vector.broadcast %eq3A_265 : i32 to vector<128x32xi32>
    %eq3A_267 = arith.cmpi eq, %iota3A_180, %eq3A_266 : vector<128x32xi32>
    %broadcast_in_dim3A_268 = vector.shape_cast %broadcast_in_dim3A_264 : vector<128x1xi32> to vector<128x1xi32>
    %broadcast_in_dim3A_269 = vector.broadcast %broadcast_in_dim3A_268 : vector<128x1xi32> to vector<128x32xi32>
    %select_n3A_270 = arith.select %eq3A_267, %broadcast_in_dim3A_269, %select_n3A_255 : vector<128x32xi1>, vector<128x32xi32>
    %eq3A_271 = arith.constant 7 : i32
    %eq3A_272 = vector.broadcast %eq3A_271 : i32 to vector<128x4096xi32>
    %eq3A_273 = arith.cmpi eq, %select_n3A_179, %eq3A_272 : vector<128x4096xi32>
    %jit3A_274 = arith.constant 0 : i32
    %broadcast_in_dim3A_275 = vector.broadcast %jit3A_274 : i32 to vector<128x4096xi32>
    %select_n3A_276 = arith.select %eq3A_273, %iota3A, %broadcast_in_dim3A_275 : vector<128x4096xi1>, vector<128x4096xi32>
    %reduce_max3A_277 = arith.constant dense<-2147483648> : vector<128xi32>
    %reduce_max3A_278 = vector.multi_reduction <maxsi>, %select_n3A_276, %reduce_max3A_277 [1] : vector<128x4096xi32> to vector<128xi32>
    %broadcast_in_dim3A_279 = vector.shape_cast %reduce_max3A_278 : vector<128xi32> to vector<128x1xi32>
    %eq3A_280 = arith.constant 6 : i32
    %eq3A_281 = vector.broadcast %eq3A_280 : i32 to vector<128x32xi32>
    %eq3A_282 = arith.cmpi eq, %iota3A_180, %eq3A_281 : vector<128x32xi32>
    %broadcast_in_dim3A_283 = vector.shape_cast %broadcast_in_dim3A_279 : vector<128x1xi32> to vector<128x1xi32>
    %broadcast_in_dim3A_284 = vector.broadcast %broadcast_in_dim3A_283 : vector<128x1xi32> to vector<128x32xi32>
    %select_n3A_285 = arith.select %eq3A_282, %broadcast_in_dim3A_284, %select_n3A_270 : vector<128x32xi1>, vector<128x32xi32>
    %eq3A_286 = arith.constant 8 : i32
    %eq3A_287 = vector.broadcast %eq3A_286 : i32 to vector<128x4096xi32>
    %eq3A_288 = arith.cmpi eq, %select_n3A_179, %eq3A_287 : vector<128x4096xi32>
    %jit3A_289 = arith.constant 0 : i32
    %broadcast_in_dim3A_290 = vector.broadcast %jit3A_289 : i32 to vector<128x4096xi32>
    %select_n3A_291 = arith.select %eq3A_288, %iota3A, %broadcast_in_dim3A_290 : vector<128x4096xi1>, vector<128x4096xi32>
    %reduce_max3A_292 = arith.constant dense<-2147483648> : vector<128xi32>
    %reduce_max3A_293 = vector.multi_reduction <maxsi>, %select_n3A_291, %reduce_max3A_292 [1] : vector<128x4096xi32> to vector<128xi32>
    %broadcast_in_dim3A_294 = vector.shape_cast %reduce_max3A_293 : vector<128xi32> to vector<128x1xi32>
    %eq3A_295 = arith.constant 7 : i32
    %eq3A_296 = vector.broadcast %eq3A_295 : i32 to vector<128x32xi32>
    %eq3A_297 = arith.cmpi eq, %iota3A_180, %eq3A_296 : vector<128x32xi32>
    %broadcast_in_dim3A_298 = vector.shape_cast %broadcast_in_dim3A_294 : vector<128x1xi32> to vector<128x1xi32>
    %broadcast_in_dim3A_299 = vector.broadcast %broadcast_in_dim3A_298 : vector<128x1xi32> to vector<128x32xi32>
    %select_n3A_300 = arith.select %eq3A_297, %broadcast_in_dim3A_299, %select_n3A_285 : vector<128x32xi1>, vector<128x32xi32>
    %eq3A_301 = arith.constant 9 : i32
    %eq3A_302 = vector.broadcast %eq3A_301 : i32 to vector<128x4096xi32>
    %eq3A_303 = arith.cmpi eq, %select_n3A_179, %eq3A_302 : vector<128x4096xi32>
    %jit3A_304 = arith.constant 0 : i32
    %broadcast_in_dim3A_305 = vector.broadcast %jit3A_304 : i32 to vector<128x4096xi32>
    %select_n3A_306 = arith.select %eq3A_303, %iota3A, %broadcast_in_dim3A_305 : vector<128x4096xi1>, vector<128x4096xi32>
    %reduce_max3A_307 = arith.constant dense<-2147483648> : vector<128xi32>
    %reduce_max3A_308 = vector.multi_reduction <maxsi>, %select_n3A_306, %reduce_max3A_307 [1] : vector<128x4096xi32> to vector<128xi32>
    %broadcast_in_dim3A_309 = vector.shape_cast %reduce_max3A_308 : vector<128xi32> to vector<128x1xi32>
    %eq3A_310 = arith.constant 8 : i32
    %eq3A_311 = vector.broadcast %eq3A_310 : i32 to vector<128x32xi32>
    %eq3A_312 = arith.cmpi eq, %iota3A_180, %eq3A_311 : vector<128x32xi32>
    %broadcast_in_dim3A_313 = vector.shape_cast %broadcast_in_dim3A_309 : vector<128x1xi32> to vector<128x1xi32>
    %broadcast_in_dim3A_314 = vector.broadcast %broadcast_in_dim3A_313 : vector<128x1xi32> to vector<128x32xi32>
    %select_n3A_315 = arith.select %eq3A_312, %broadcast_in_dim3A_314, %select_n3A_300 : vector<128x32xi1>, vector<128x32xi32>
    %eq3A_316 = arith.constant 10 : i32
    %eq3A_317 = vector.broadcast %eq3A_316 : i32 to vector<128x4096xi32>
    %eq3A_318 = arith.cmpi eq, %select_n3A_179, %eq3A_317 : vector<128x4096xi32>
    %jit3A_319 = arith.constant 0 : i32
    %broadcast_in_dim3A_320 = vector.broadcast %jit3A_319 : i32 to vector<128x4096xi32>
    %select_n3A_321 = arith.select %eq3A_318, %iota3A, %broadcast_in_dim3A_320 : vector<128x4096xi1>, vector<128x4096xi32>
    %reduce_max3A_322 = arith.constant dense<-2147483648> : vector<128xi32>
    %reduce_max3A_323 = vector.multi_reduction <maxsi>, %select_n3A_321, %reduce_max3A_322 [1] : vector<128x4096xi32> to vector<128xi32>
    %broadcast_in_dim3A_324 = vector.shape_cast %reduce_max3A_323 : vector<128xi32> to vector<128x1xi32>
    %eq3A_325 = arith.constant 9 : i32
    %eq3A_326 = vector.broadcast %eq3A_325 : i32 to vector<128x32xi32>
    %eq3A_327 = arith.cmpi eq, %iota3A_180, %eq3A_326 : vector<128x32xi32>
    %broadcast_in_dim3A_328 = vector.shape_cast %broadcast_in_dim3A_324 : vector<128x1xi32> to vector<128x1xi32>
    %broadcast_in_dim3A_329 = vector.broadcast %broadcast_in_dim3A_328 : vector<128x1xi32> to vector<128x32xi32>
    %select_n3A_330 = arith.select %eq3A_327, %broadcast_in_dim3A_329, %select_n3A_315 : vector<128x32xi1>, vector<128x32xi32>
    %eq3A_331 = arith.constant 11 : i32
    %eq3A_332 = vector.broadcast %eq3A_331 : i32 to vector<128x4096xi32>
    %eq3A_333 = arith.cmpi eq, %select_n3A_179, %eq3A_332 : vector<128x4096xi32>
    %jit3A_334 = arith.constant 0 : i32
    %broadcast_in_dim3A_335 = vector.broadcast %jit3A_334 : i32 to vector<128x4096xi32>
    %select_n3A_336 = arith.select %eq3A_333, %iota3A, %broadcast_in_dim3A_335 : vector<128x4096xi1>, vector<128x4096xi32>
    %reduce_max3A_337 = arith.constant dense<-2147483648> : vector<128xi32>
    %reduce_max3A_338 = vector.multi_reduction <maxsi>, %select_n3A_336, %reduce_max3A_337 [1] : vector<128x4096xi32> to vector<128xi32>
    %broadcast_in_dim3A_339 = vector.shape_cast %reduce_max3A_338 : vector<128xi32> to vector<128x1xi32>
    %eq3A_340 = arith.constant 10 : i32
    %eq3A_341 = vector.broadcast %eq3A_340 : i32 to vector<128x32xi32>
    %eq3A_342 = arith.cmpi eq, %iota3A_180, %eq3A_341 : vector<128x32xi32>
    %broadcast_in_dim3A_343 = vector.shape_cast %broadcast_in_dim3A_339 : vector<128x1xi32> to vector<128x1xi32>
    %broadcast_in_dim3A_344 = vector.broadcast %broadcast_in_dim3A_343 : vector<128x1xi32> to vector<128x32xi32>
    %select_n3A_345 = arith.select %eq3A_342, %broadcast_in_dim3A_344, %select_n3A_330 : vector<128x32xi1>, vector<128x32xi32>
    %eq3A_346 = arith.constant 12 : i32
    %eq3A_347 = vector.broadcast %eq3A_346 : i32 to vector<128x4096xi32>
    %eq3A_348 = arith.cmpi eq, %select_n3A_179, %eq3A_347 : vector<128x4096xi32>
    %jit3A_349 = arith.constant 0 : i32
    %broadcast_in_dim3A_350 = vector.broadcast %jit3A_349 : i32 to vector<128x4096xi32>
    %select_n3A_351 = arith.select %eq3A_348, %iota3A, %broadcast_in_dim3A_350 : vector<128x4096xi1>, vector<128x4096xi32>
    %reduce_max3A_352 = arith.constant dense<-2147483648> : vector<128xi32>
    %reduce_max3A_353 = vector.multi_reduction <maxsi>, %select_n3A_351, %reduce_max3A_352 [1] : vector<128x4096xi32> to vector<128xi32>
    %broadcast_in_dim3A_354 = vector.shape_cast %reduce_max3A_353 : vector<128xi32> to vector<128x1xi32>
    %eq3A_355 = arith.constant 11 : i32
    %eq3A_356 = vector.broadcast %eq3A_355 : i32 to vector<128x32xi32>
    %eq3A_357 = arith.cmpi eq, %iota3A_180, %eq3A_356 : vector<128x32xi32>
    %broadcast_in_dim3A_358 = vector.shape_cast %broadcast_in_dim3A_354 : vector<128x1xi32> to vector<128x1xi32>
    %broadcast_in_dim3A_359 = vector.broadcast %broadcast_in_dim3A_358 : vector<128x1xi32> to vector<128x32xi32>
    %select_n3A_360 = arith.select %eq3A_357, %broadcast_in_dim3A_359, %select_n3A_345 : vector<128x32xi1>, vector<128x32xi32>
    %eq3A_361 = arith.constant 13 : i32
    %eq3A_362 = vector.broadcast %eq3A_361 : i32 to vector<128x4096xi32>
    %eq3A_363 = arith.cmpi eq, %select_n3A_179, %eq3A_362 : vector<128x4096xi32>
    %jit3A_364 = arith.constant 0 : i32
    %broadcast_in_dim3A_365 = vector.broadcast %jit3A_364 : i32 to vector<128x4096xi32>
    %select_n3A_366 = arith.select %eq3A_363, %iota3A, %broadcast_in_dim3A_365 : vector<128x4096xi1>, vector<128x4096xi32>
    %reduce_max3A_367 = arith.constant dense<-2147483648> : vector<128xi32>
    %reduce_max3A_368 = vector.multi_reduction <maxsi>, %select_n3A_366, %reduce_max3A_367 [1] : vector<128x4096xi32> to vector<128xi32>
    %broadcast_in_dim3A_369 = vector.shape_cast %reduce_max3A_368 : vector<128xi32> to vector<128x1xi32>
    %eq3A_370 = arith.constant 12 : i32
    %eq3A_371 = vector.broadcast %eq3A_370 : i32 to vector<128x32xi32>
    %eq3A_372 = arith.cmpi eq, %iota3A_180, %eq3A_371 : vector<128x32xi32>
    %broadcast_in_dim3A_373 = vector.shape_cast %broadcast_in_dim3A_369 : vector<128x1xi32> to vector<128x1xi32>
    %broadcast_in_dim3A_374 = vector.broadcast %broadcast_in_dim3A_373 : vector<128x1xi32> to vector<128x32xi32>
    %select_n3A_375 = arith.select %eq3A_372, %broadcast_in_dim3A_374, %select_n3A_360 : vector<128x32xi1>, vector<128x32xi32>
    %eq3A_376 = arith.constant 14 : i32
    %eq3A_377 = vector.broadcast %eq3A_376 : i32 to vector<128x4096xi32>
    %eq3A_378 = arith.cmpi eq, %select_n3A_179, %eq3A_377 : vector<128x4096xi32>
    %jit3A_379 = arith.constant 0 : i32
    %broadcast_in_dim3A_380 = vector.broadcast %jit3A_379 : i32 to vector<128x4096xi32>
    %select_n3A_381 = arith.select %eq3A_378, %iota3A, %broadcast_in_dim3A_380 : vector<128x4096xi1>, vector<128x4096xi32>
    %reduce_max3A_382 = arith.constant dense<-2147483648> : vector<128xi32>
    %reduce_max3A_383 = vector.multi_reduction <maxsi>, %select_n3A_381, %reduce_max3A_382 [1] : vector<128x4096xi32> to vector<128xi32>
    %broadcast_in_dim3A_384 = vector.shape_cast %reduce_max3A_383 : vector<128xi32> to vector<128x1xi32>
    %eq3A_385 = arith.constant 13 : i32
    %eq3A_386 = vector.broadcast %eq3A_385 : i32 to vector<128x32xi32>
    %eq3A_387 = arith.cmpi eq, %iota3A_180, %eq3A_386 : vector<128x32xi32>
    %broadcast_in_dim3A_388 = vector.shape_cast %broadcast_in_dim3A_384 : vector<128x1xi32> to vector<128x1xi32>
    %broadcast_in_dim3A_389 = vector.broadcast %broadcast_in_dim3A_388 : vector<128x1xi32> to vector<128x32xi32>
    %select_n3A_390 = arith.select %eq3A_387, %broadcast_in_dim3A_389, %select_n3A_375 : vector<128x32xi1>, vector<128x32xi32>
    %eq3A_391 = arith.constant 15 : i32
    %eq3A_392 = vector.broadcast %eq3A_391 : i32 to vector<128x4096xi32>
    %eq3A_393 = arith.cmpi eq, %select_n3A_179, %eq3A_392 : vector<128x4096xi32>
    %jit3A_394 = arith.constant 0 : i32
    %broadcast_in_dim3A_395 = vector.broadcast %jit3A_394 : i32 to vector<128x4096xi32>
    %select_n3A_396 = arith.select %eq3A_393, %iota3A, %broadcast_in_dim3A_395 : vector<128x4096xi1>, vector<128x4096xi32>
    %reduce_max3A_397 = arith.constant dense<-2147483648> : vector<128xi32>
    %reduce_max3A_398 = vector.multi_reduction <maxsi>, %select_n3A_396, %reduce_max3A_397 [1] : vector<128x4096xi32> to vector<128xi32>
    %broadcast_in_dim3A_399 = vector.shape_cast %reduce_max3A_398 : vector<128xi32> to vector<128x1xi32>
    %eq3A_400 = arith.constant 14 : i32
    %eq3A_401 = vector.broadcast %eq3A_400 : i32 to vector<128x32xi32>
    %eq3A_402 = arith.cmpi eq, %iota3A_180, %eq3A_401 : vector<128x32xi32>
    %broadcast_in_dim3A_403 = vector.shape_cast %broadcast_in_dim3A_399 : vector<128x1xi32> to vector<128x1xi32>
    %broadcast_in_dim3A_404 = vector.broadcast %broadcast_in_dim3A_403 : vector<128x1xi32> to vector<128x32xi32>
    %select_n3A_405 = arith.select %eq3A_402, %broadcast_in_dim3A_404, %select_n3A_390 : vector<128x32xi1>, vector<128x32xi32>
    %eq3A_406 = arith.constant 16 : i32
    %eq3A_407 = vector.broadcast %eq3A_406 : i32 to vector<128x4096xi32>
    %eq3A_408 = arith.cmpi eq, %select_n3A_179, %eq3A_407 : vector<128x4096xi32>
    %jit3A_409 = arith.constant 0 : i32
    %broadcast_in_dim3A_410 = vector.broadcast %jit3A_409 : i32 to vector<128x4096xi32>
    %select_n3A_411 = arith.select %eq3A_408, %iota3A, %broadcast_in_dim3A_410 : vector<128x4096xi1>, vector<128x4096xi32>
    %reduce_max3A_412 = arith.constant dense<-2147483648> : vector<128xi32>
    %reduce_max3A_413 = vector.multi_reduction <maxsi>, %select_n3A_411, %reduce_max3A_412 [1] : vector<128x4096xi32> to vector<128xi32>
    %broadcast_in_dim3A_414 = vector.shape_cast %reduce_max3A_413 : vector<128xi32> to vector<128x1xi32>
    %eq3A_415 = arith.constant 15 : i32
    %eq3A_416 = vector.broadcast %eq3A_415 : i32 to vector<128x32xi32>
    %eq3A_417 = arith.cmpi eq, %iota3A_180, %eq3A_416 : vector<128x32xi32>
    %broadcast_in_dim3A_418 = vector.shape_cast %broadcast_in_dim3A_414 : vector<128x1xi32> to vector<128x1xi32>
    %broadcast_in_dim3A_419 = vector.broadcast %broadcast_in_dim3A_418 : vector<128x1xi32> to vector<128x32xi32>
    %select_n3A_420 = arith.select %eq3A_417, %broadcast_in_dim3A_419, %select_n3A_405 : vector<128x32xi1>, vector<128x32xi32>
    %eq3A_421 = arith.constant 17 : i32
    %eq3A_422 = vector.broadcast %eq3A_421 : i32 to vector<128x4096xi32>
    %eq3A_423 = arith.cmpi eq, %select_n3A_179, %eq3A_422 : vector<128x4096xi32>
    %jit3A_424 = arith.constant 0 : i32
    %broadcast_in_dim3A_425 = vector.broadcast %jit3A_424 : i32 to vector<128x4096xi32>
    %select_n3A_426 = arith.select %eq3A_423, %iota3A, %broadcast_in_dim3A_425 : vector<128x4096xi1>, vector<128x4096xi32>
    %reduce_max3A_427 = arith.constant dense<-2147483648> : vector<128xi32>
    %reduce_max3A_428 = vector.multi_reduction <maxsi>, %select_n3A_426, %reduce_max3A_427 [1] : vector<128x4096xi32> to vector<128xi32>
    %broadcast_in_dim3A_429 = vector.shape_cast %reduce_max3A_428 : vector<128xi32> to vector<128x1xi32>
    %eq3A_430 = arith.constant 16 : i32
    %eq3A_431 = vector.broadcast %eq3A_430 : i32 to vector<128x32xi32>
    %eq3A_432 = arith.cmpi eq, %iota3A_180, %eq3A_431 : vector<128x32xi32>
    %broadcast_in_dim3A_433 = vector.shape_cast %broadcast_in_dim3A_429 : vector<128x1xi32> to vector<128x1xi32>
    %broadcast_in_dim3A_434 = vector.broadcast %broadcast_in_dim3A_433 : vector<128x1xi32> to vector<128x32xi32>
    %select_n3A_435 = arith.select %eq3A_432, %broadcast_in_dim3A_434, %select_n3A_420 : vector<128x32xi1>, vector<128x32xi32>
    %eq3A_436 = arith.constant 18 : i32
    %eq3A_437 = vector.broadcast %eq3A_436 : i32 to vector<128x4096xi32>
    %eq3A_438 = arith.cmpi eq, %select_n3A_179, %eq3A_437 : vector<128x4096xi32>
    %jit3A_439 = arith.constant 0 : i32
    %broadcast_in_dim3A_440 = vector.broadcast %jit3A_439 : i32 to vector<128x4096xi32>
    %select_n3A_441 = arith.select %eq3A_438, %iota3A, %broadcast_in_dim3A_440 : vector<128x4096xi1>, vector<128x4096xi32>
    %reduce_max3A_442 = arith.constant dense<-2147483648> : vector<128xi32>
    %reduce_max3A_443 = vector.multi_reduction <maxsi>, %select_n3A_441, %reduce_max3A_442 [1] : vector<128x4096xi32> to vector<128xi32>
    %broadcast_in_dim3A_444 = vector.shape_cast %reduce_max3A_443 : vector<128xi32> to vector<128x1xi32>
    %eq3A_445 = arith.constant 17 : i32
    %eq3A_446 = vector.broadcast %eq3A_445 : i32 to vector<128x32xi32>
    %eq3A_447 = arith.cmpi eq, %iota3A_180, %eq3A_446 : vector<128x32xi32>
    %broadcast_in_dim3A_448 = vector.shape_cast %broadcast_in_dim3A_444 : vector<128x1xi32> to vector<128x1xi32>
    %broadcast_in_dim3A_449 = vector.broadcast %broadcast_in_dim3A_448 : vector<128x1xi32> to vector<128x32xi32>
    %select_n3A_450 = arith.select %eq3A_447, %broadcast_in_dim3A_449, %select_n3A_435 : vector<128x32xi1>, vector<128x32xi32>
    %eq3A_451 = arith.constant 19 : i32
    %eq3A_452 = vector.broadcast %eq3A_451 : i32 to vector<128x4096xi32>
    %eq3A_453 = arith.cmpi eq, %select_n3A_179, %eq3A_452 : vector<128x4096xi32>
    %jit3A_454 = arith.constant 0 : i32
    %broadcast_in_dim3A_455 = vector.broadcast %jit3A_454 : i32 to vector<128x4096xi32>
    %select_n3A_456 = arith.select %eq3A_453, %iota3A, %broadcast_in_dim3A_455 : vector<128x4096xi1>, vector<128x4096xi32>
    %reduce_max3A_457 = arith.constant dense<-2147483648> : vector<128xi32>
    %reduce_max3A_458 = vector.multi_reduction <maxsi>, %select_n3A_456, %reduce_max3A_457 [1] : vector<128x4096xi32> to vector<128xi32>
    %broadcast_in_dim3A_459 = vector.shape_cast %reduce_max3A_458 : vector<128xi32> to vector<128x1xi32>
    %eq3A_460 = arith.constant 18 : i32
    %eq3A_461 = vector.broadcast %eq3A_460 : i32 to vector<128x32xi32>
    %eq3A_462 = arith.cmpi eq, %iota3A_180, %eq3A_461 : vector<128x32xi32>
    %broadcast_in_dim3A_463 = vector.shape_cast %broadcast_in_dim3A_459 : vector<128x1xi32> to vector<128x1xi32>
    %broadcast_in_dim3A_464 = vector.broadcast %broadcast_in_dim3A_463 : vector<128x1xi32> to vector<128x32xi32>
    %select_n3A_465 = arith.select %eq3A_462, %broadcast_in_dim3A_464, %select_n3A_450 : vector<128x32xi1>, vector<128x32xi32>
    %eq3A_466 = arith.constant 20 : i32
    %eq3A_467 = vector.broadcast %eq3A_466 : i32 to vector<128x4096xi32>
    %eq3A_468 = arith.cmpi eq, %select_n3A_179, %eq3A_467 : vector<128x4096xi32>
    %jit3A_469 = arith.constant 0 : i32
    %broadcast_in_dim3A_470 = vector.broadcast %jit3A_469 : i32 to vector<128x4096xi32>
    %select_n3A_471 = arith.select %eq3A_468, %iota3A, %broadcast_in_dim3A_470 : vector<128x4096xi1>, vector<128x4096xi32>
    %reduce_max3A_472 = arith.constant dense<-2147483648> : vector<128xi32>
    %reduce_max3A_473 = vector.multi_reduction <maxsi>, %select_n3A_471, %reduce_max3A_472 [1] : vector<128x4096xi32> to vector<128xi32>
    %broadcast_in_dim3A_474 = vector.shape_cast %reduce_max3A_473 : vector<128xi32> to vector<128x1xi32>
    %eq3A_475 = arith.constant 19 : i32
    %eq3A_476 = vector.broadcast %eq3A_475 : i32 to vector<128x32xi32>
    %eq3A_477 = arith.cmpi eq, %iota3A_180, %eq3A_476 : vector<128x32xi32>
    %broadcast_in_dim3A_478 = vector.shape_cast %broadcast_in_dim3A_474 : vector<128x1xi32> to vector<128x1xi32>
    %broadcast_in_dim3A_479 = vector.broadcast %broadcast_in_dim3A_478 : vector<128x1xi32> to vector<128x32xi32>
    %select_n3A_480 = arith.select %eq3A_477, %broadcast_in_dim3A_479, %select_n3A_465 : vector<128x32xi1>, vector<128x32xi32>
    %eq3A_481 = arith.constant 21 : i32
    %eq3A_482 = vector.broadcast %eq3A_481 : i32 to vector<128x4096xi32>
    %eq3A_483 = arith.cmpi eq, %select_n3A_179, %eq3A_482 : vector<128x4096xi32>
    %jit3A_484 = arith.constant 0 : i32
    %broadcast_in_dim3A_485 = vector.broadcast %jit3A_484 : i32 to vector<128x4096xi32>
    %select_n3A_486 = arith.select %eq3A_483, %iota3A, %broadcast_in_dim3A_485 : vector<128x4096xi1>, vector<128x4096xi32>
    %reduce_max3A_487 = arith.constant dense<-2147483648> : vector<128xi32>
    %reduce_max3A_488 = vector.multi_reduction <maxsi>, %select_n3A_486, %reduce_max3A_487 [1] : vector<128x4096xi32> to vector<128xi32>
    %broadcast_in_dim3A_489 = vector.shape_cast %reduce_max3A_488 : vector<128xi32> to vector<128x1xi32>
    %eq3A_490 = arith.constant 20 : i32
    %eq3A_491 = vector.broadcast %eq3A_490 : i32 to vector<128x32xi32>
    %eq3A_492 = arith.cmpi eq, %iota3A_180, %eq3A_491 : vector<128x32xi32>
    %broadcast_in_dim3A_493 = vector.shape_cast %broadcast_in_dim3A_489 : vector<128x1xi32> to vector<128x1xi32>
    %broadcast_in_dim3A_494 = vector.broadcast %broadcast_in_dim3A_493 : vector<128x1xi32> to vector<128x32xi32>
    %select_n3A_495 = arith.select %eq3A_492, %broadcast_in_dim3A_494, %select_n3A_480 : vector<128x32xi1>, vector<128x32xi32>
    %eq3A_496 = arith.constant 22 : i32
    %eq3A_497 = vector.broadcast %eq3A_496 : i32 to vector<128x4096xi32>
    %eq3A_498 = arith.cmpi eq, %select_n3A_179, %eq3A_497 : vector<128x4096xi32>
    %jit3A_499 = arith.constant 0 : i32
    %broadcast_in_dim3A_500 = vector.broadcast %jit3A_499 : i32 to vector<128x4096xi32>
    %select_n3A_501 = arith.select %eq3A_498, %iota3A, %broadcast_in_dim3A_500 : vector<128x4096xi1>, vector<128x4096xi32>
    %reduce_max3A_502 = arith.constant dense<-2147483648> : vector<128xi32>
    %reduce_max3A_503 = vector.multi_reduction <maxsi>, %select_n3A_501, %reduce_max3A_502 [1] : vector<128x4096xi32> to vector<128xi32>
    %broadcast_in_dim3A_504 = vector.shape_cast %reduce_max3A_503 : vector<128xi32> to vector<128x1xi32>
    %eq3A_505 = arith.constant 21 : i32
    %eq3A_506 = vector.broadcast %eq3A_505 : i32 to vector<128x32xi32>
    %eq3A_507 = arith.cmpi eq, %iota3A_180, %eq3A_506 : vector<128x32xi32>
    %broadcast_in_dim3A_508 = vector.shape_cast %broadcast_in_dim3A_504 : vector<128x1xi32> to vector<128x1xi32>
    %broadcast_in_dim3A_509 = vector.broadcast %broadcast_in_dim3A_508 : vector<128x1xi32> to vector<128x32xi32>
    %select_n3A_510 = arith.select %eq3A_507, %broadcast_in_dim3A_509, %select_n3A_495 : vector<128x32xi1>, vector<128x32xi32>
    %eq3A_511 = arith.constant 23 : i32
    %eq3A_512 = vector.broadcast %eq3A_511 : i32 to vector<128x4096xi32>
    %eq3A_513 = arith.cmpi eq, %select_n3A_179, %eq3A_512 : vector<128x4096xi32>
    %jit3A_514 = arith.constant 0 : i32
    %broadcast_in_dim3A_515 = vector.broadcast %jit3A_514 : i32 to vector<128x4096xi32>
    %select_n3A_516 = arith.select %eq3A_513, %iota3A, %broadcast_in_dim3A_515 : vector<128x4096xi1>, vector<128x4096xi32>
    %reduce_max3A_517 = arith.constant dense<-2147483648> : vector<128xi32>
    %reduce_max3A_518 = vector.multi_reduction <maxsi>, %select_n3A_516, %reduce_max3A_517 [1] : vector<128x4096xi32> to vector<128xi32>
    %broadcast_in_dim3A_519 = vector.shape_cast %reduce_max3A_518 : vector<128xi32> to vector<128x1xi32>
    %eq3A_520 = arith.constant 22 : i32
    %eq3A_521 = vector.broadcast %eq3A_520 : i32 to vector<128x32xi32>
    %eq3A_522 = arith.cmpi eq, %iota3A_180, %eq3A_521 : vector<128x32xi32>
    %broadcast_in_dim3A_523 = vector.shape_cast %broadcast_in_dim3A_519 : vector<128x1xi32> to vector<128x1xi32>
    %broadcast_in_dim3A_524 = vector.broadcast %broadcast_in_dim3A_523 : vector<128x1xi32> to vector<128x32xi32>
    %select_n3A_525 = arith.select %eq3A_522, %broadcast_in_dim3A_524, %select_n3A_510 : vector<128x32xi1>, vector<128x32xi32>
    %eq3A_526 = arith.constant 24 : i32
    %eq3A_527 = vector.broadcast %eq3A_526 : i32 to vector<128x4096xi32>
    %eq3A_528 = arith.cmpi eq, %select_n3A_179, %eq3A_527 : vector<128x4096xi32>
    %jit3A_529 = arith.constant 0 : i32
    %broadcast_in_dim3A_530 = vector.broadcast %jit3A_529 : i32 to vector<128x4096xi32>
    %select_n3A_531 = arith.select %eq3A_528, %iota3A, %broadcast_in_dim3A_530 : vector<128x4096xi1>, vector<128x4096xi32>
    %reduce_max3A_532 = arith.constant dense<-2147483648> : vector<128xi32>
    %reduce_max3A_533 = vector.multi_reduction <maxsi>, %select_n3A_531, %reduce_max3A_532 [1] : vector<128x4096xi32> to vector<128xi32>
    %broadcast_in_dim3A_534 = vector.shape_cast %reduce_max3A_533 : vector<128xi32> to vector<128x1xi32>
    %eq3A_535 = arith.constant 23 : i32
    %eq3A_536 = vector.broadcast %eq3A_535 : i32 to vector<128x32xi32>
    %eq3A_537 = arith.cmpi eq, %iota3A_180, %eq3A_536 : vector<128x32xi32>
    %broadcast_in_dim3A_538 = vector.shape_cast %broadcast_in_dim3A_534 : vector<128x1xi32> to vector<128x1xi32>
    %broadcast_in_dim3A_539 = vector.broadcast %broadcast_in_dim3A_538 : vector<128x1xi32> to vector<128x32xi32>
    %select_n3A_540 = arith.select %eq3A_537, %broadcast_in_dim3A_539, %select_n3A_525 : vector<128x32xi1>, vector<128x32xi32>
    %eq3A_541 = arith.constant 25 : i32
    %eq3A_542 = vector.broadcast %eq3A_541 : i32 to vector<128x4096xi32>
    %eq3A_543 = arith.cmpi eq, %select_n3A_179, %eq3A_542 : vector<128x4096xi32>
    %jit3A_544 = arith.constant 0 : i32
    %broadcast_in_dim3A_545 = vector.broadcast %jit3A_544 : i32 to vector<128x4096xi32>
    %select_n3A_546 = arith.select %eq3A_543, %iota3A, %broadcast_in_dim3A_545 : vector<128x4096xi1>, vector<128x4096xi32>
    %reduce_max3A_547 = arith.constant dense<-2147483648> : vector<128xi32>
    %reduce_max3A_548 = vector.multi_reduction <maxsi>, %select_n3A_546, %reduce_max3A_547 [1] : vector<128x4096xi32> to vector<128xi32>
    %broadcast_in_dim3A_549 = vector.shape_cast %reduce_max3A_548 : vector<128xi32> to vector<128x1xi32>
    %eq3A_550 = arith.constant 24 : i32
    %eq3A_551 = vector.broadcast %eq3A_550 : i32 to vector<128x32xi32>
    %eq3A_552 = arith.cmpi eq, %iota3A_180, %eq3A_551 : vector<128x32xi32>
    %broadcast_in_dim3A_553 = vector.shape_cast %broadcast_in_dim3A_549 : vector<128x1xi32> to vector<128x1xi32>
    %broadcast_in_dim3A_554 = vector.broadcast %broadcast_in_dim3A_553 : vector<128x1xi32> to vector<128x32xi32>
    %select_n3A_555 = arith.select %eq3A_552, %broadcast_in_dim3A_554, %select_n3A_540 : vector<128x32xi1>, vector<128x32xi32>
    %eq3A_556 = arith.constant 26 : i32
    %eq3A_557 = vector.broadcast %eq3A_556 : i32 to vector<128x4096xi32>
    %eq3A_558 = arith.cmpi eq, %select_n3A_179, %eq3A_557 : vector<128x4096xi32>
    %jit3A_559 = arith.constant 0 : i32
    %broadcast_in_dim3A_560 = vector.broadcast %jit3A_559 : i32 to vector<128x4096xi32>
    %select_n3A_561 = arith.select %eq3A_558, %iota3A, %broadcast_in_dim3A_560 : vector<128x4096xi1>, vector<128x4096xi32>
    %reduce_max3A_562 = arith.constant dense<-2147483648> : vector<128xi32>
    %reduce_max3A_563 = vector.multi_reduction <maxsi>, %select_n3A_561, %reduce_max3A_562 [1] : vector<128x4096xi32> to vector<128xi32>
    %broadcast_in_dim3A_564 = vector.shape_cast %reduce_max3A_563 : vector<128xi32> to vector<128x1xi32>
    %eq3A_565 = arith.constant 25 : i32
    %eq3A_566 = vector.broadcast %eq3A_565 : i32 to vector<128x32xi32>
    %eq3A_567 = arith.cmpi eq, %iota3A_180, %eq3A_566 : vector<128x32xi32>
    %broadcast_in_dim3A_568 = vector.shape_cast %broadcast_in_dim3A_564 : vector<128x1xi32> to vector<128x1xi32>
    %broadcast_in_dim3A_569 = vector.broadcast %broadcast_in_dim3A_568 : vector<128x1xi32> to vector<128x32xi32>
    %select_n3A_570 = arith.select %eq3A_567, %broadcast_in_dim3A_569, %select_n3A_555 : vector<128x32xi1>, vector<128x32xi32>
    %eq3A_571 = arith.constant 27 : i32
    %eq3A_572 = vector.broadcast %eq3A_571 : i32 to vector<128x4096xi32>
    %eq3A_573 = arith.cmpi eq, %select_n3A_179, %eq3A_572 : vector<128x4096xi32>
    %jit3A_574 = arith.constant 0 : i32
    %broadcast_in_dim3A_575 = vector.broadcast %jit3A_574 : i32 to vector<128x4096xi32>
    %select_n3A_576 = arith.select %eq3A_573, %iota3A, %broadcast_in_dim3A_575 : vector<128x4096xi1>, vector<128x4096xi32>
    %reduce_max3A_577 = arith.constant dense<-2147483648> : vector<128xi32>
    %reduce_max3A_578 = vector.multi_reduction <maxsi>, %select_n3A_576, %reduce_max3A_577 [1] : vector<128x4096xi32> to vector<128xi32>
    %broadcast_in_dim3A_579 = vector.shape_cast %reduce_max3A_578 : vector<128xi32> to vector<128x1xi32>
    %eq3A_580 = arith.constant 26 : i32
    %eq3A_581 = vector.broadcast %eq3A_580 : i32 to vector<128x32xi32>
    %eq3A_582 = arith.cmpi eq, %iota3A_180, %eq3A_581 : vector<128x32xi32>
    %broadcast_in_dim3A_583 = vector.shape_cast %broadcast_in_dim3A_579 : vector<128x1xi32> to vector<128x1xi32>
    %broadcast_in_dim3A_584 = vector.broadcast %broadcast_in_dim3A_583 : vector<128x1xi32> to vector<128x32xi32>
    %select_n3A_585 = arith.select %eq3A_582, %broadcast_in_dim3A_584, %select_n3A_570 : vector<128x32xi1>, vector<128x32xi32>
    %eq3A_586 = arith.constant 28 : i32
    %eq3A_587 = vector.broadcast %eq3A_586 : i32 to vector<128x4096xi32>
    %eq3A_588 = arith.cmpi eq, %select_n3A_179, %eq3A_587 : vector<128x4096xi32>
    %jit3A_589 = arith.constant 0 : i32
    %broadcast_in_dim3A_590 = vector.broadcast %jit3A_589 : i32 to vector<128x4096xi32>
    %select_n3A_591 = arith.select %eq3A_588, %iota3A, %broadcast_in_dim3A_590 : vector<128x4096xi1>, vector<128x4096xi32>
    %reduce_max3A_592 = arith.constant dense<-2147483648> : vector<128xi32>
    %reduce_max3A_593 = vector.multi_reduction <maxsi>, %select_n3A_591, %reduce_max3A_592 [1] : vector<128x4096xi32> to vector<128xi32>
    %broadcast_in_dim3A_594 = vector.shape_cast %reduce_max3A_593 : vector<128xi32> to vector<128x1xi32>
    %eq3A_595 = arith.constant 27 : i32
    %eq3A_596 = vector.broadcast %eq3A_595 : i32 to vector<128x32xi32>
    %eq3A_597 = arith.cmpi eq, %iota3A_180, %eq3A_596 : vector<128x32xi32>
    %broadcast_in_dim3A_598 = vector.shape_cast %broadcast_in_dim3A_594 : vector<128x1xi32> to vector<128x1xi32>
    %broadcast_in_dim3A_599 = vector.broadcast %broadcast_in_dim3A_598 : vector<128x1xi32> to vector<128x32xi32>
    %select_n3A_600 = arith.select %eq3A_597, %broadcast_in_dim3A_599, %select_n3A_585 : vector<128x32xi1>, vector<128x32xi32>
    %eq3A_601 = arith.constant 29 : i32
    %eq3A_602 = vector.broadcast %eq3A_601 : i32 to vector<128x4096xi32>
    %eq3A_603 = arith.cmpi eq, %select_n3A_179, %eq3A_602 : vector<128x4096xi32>
    %jit3A_604 = arith.constant 0 : i32
    %broadcast_in_dim3A_605 = vector.broadcast %jit3A_604 : i32 to vector<128x4096xi32>
    %select_n3A_606 = arith.select %eq3A_603, %iota3A, %broadcast_in_dim3A_605 : vector<128x4096xi1>, vector<128x4096xi32>
    %reduce_max3A_607 = arith.constant dense<-2147483648> : vector<128xi32>
    %reduce_max3A_608 = vector.multi_reduction <maxsi>, %select_n3A_606, %reduce_max3A_607 [1] : vector<128x4096xi32> to vector<128xi32>
    %broadcast_in_dim3A_609 = vector.shape_cast %reduce_max3A_608 : vector<128xi32> to vector<128x1xi32>
    %eq3A_610 = arith.constant 28 : i32
    %eq3A_611 = vector.broadcast %eq3A_610 : i32 to vector<128x32xi32>
    %eq3A_612 = arith.cmpi eq, %iota3A_180, %eq3A_611 : vector<128x32xi32>
    %broadcast_in_dim3A_613 = vector.shape_cast %broadcast_in_dim3A_609 : vector<128x1xi32> to vector<128x1xi32>
    %broadcast_in_dim3A_614 = vector.broadcast %broadcast_in_dim3A_613 : vector<128x1xi32> to vector<128x32xi32>
    %select_n3A_615 = arith.select %eq3A_612, %broadcast_in_dim3A_614, %select_n3A_600 : vector<128x32xi1>, vector<128x32xi32>
    %eq3A_616 = arith.constant 30 : i32
    %eq3A_617 = vector.broadcast %eq3A_616 : i32 to vector<128x4096xi32>
    %eq3A_618 = arith.cmpi eq, %select_n3A_179, %eq3A_617 : vector<128x4096xi32>
    %jit3A_619 = arith.constant 0 : i32
    %broadcast_in_dim3A_620 = vector.broadcast %jit3A_619 : i32 to vector<128x4096xi32>
    %select_n3A_621 = arith.select %eq3A_618, %iota3A, %broadcast_in_dim3A_620 : vector<128x4096xi1>, vector<128x4096xi32>
    %reduce_max3A_622 = arith.constant dense<-2147483648> : vector<128xi32>
    %reduce_max3A_623 = vector.multi_reduction <maxsi>, %select_n3A_621, %reduce_max3A_622 [1] : vector<128x4096xi32> to vector<128xi32>
    %broadcast_in_dim3A_624 = vector.shape_cast %reduce_max3A_623 : vector<128xi32> to vector<128x1xi32>
    %eq3A_625 = arith.constant 29 : i32
    %eq3A_626 = vector.broadcast %eq3A_625 : i32 to vector<128x32xi32>
    %eq3A_627 = arith.cmpi eq, %iota3A_180, %eq3A_626 : vector<128x32xi32>
    %broadcast_in_dim3A_628 = vector.shape_cast %broadcast_in_dim3A_624 : vector<128x1xi32> to vector<128x1xi32>
    %broadcast_in_dim3A_629 = vector.broadcast %broadcast_in_dim3A_628 : vector<128x1xi32> to vector<128x32xi32>
    %select_n3A_630 = arith.select %eq3A_627, %broadcast_in_dim3A_629, %select_n3A_615 : vector<128x32xi1>, vector<128x32xi32>
    %eq3A_631 = arith.constant 31 : i32
    %eq3A_632 = vector.broadcast %eq3A_631 : i32 to vector<128x4096xi32>
    %eq3A_633 = arith.cmpi eq, %select_n3A_179, %eq3A_632 : vector<128x4096xi32>
    %jit3A_634 = arith.constant 0 : i32
    %broadcast_in_dim3A_635 = vector.broadcast %jit3A_634 : i32 to vector<128x4096xi32>
    %select_n3A_636 = arith.select %eq3A_633, %iota3A, %broadcast_in_dim3A_635 : vector<128x4096xi1>, vector<128x4096xi32>
    %reduce_max3A_637 = arith.constant dense<-2147483648> : vector<128xi32>
    %reduce_max3A_638 = vector.multi_reduction <maxsi>, %select_n3A_636, %reduce_max3A_637 [1] : vector<128x4096xi32> to vector<128xi32>
    %broadcast_in_dim3A_639 = vector.shape_cast %reduce_max3A_638 : vector<128xi32> to vector<128x1xi32>
    %eq3A_640 = arith.constant 30 : i32
    %eq3A_641 = vector.broadcast %eq3A_640 : i32 to vector<128x32xi32>
    %eq3A_642 = arith.cmpi eq, %iota3A_180, %eq3A_641 : vector<128x32xi32>
    %broadcast_in_dim3A_643 = vector.shape_cast %broadcast_in_dim3A_639 : vector<128x1xi32> to vector<128x1xi32>
    %broadcast_in_dim3A_644 = vector.broadcast %broadcast_in_dim3A_643 : vector<128x1xi32> to vector<128x32xi32>
    %select_n3A_645 = arith.select %eq3A_642, %broadcast_in_dim3A_644, %select_n3A_630 : vector<128x32xi1>, vector<128x32xi32>
    %eq3A_646 = arith.constant 32 : i32
    %eq3A_647 = vector.broadcast %eq3A_646 : i32 to vector<128x4096xi32>
    %eq3A_648 = arith.cmpi eq, %select_n3A_179, %eq3A_647 : vector<128x4096xi32>
    %jit3A_649 = arith.constant 0 : i32
    %broadcast_in_dim3A_650 = vector.broadcast %jit3A_649 : i32 to vector<128x4096xi32>
    %select_n3A_651 = arith.select %eq3A_648, %iota3A, %broadcast_in_dim3A_650 : vector<128x4096xi1>, vector<128x4096xi32>
    %reduce_max3A_652 = arith.constant dense<-2147483648> : vector<128xi32>
    %reduce_max3A_653 = vector.multi_reduction <maxsi>, %select_n3A_651, %reduce_max3A_652 [1] : vector<128x4096xi32> to vector<128xi32>
    %broadcast_in_dim3A_654 = vector.shape_cast %reduce_max3A_653 : vector<128xi32> to vector<128x1xi32>
    %eq3A_655 = arith.constant 31 : i32
    %eq3A_656 = vector.broadcast %eq3A_655 : i32 to vector<128x32xi32>
    %eq3A_657 = arith.cmpi eq, %iota3A_180, %eq3A_656 : vector<128x32xi32>
    %broadcast_in_dim3A_658 = vector.shape_cast %broadcast_in_dim3A_654 : vector<128x1xi32> to vector<128x1xi32>
    %broadcast_in_dim3A_659 = vector.broadcast %broadcast_in_dim3A_658 : vector<128x1xi32> to vector<128x32xi32>
    %select_n3A_660 = arith.select %eq3A_657, %broadcast_in_dim3A_659, %select_n3A_645 : vector<128x32xi1>, vector<128x32xi32>
    %gt3A = arith.constant 0 : i32
    %gt3A_661 = vector.broadcast %gt3A : i32 to vector<128x1xi32>
    %gt3A_662 = arith.cmpi sgt, %broadcast_in_dim3A_176, %gt3A_661 : vector<128x1xi32>
    %slice3A_663 = vector.extract_strided_slice %select_n3A_660 {offsets = [0, 0], sizes = [128, 1], strides = [1, 1]} : vector<128x32xi32> to vector<128x1xi32>
    %jit3A_664 = arith.constant 4095 : i32
    %broadcast_in_dim3A_665 = vector.broadcast %jit3A_664 : i32 to vector<128x1xi32>
    %select_n3A_666 = arith.select %gt3A_662, %slice3A_663, %broadcast_in_dim3A_665 : vector<128x1xi1>, vector<128x1xi32>
    %lt3A_667 = vector.broadcast %broadcast_in_dim3A_176 : vector<128x1xi32> to vector<128x32xi32>
    %lt3A_668 = arith.cmpi slt, %iota3A_180, %lt3A_667 : vector<128x32xi32>
    %broadcast_in_dim3A_669 = vector.shape_cast %select_n3A_666 : vector<128x1xi32> to vector<128x1xi32>
    %broadcast_in_dim3A_670 = vector.broadcast %broadcast_in_dim3A_669 : vector<128x1xi32> to vector<128x32xi32>
    %select_n3A_671 = arith.select %lt3A_668, %select_n3A_660, %broadcast_in_dim3A_670 : vector<128x32xi1>, vector<128x32xi32>
    %mul3A_672 = arith.constant 4096 : i32
    %mul3A_673 = arith.muli %arg0, %mul3A_672 : i32
    %add3A_674 = vector.broadcast %mul3A_673 : i32 to vector<128x32xi32>
    %add3A_675 = arith.addi %select_n3A_671, %add3A_674 : vector<128x32xi32>
    %swap3A = arith.constant 0 : index
    %swap3A_676 = arith.constant 0 : index
    %swap3A_677 = arith.constant 0 : index
    %swap3A_678 = vector.load %arg6[%swap3A, %swap3A_676, %swap3A_677] : memref<1x128x32xi32, #tpu.memory_space<vmem>>, vector<1x128x32xi32>
    %swap3A_679 = vector.shape_cast %swap3A_678 : vector<1x128x32xi32> to vector<128x32xi32>
    %swap3A_680 = vector.shape_cast %add3A_675 : vector<128x32xi32> to vector<1x128x32xi32>
    tpu.vector_store %arg6[%swap3A, %swap3A_676, %swap3A_677], %swap3A_680 {strides = array<i32>} : memref<1x128x32xi32, #tpu.memory_space<vmem>>, vector<1x128x32xi32>,
    return
  }
  func.func @transform_0(%arg0: i32, %arg1: i32) -> (i32, i32, i32) {
    %c0_i32 = arith.constant 0 : i32
    %c0_i32_0 = arith.constant 0 : i32
    return %arg0, %arg1, %c0_i32 : i32, i32, i32
  }
  func.func @transform_1(%arg0: i32, %arg1: i32) -> (i32, i32, i32) {
    %c0_i32 = arith.constant 0 : i32
    %c0_i32_0 = arith.constant 0 : i32
    %c0_i32_1 = arith.constant 0 : i32
    return %arg0, %c0_i32, %c0_i32_0 : i32, i32, i32
  }
  func.func @transform_2(%arg0: i32, %arg1: i32) -> (i32, i32, i32) {
    %c0_i32 = arith.constant 0 : i32
    %c0_i32_0 = arith.constant 0 : i32
    %c0_i32_1 = arith.constant 0 : i32
    return %arg0, %c0_i32, %c0_i32_0 : i32, i32, i32
  }
  func.func @transform_3(%arg0: i32, %arg1: i32) -> (i32, i32, i32) {
    %c0_i32 = arith.constant 0 : i32
    %c0_i32_0 = arith.constant 0 : i32
    %c0_i32_1 = arith.constant 0 : i32
    return %arg0, %c0_i32, %c0_i32_0 : i32, i32, i32
  }
  func.func @transform_4(%arg0: i32, %arg1: i32) -> (i32, i32, i32) {
    %c0_i32 = arith.constant 0 : i32
    %c0_i32_0 = arith.constant 0 : i32
    return %arg0, %arg1, %c0_i32 : i32, i32, i32
  }
}

module attributes {stable_mosaic.version = 14 : i64} {
  func.func @_q_body(%arg0: i32, %arg1: memref<1x1024x3xf32, #tpu.memory_space<vmem>>, %arg2: memref<3x64xf32, #tpu.memory_space<vmem>>, %arg3: memref<1024x64xf32, #tpu.memory_space<vmem>>) attributes {dimension_semantics = [#tpu.dimension_semantics<arbitrary>], iteration_bounds = array<i64: 8>, scalar_prefetch = 0 : i64, scratch_operands = 0 : i64, tpu.core_type = #tpu.core_type<tc>, window_params = [{transform_indices = @transform_0, window_bounds = array<i64: 1, 1024, 3>}, {pipeline_mode = #tpu.pipeline_mode<synchronous>, transform_indices = @transform_1, window_bounds = array<i64: 3, 64>}, {transform_indices = @transform_2, window_bounds = array<i64: 1024, 64>}]} {
    %get3A = arith.constant 0 : index
    %get3A_0 = arith.constant 0 : index
    %get3A_1 = arith.constant 0 : index
    %get3A_2 = vector.load %arg1[%get3A, %get3A_0, %get3A_1] : memref<1x1024x3xf32, #tpu.memory_space<vmem>>, vector<1x1024x3xf32>
    %get3A_3 = vector.shape_cast %get3A_2 : vector<1x1024x3xf32> to vector<1024x3xf32>
    %get3A_4 = arith.constant 0 : index
    %get3A_5 = arith.constant 0 : index
    %get3A_6 = vector.load %arg2[%get3A_4, %get3A_5] : memref<3x64xf32, #tpu.memory_space<vmem>>, vector<3x64xf32>
    %dot_general3A = arith.constant dense<0.000000e+00> : vector<1024x64xf32>
    %dot_general3A_7 = tpu.matmul %get3A_3, %get3A_6, %dot_general3A {dimension_numbers = #tpu.dot_dimension_numbers<[1], [0], [0], [1], [0, 0, 1, 1], [], []>, transpose_lhs_hint = false} : vector<1024x3xf32>, vector<3x64xf32>, vector<1024x64xf32> -> vector<1024x64xf32>
    %swap3A = arith.constant 0 : index
    %swap3A_8 = arith.constant 0 : index
    %swap3A_9 = vector.load %arg3[%swap3A, %swap3A_8] : memref<1024x64xf32, #tpu.memory_space<vmem>>, vector<1024x64xf32>
    tpu.vector_store %arg3[%swap3A, %swap3A_8], %dot_general3A_7 {strides = array<i32>} : memref<1024x64xf32, #tpu.memory_space<vmem>>, vector<1024x64xf32>,
    return
  }
  func.func @transform_0(%arg0: i32) -> (i32, i32, i32) {
    %c0_i32 = arith.constant 0 : i32
    %c0_i32_0 = arith.constant 0 : i32
    %c0_i32_1 = arith.constant 0 : i32
    return %arg0, %c0_i32, %c0_i32_0 : i32, i32, i32
  }
  func.func @transform_1(%arg0: i32) -> (i32, i32) {
    %c0_i32 = arith.constant 0 : i32
    %c0_i32_0 = arith.constant 0 : i32
    %c0_i32_1 = arith.constant 0 : i32
    return %c0_i32, %c0_i32_0 : i32, i32
  }
  func.func @transform_2(%arg0: i32) -> (i32, i32) {
    %c0_i32 = arith.constant 0 : i32
    %c0_i32_0 = arith.constant 0 : i32
    return %arg0, %c0_i32 : i32, i32
  }
}

module attributes {stable_mosaic.version = 14 : i64} {
  func.func @_m1_body(%arg0: i32, %arg1: memref<4096x128xf32, #tpu.memory_space<vmem>>, %arg2: memref<256x64xf32, #tpu.memory_space<vmem>>, %arg3: memref<1x64xf32, #tpu.memory_space<vmem>>, %arg4: memref<1x64xf32, #tpu.memory_space<vmem>>) attributes {dimension_semantics = [#tpu.dimension_semantics<arbitrary>], iteration_bounds = array<i64: 32>, scalar_prefetch = 0 : i64, scratch_operands = 0 : i64, tpu.core_type = #tpu.core_type<tc>, window_params = [{transform_indices = @transform_0, window_bounds = array<i64: 4096, 128>}, {transform_indices = @transform_1, window_bounds = array<i64: 256, 64>}, {pipeline_mode = #tpu.pipeline_mode<synchronous>, transform_indices = @transform_2, window_bounds = array<i64: 1, 64>}, {pipeline_mode = #tpu.pipeline_mode<synchronous>, transform_indices = @transform_3, window_bounds = array<i64: 1, 64>}]} {
    %get3A = arith.constant 0 : index
    %get3A_0 = arith.constant 0 : index
    %get3A_1 = vector.load %arg1[%get3A, %get3A_0] : memref<4096x128xf32, #tpu.memory_space<vmem>>, vector<4096x128xf32>
    %slice3A = vector.extract_strided_slice %get3A_1 {offsets = [0, 0], sizes = [4096, 64], strides = [1, 1]} : vector<4096x128xf32> to vector<4096x64xf32>
    %reshape3A = vector.shape_cast %slice3A : vector<4096x64xf32> to vector<256x16x64xf32>
    %get3A_2 = arith.constant 0 : index
    %get3A_3 = arith.constant 0 : index
    %get3A_4 = vector.load %arg2[%get3A_2, %get3A_3] : memref<256x64xf32, #tpu.memory_space<vmem>>, vector<256x64xf32>
    %broadcast_in_dim3A = vector.shape_cast %get3A_4 : vector<256x64xf32> to vector<256x1x64xf32>
    %sub3A = vector.broadcast %broadcast_in_dim3A : vector<256x1x64xf32> to vector<256x16x64xf32>
    %sub3A_5 = arith.subf %reshape3A, %sub3A : vector<256x16x64xf32>
    %reshape3A_6 = vector.shape_cast %sub3A_5 : vector<256x16x64xf32> to vector<4096x64xf32>
    %eq3A = arith.constant 0 : i32
    %eq3A_7 = arith.cmpi eq, %arg0, %eq3A : i32
    %convert_element_type3A = arith.extui %eq3A_7 : i1 to i32
    %cond3A = arith.constant 0 : i32
    %cond3A_8 = arith.cmpi ne, %convert_element_type3A, %cond3A : i32
    scf.if %cond3A_8 {
      %broadcast_in_dim3A_26 = arith.constant 0.000000e+00 : f32
      %broadcast_in_dim3A_27 = vector.broadcast %broadcast_in_dim3A_26 : f32 to vector<1x64xf32>
      %swap3A_28 = arith.constant 0 : index
      %swap3A_29 = arith.constant 0 : index
      %swap3A_30 = vector.load %arg3[%swap3A_28, %swap3A_29] : memref<1x64xf32, #tpu.memory_space<vmem>>, vector<1x64xf32>
      tpu.vector_store %arg3[%swap3A_28, %swap3A_29], %broadcast_in_dim3A_27 {strides = array<i32>} : memref<1x64xf32, #tpu.memory_space<vmem>>, vector<1x64xf32>,
      %broadcast_in_dim3A_31 = arith.constant 0.000000e+00 : f32
      %broadcast_in_dim3A_32 = vector.broadcast %broadcast_in_dim3A_31 : f32 to vector<1x64xf32>
      %swap3A_33 = arith.constant 0 : index
      %swap3A_34 = arith.constant 0 : index
      %swap3A_35 = vector.load %arg4[%swap3A_33, %swap3A_34] : memref<1x64xf32, #tpu.memory_space<vmem>>, vector<1x64xf32>
      tpu.vector_store %arg4[%swap3A_33, %swap3A_34], %broadcast_in_dim3A_32 {strides = array<i32>} : memref<1x64xf32, #tpu.memory_space<vmem>>, vector<1x64xf32>,
    } else {
    }
    %get3A_9 = arith.constant 0 : index
    %get3A_10 = arith.constant 0 : index
    %get3A_11 = vector.load %arg3[%get3A_9, %get3A_10] : memref<1x64xf32, #tpu.memory_space<vmem>>, vector<1x64xf32>
    %reduce_sum3A = arith.constant dense<0.000000e+00> : vector<64xf32>
    %reduce_sum3A_12 = vector.multi_reduction <add>, %reshape3A_6, %reduce_sum3A [0] : vector<4096x64xf32> to vector<64xf32>
    %broadcast_in_dim3A_13 = vector.shape_cast %reduce_sum3A_12 : vector<64xf32> to vector<1x64xf32>
    %add3A = arith.addf %get3A_11, %broadcast_in_dim3A_13 : vector<1x64xf32>
    %swap3A = arith.constant 0 : index
    %swap3A_14 = arith.constant 0 : index
    %swap3A_15 = vector.load %arg3[%swap3A, %swap3A_14] : memref<1x64xf32, #tpu.memory_space<vmem>>, vector<1x64xf32>
    tpu.vector_store %arg3[%swap3A, %swap3A_14], %add3A {strides = array<i32>} : memref<1x64xf32, #tpu.memory_space<vmem>>, vector<1x64xf32>,
    %get3A_16 = arith.constant 0 : index
    %get3A_17 = arith.constant 0 : index
    %get3A_18 = vector.load %arg4[%get3A_16, %get3A_17] : memref<1x64xf32, #tpu.memory_space<vmem>>, vector<1x64xf32>
    %mul3A = arith.mulf %reshape3A_6, %reshape3A_6 : vector<4096x64xf32>
    %reduce_sum3A_19 = arith.constant dense<0.000000e+00> : vector<64xf32>
    %reduce_sum3A_20 = vector.multi_reduction <add>, %mul3A, %reduce_sum3A_19 [0] : vector<4096x64xf32> to vector<64xf32>
    %broadcast_in_dim3A_21 = vector.shape_cast %reduce_sum3A_20 : vector<64xf32> to vector<1x64xf32>
    %add3A_22 = arith.addf %get3A_18, %broadcast_in_dim3A_21 : vector<1x64xf32>
    %swap3A_23 = arith.constant 0 : index
    %swap3A_24 = arith.constant 0 : index
    %swap3A_25 = vector.load %arg4[%swap3A_23, %swap3A_24] : memref<1x64xf32, #tpu.memory_space<vmem>>, vector<1x64xf32>
    tpu.vector_store %arg4[%swap3A_23, %swap3A_24], %add3A_22 {strides = array<i32>} : memref<1x64xf32, #tpu.memory_space<vmem>>, vector<1x64xf32>,
    return
  }
  func.func @transform_0(%arg0: i32) -> (i32, i32) {
    %c0_i32 = arith.constant 0 : i32
    %c0_i32_0 = arith.constant 0 : i32
    return %arg0, %c0_i32 : i32, i32
  }
  func.func @transform_1(%arg0: i32) -> (i32, i32) {
    %c0_i32 = arith.constant 0 : i32
    %c0_i32_0 = arith.constant 0 : i32
    return %arg0, %c0_i32 : i32, i32
  }
  func.func @transform_2(%arg0: i32) -> (i32, i32) {
    %c0_i32 = arith.constant 0 : i32
    %c0_i32_0 = arith.constant 0 : i32
    %c0_i32_1 = arith.constant 0 : i32
    return %c0_i32, %c0_i32_0 : i32, i32
  }
  func.func @transform_3(%arg0: i32) -> (i32, i32) {
    %c0_i32 = arith.constant 0 : i32
    %c0_i32_0 = arith.constant 0 : i32
    %c0_i32_1 = arith.constant 0 : i32
    return %c0_i32, %c0_i32_0 : i32, i32
  }
}

module attributes {stable_mosaic.version = 14 : i64} {
  func.func @_m2_body(%arg0: i32, %arg1: memref<4096x128xf32, #tpu.memory_space<vmem>>, %arg2: memref<256x64xf32, #tpu.memory_space<vmem>>, %arg3: memref<1x64xf32, #tpu.memory_space<vmem>>, %arg4: memref<1x64xf32, #tpu.memory_space<vmem>>, %arg5: memref<64x64xf32, #tpu.memory_space<vmem>>, %arg6: memref<4096x64xf32, #tpu.memory_space<vmem>>, %arg7: memref<1x64xf32, #tpu.memory_space<vmem>>, %arg8: memref<1x64xf32, #tpu.memory_space<vmem>>) attributes {dimension_semantics = [#tpu.dimension_semantics<arbitrary>], iteration_bounds = array<i64: 32>, scalar_prefetch = 0 : i64, scratch_operands = 0 : i64, tpu.core_type = #tpu.core_type<tc>, window_params = [{transform_indices = @transform_0, window_bounds = array<i64: 4096, 128>}, {transform_indices = @transform_1, window_bounds = array<i64: 256, 64>}, {pipeline_mode = #tpu.pipeline_mode<synchronous>, transform_indices = @transform_2, window_bounds = array<i64: 1, 64>}, {pipeline_mode = #tpu.pipeline_mode<synchronous>, transform_indices = @transform_3, window_bounds = array<i64: 1, 64>}, {pipeline_mode = #tpu.pipeline_mode<synchronous>, transform_indices = @transform_4, window_bounds = array<i64: 64, 64>}, {transform_indices = @transform_5, window_bounds = array<i64: 4096, 64>}, {pipeline_mode = #tpu.pipeline_mode<synchronous>, transform_indices = @transform_6, window_bounds = array<i64: 1, 64>}, {pipeline_mode = #tpu.pipeline_mode<synchronous>, transform_indices = @transform_7, window_bounds = array<i64: 1, 64>}]} {
    %get3A = arith.constant 0 : index
    %get3A_0 = arith.constant 0 : index
    %get3A_1 = vector.load %arg1[%get3A, %get3A_0] : memref<4096x128xf32, #tpu.memory_space<vmem>>, vector<4096x128xf32>
    %slice3A = vector.extract_strided_slice %get3A_1 {offsets = [0, 0], sizes = [4096, 64], strides = [1, 1]} : vector<4096x128xf32> to vector<4096x64xf32>
    %reshape3A = vector.shape_cast %slice3A : vector<4096x64xf32> to vector<256x16x64xf32>
    %get3A_2 = arith.constant 0 : index
    %get3A_3 = arith.constant 0 : index
    %get3A_4 = vector.load %arg2[%get3A_2, %get3A_3] : memref<256x64xf32, #tpu.memory_space<vmem>>, vector<256x64xf32>
    %broadcast_in_dim3A = vector.shape_cast %get3A_4 : vector<256x64xf32> to vector<256x1x64xf32>
    %sub3A = vector.broadcast %broadcast_in_dim3A : vector<256x1x64xf32> to vector<256x16x64xf32>
    %sub3A_5 = arith.subf %reshape3A, %sub3A : vector<256x16x64xf32>
    %reshape3A_6 = vector.shape_cast %sub3A_5 : vector<256x16x64xf32> to vector<4096x64xf32>
    %get3A_7 = arith.constant 0 : index
    %get3A_8 = arith.constant 0 : index
    %get3A_9 = vector.load %arg3[%get3A_7, %get3A_8] : memref<1x64xf32, #tpu.memory_space<vmem>>, vector<1x64xf32>
    %mul3A = vector.broadcast %get3A_9 : vector<1x64xf32> to vector<4096x64xf32>
    %mul3A_10 = arith.mulf %reshape3A_6, %mul3A : vector<4096x64xf32>
    %get3A_11 = arith.constant 0 : index
    %get3A_12 = arith.constant 0 : index
    %get3A_13 = vector.load %arg4[%get3A_11, %get3A_12] : memref<1x64xf32, #tpu.memory_space<vmem>>, vector<1x64xf32>
    %add3A = vector.broadcast %get3A_13 : vector<1x64xf32> to vector<4096x64xf32>
    %add3A_14 = arith.addf %mul3A_10, %add3A : vector<4096x64xf32>
    %max3A = arith.constant 0.000000e+00 : f32
    %max3A_15 = vector.broadcast %max3A : f32 to vector<4096x64xf32>
    %max3A_16 = arith.maximumf %add3A_14, %max3A_15 : vector<4096x64xf32>
    %get3A_17 = arith.constant 0 : index
    %get3A_18 = arith.constant 0 : index
    %get3A_19 = vector.load %arg5[%get3A_17, %get3A_18] : memref<64x64xf32, #tpu.memory_space<vmem>>, vector<64x64xf32>
    %dot_general3A = arith.constant dense<0.000000e+00> : vector<4096x64xf32>
    %dot_general3A_20 = tpu.matmul %max3A_16, %get3A_19, %dot_general3A {dimension_numbers = #tpu.dot_dimension_numbers<[1], [0], [0], [1], [0, 0, 1, 1], [], []>, transpose_lhs_hint = false} : vector<4096x64xf32>, vector<64x64xf32>, vector<4096x64xf32> -> vector<4096x64xf32>
    %swap3A = arith.constant 0 : index
    %swap3A_21 = arith.constant 0 : index
    %swap3A_22 = vector.load %arg6[%swap3A, %swap3A_21] : memref<4096x64xf32, #tpu.memory_space<vmem>>, vector<4096x64xf32>
    tpu.vector_store %arg6[%swap3A, %swap3A_21], %dot_general3A_20 {strides = array<i32>} : memref<4096x64xf32, #tpu.memory_space<vmem>>, vector<4096x64xf32>,
    %eq3A = arith.constant 0 : i32
    %eq3A_23 = arith.cmpi eq, %arg0, %eq3A : i32
    %convert_element_type3A = arith.extui %eq3A_23 : i1 to i32
    %cond3A = arith.constant 0 : i32
    %cond3A_24 = arith.cmpi ne, %convert_element_type3A, %cond3A : i32
    scf.if %cond3A_24 {
      %broadcast_in_dim3A_45 = arith.constant 0.000000e+00 : f32
      %broadcast_in_dim3A_46 = vector.broadcast %broadcast_in_dim3A_45 : f32 to vector<1x64xf32>
      %swap3A_47 = arith.constant 0 : index
      %swap3A_48 = arith.constant 0 : index
      %swap3A_49 = vector.load %arg7[%swap3A_47, %swap3A_48] : memref<1x64xf32, #tpu.memory_space<vmem>>, vector<1x64xf32>
      tpu.vector_store %arg7[%swap3A_47, %swap3A_48], %broadcast_in_dim3A_46 {strides = array<i32>} : memref<1x64xf32, #tpu.memory_space<vmem>>, vector<1x64xf32>,
      %broadcast_in_dim3A_50 = arith.constant 0.000000e+00 : f32
      %broadcast_in_dim3A_51 = vector.broadcast %broadcast_in_dim3A_50 : f32 to vector<1x64xf32>
      %swap3A_52 = arith.constant 0 : index
      %swap3A_53 = arith.constant 0 : index
      %swap3A_54 = vector.load %arg8[%swap3A_52, %swap3A_53] : memref<1x64xf32, #tpu.memory_space<vmem>>, vector<1x64xf32>
      tpu.vector_store %arg8[%swap3A_52, %swap3A_53], %broadcast_in_dim3A_51 {strides = array<i32>} : memref<1x64xf32, #tpu.memory_space<vmem>>, vector<1x64xf32>,
    } else {
    }
    %get3A_25 = arith.constant 0 : index
    %get3A_26 = arith.constant 0 : index
    %get3A_27 = vector.load %arg7[%get3A_25, %get3A_26] : memref<1x64xf32, #tpu.memory_space<vmem>>, vector<1x64xf32>
    %reduce_sum3A = arith.constant dense<0.000000e+00> : vector<64xf32>
    %reduce_sum3A_28 = vector.multi_reduction <add>, %dot_general3A_20, %reduce_sum3A [0] : vector<4096x64xf32> to vector<64xf32>
    %broadcast_in_dim3A_29 = vector.shape_cast %reduce_sum3A_28 : vector<64xf32> to vector<1x64xf32>
    %add3A_30 = arith.addf %get3A_27, %broadcast_in_dim3A_29 : vector<1x64xf32>
    %swap3A_31 = arith.constant 0 : index
    %swap3A_32 = arith.constant 0 : index
    %swap3A_33 = vector.load %arg7[%swap3A_31, %swap3A_32] : memref<1x64xf32, #tpu.memory_space<vmem>>, vector<1x64xf32>
    tpu.vector_store %arg7[%swap3A_31, %swap3A_32], %add3A_30 {strides = array<i32>} : memref<1x64xf32, #tpu.memory_space<vmem>>, vector<1x64xf32>,
    %get3A_34 = arith.constant 0 : index
    %get3A_35 = arith.constant 0 : index
    %get3A_36 = vector.load %arg8[%get3A_34, %get3A_35] : memref<1x64xf32, #tpu.memory_space<vmem>>, vector<1x64xf32>
    %mul3A_37 = arith.mulf %dot_general3A_20, %dot_general3A_20 : vector<4096x64xf32>
    %reduce_sum3A_38 = arith.constant dense<0.000000e+00> : vector<64xf32>
    %reduce_sum3A_39 = vector.multi_reduction <add>, %mul3A_37, %reduce_sum3A_38 [0] : vector<4096x64xf32> to vector<64xf32>
    %broadcast_in_dim3A_40 = vector.shape_cast %reduce_sum3A_39 : vector<64xf32> to vector<1x64xf32>
    %add3A_41 = arith.addf %get3A_36, %broadcast_in_dim3A_40 : vector<1x64xf32>
    %swap3A_42 = arith.constant 0 : index
    %swap3A_43 = arith.constant 0 : index
    %swap3A_44 = vector.load %arg8[%swap3A_42, %swap3A_43] : memref<1x64xf32, #tpu.memory_space<vmem>>, vector<1x64xf32>
    tpu.vector_store %arg8[%swap3A_42, %swap3A_43], %add3A_41 {strides = array<i32>} : memref<1x64xf32, #tpu.memory_space<vmem>>, vector<1x64xf32>,
    return
  }
  func.func @transform_0(%arg0: i32) -> (i32, i32) {
    %c0_i32 = arith.constant 0 : i32
    %c0_i32_0 = arith.constant 0 : i32
    return %arg0, %c0_i32 : i32, i32
  }
  func.func @transform_1(%arg0: i32) -> (i32, i32) {
    %c0_i32 = arith.constant 0 : i32
    %c0_i32_0 = arith.constant 0 : i32
    return %arg0, %c0_i32 : i32, i32
  }
  func.func @transform_2(%arg0: i32) -> (i32, i32) {
    %c0_i32 = arith.constant 0 : i32
    %c0_i32_0 = arith.constant 0 : i32
    %c0_i32_1 = arith.constant 0 : i32
    return %c0_i32, %c0_i32_0 : i32, i32
  }
  func.func @transform_3(%arg0: i32) -> (i32, i32) {
    %c0_i32 = arith.constant 0 : i32
    %c0_i32_0 = arith.constant 0 : i32
    %c0_i32_1 = arith.constant 0 : i32
    return %c0_i32, %c0_i32_0 : i32, i32
  }
  func.func @transform_4(%arg0: i32) -> (i32, i32) {
    %c0_i32 = arith.constant 0 : i32
    %c0_i32_0 = arith.constant 0 : i32
    %c0_i32_1 = arith.constant 0 : i32
    return %c0_i32, %c0_i32_0 : i32, i32
  }
  func.func @transform_5(%arg0: i32) -> (i32, i32) {
    %c0_i32 = arith.constant 0 : i32
    %c0_i32_0 = arith.constant 0 : i32
    return %arg0, %c0_i32 : i32, i32
  }
  func.func @transform_6(%arg0: i32) -> (i32, i32) {
    %c0_i32 = arith.constant 0 : i32
    %c0_i32_0 = arith.constant 0 : i32
    %c0_i32_1 = arith.constant 0 : i32
    return %c0_i32, %c0_i32_0 : i32, i32
  }
  func.func @transform_7(%arg0: i32) -> (i32, i32) {
    %c0_i32 = arith.constant 0 : i32
    %c0_i32_0 = arith.constant 0 : i32
    %c0_i32_1 = arith.constant 0 : i32
    return %c0_i32, %c0_i32_0 : i32, i32
  }
}

module attributes {stable_mosaic.version = 14 : i64} {
  func.func @_m3_body(%arg0: i32, %arg1: memref<4096x64xf32, #tpu.memory_space<vmem>>, %arg2: memref<1x64xf32, #tpu.memory_space<vmem>>, %arg3: memref<1x64xf32, #tpu.memory_space<vmem>>, %arg4: memref<64x128xf32, #tpu.memory_space<vmem>>, %arg5: memref<4096x128xf32, #tpu.memory_space<vmem>>, %arg6: memref<1x128xf32, #tpu.memory_space<vmem>>, %arg7: memref<1x128xf32, #tpu.memory_space<vmem>>) attributes {dimension_semantics = [#tpu.dimension_semantics<arbitrary>], iteration_bounds = array<i64: 32>, scalar_prefetch = 0 : i64, scratch_operands = 0 : i64, tpu.core_type = #tpu.core_type<tc>, window_params = [{transform_indices = @transform_0, window_bounds = array<i64: 4096, 64>}, {pipeline_mode = #tpu.pipeline_mode<synchronous>, transform_indices = @transform_1, window_bounds = array<i64: 1, 64>}, {pipeline_mode = #tpu.pipeline_mode<synchronous>, transform_indices = @transform_2, window_bounds = array<i64: 1, 64>}, {pipeline_mode = #tpu.pipeline_mode<synchronous>, transform_indices = @transform_3, window_bounds = array<i64: 64, 128>}, {transform_indices = @transform_4, window_bounds = array<i64: 4096, 128>}, {pipeline_mode = #tpu.pipeline_mode<synchronous>, transform_indices = @transform_5, window_bounds = array<i64: 1, 128>}, {pipeline_mode = #tpu.pipeline_mode<synchronous>, transform_indices = @transform_6, window_bounds = array<i64: 1, 128>}]} {
    %get3A = arith.constant 0 : index
    %get3A_0 = arith.constant 0 : index
    %get3A_1 = vector.load %arg1[%get3A, %get3A_0] : memref<4096x64xf32, #tpu.memory_space<vmem>>, vector<4096x64xf32>
    %get3A_2 = arith.constant 0 : index
    %get3A_3 = arith.constant 0 : index
    %get3A_4 = vector.load %arg2[%get3A_2, %get3A_3] : memref<1x64xf32, #tpu.memory_space<vmem>>, vector<1x64xf32>
    %mul3A = vector.broadcast %get3A_4 : vector<1x64xf32> to vector<4096x64xf32>
    %mul3A_5 = arith.mulf %get3A_1, %mul3A : vector<4096x64xf32>
    %get3A_6 = arith.constant 0 : index
    %get3A_7 = arith.constant 0 : index
    %get3A_8 = vector.load %arg3[%get3A_6, %get3A_7] : memref<1x64xf32, #tpu.memory_space<vmem>>, vector<1x64xf32>
    %add3A = vector.broadcast %get3A_8 : vector<1x64xf32> to vector<4096x64xf32>
    %add3A_9 = arith.addf %mul3A_5, %add3A : vector<4096x64xf32>
    %max3A = arith.constant 0.000000e+00 : f32
    %max3A_10 = vector.broadcast %max3A : f32 to vector<4096x64xf32>
    %max3A_11 = arith.maximumf %add3A_9, %max3A_10 : vector<4096x64xf32>
    %get3A_12 = arith.constant 0 : index
    %get3A_13 = arith.constant 0 : index
    %get3A_14 = vector.load %arg4[%get3A_12, %get3A_13] : memref<64x128xf32, #tpu.memory_space<vmem>>, vector<64x128xf32>
    %dot_general3A = arith.constant dense<0.000000e+00> : vector<4096x128xf32>
    %dot_general3A_15 = tpu.matmul %max3A_11, %get3A_14, %dot_general3A {dimension_numbers = #tpu.dot_dimension_numbers<[1], [0], [0], [1], [0, 0, 1, 1], [], []>, transpose_lhs_hint = false} : vector<4096x64xf32>, vector<64x128xf32>, vector<4096x128xf32> -> vector<4096x128xf32>
    %swap3A = arith.constant 0 : index
    %swap3A_16 = arith.constant 0 : index
    %swap3A_17 = vector.load %arg5[%swap3A, %swap3A_16] : memref<4096x128xf32, #tpu.memory_space<vmem>>, vector<4096x128xf32>
    tpu.vector_store %arg5[%swap3A, %swap3A_16], %dot_general3A_15 {strides = array<i32>} : memref<4096x128xf32, #tpu.memory_space<vmem>>, vector<4096x128xf32>,
    %eq3A = arith.constant 0 : i32
    %eq3A_18 = arith.cmpi eq, %arg0, %eq3A : i32
    %convert_element_type3A = arith.extui %eq3A_18 : i1 to i32
    %cond3A = arith.constant 0 : i32
    %cond3A_19 = arith.cmpi ne, %convert_element_type3A, %cond3A : i32
    scf.if %cond3A_19 {
      %broadcast_in_dim3A_39 = arith.constant 0.000000e+00 : f32
      %broadcast_in_dim3A_40 = vector.broadcast %broadcast_in_dim3A_39 : f32 to vector<1x128xf32>
      %swap3A_41 = arith.constant 0 : index
      %swap3A_42 = arith.constant 0 : index
      %swap3A_43 = vector.load %arg6[%swap3A_41, %swap3A_42] : memref<1x128xf32, #tpu.memory_space<vmem>>, vector<1x128xf32>
      tpu.vector_store %arg6[%swap3A_41, %swap3A_42], %broadcast_in_dim3A_40 {strides = array<i32>} : memref<1x128xf32, #tpu.memory_space<vmem>>, vector<1x128xf32>,
      %broadcast_in_dim3A_44 = arith.constant 0.000000e+00 : f32
      %broadcast_in_dim3A_45 = vector.broadcast %broadcast_in_dim3A_44 : f32 to vector<1x128xf32>
      %swap3A_46 = arith.constant 0 : index
      %swap3A_47 = arith.constant 0 : index
      %swap3A_48 = vector.load %arg7[%swap3A_46, %swap3A_47] : memref<1x128xf32, #tpu.memory_space<vmem>>, vector<1x128xf32>
      tpu.vector_store %arg7[%swap3A_46, %swap3A_47], %broadcast_in_dim3A_45 {strides = array<i32>} : memref<1x128xf32, #tpu.memory_space<vmem>>, vector<1x128xf32>,
    } else {
    }
    %get3A_20 = arith.constant 0 : index
    %get3A_21 = arith.constant 0 : index
    %get3A_22 = vector.load %arg6[%get3A_20, %get3A_21] : memref<1x128xf32, #tpu.memory_space<vmem>>, vector<1x128xf32>
    %reduce_sum3A = arith.constant dense<0.000000e+00> : vector<128xf32>
    %reduce_sum3A_23 = vector.multi_reduction <add>, %dot_general3A_15, %reduce_sum3A [0] : vector<4096x128xf32> to vector<128xf32>
    %broadcast_in_dim3A = vector.shape_cast %reduce_sum3A_23 : vector<128xf32> to vector<1x128xf32>
    %add3A_24 = arith.addf %get3A_22, %broadcast_in_dim3A : vector<1x128xf32>
    %swap3A_25 = arith.constant 0 : index
    %swap3A_26 = arith.constant 0 : index
    %swap3A_27 = vector.load %arg6[%swap3A_25, %swap3A_26] : memref<1x128xf32, #tpu.memory_space<vmem>>, vector<1x128xf32>
    tpu.vector_store %arg6[%swap3A_25, %swap3A_26], %add3A_24 {strides = array<i32>} : memref<1x128xf32, #tpu.memory_space<vmem>>, vector<1x128xf32>,
    %get3A_28 = arith.constant 0 : index
    %get3A_29 = arith.constant 0 : index
    %get3A_30 = vector.load %arg7[%get3A_28, %get3A_29] : memref<1x128xf32, #tpu.memory_space<vmem>>, vector<1x128xf32>
    %mul3A_31 = arith.mulf %dot_general3A_15, %dot_general3A_15 : vector<4096x128xf32>
    %reduce_sum3A_32 = arith.constant dense<0.000000e+00> : vector<128xf32>
    %reduce_sum3A_33 = vector.multi_reduction <add>, %mul3A_31, %reduce_sum3A_32 [0] : vector<4096x128xf32> to vector<128xf32>
    %broadcast_in_dim3A_34 = vector.shape_cast %reduce_sum3A_33 : vector<128xf32> to vector<1x128xf32>
    %add3A_35 = arith.addf %get3A_30, %broadcast_in_dim3A_34 : vector<1x128xf32>
    %swap3A_36 = arith.constant 0 : index
    %swap3A_37 = arith.constant 0 : index
    %swap3A_38 = vector.load %arg7[%swap3A_36, %swap3A_37] : memref<1x128xf32, #tpu.memory_space<vmem>>, vector<1x128xf32>
    tpu.vector_store %arg7[%swap3A_36, %swap3A_37], %add3A_35 {strides = array<i32>} : memref<1x128xf32, #tpu.memory_space<vmem>>, vector<1x128xf32>,
    return
  }
  func.func @transform_0(%arg0: i32) -> (i32, i32) {
    %c0_i32 = arith.constant 0 : i32
    %c0_i32_0 = arith.constant 0 : i32
    return %arg0, %c0_i32 : i32, i32
  }
  func.func @transform_1(%arg0: i32) -> (i32, i32) {
    %c0_i32 = arith.constant 0 : i32
    %c0_i32_0 = arith.constant 0 : i32
    %c0_i32_1 = arith.constant 0 : i32
    return %c0_i32, %c0_i32_0 : i32, i32
  }
  func.func @transform_2(%arg0: i32) -> (i32, i32) {
    %c0_i32 = arith.constant 0 : i32
    %c0_i32_0 = arith.constant 0 : i32
    %c0_i32_1 = arith.constant 0 : i32
    return %c0_i32, %c0_i32_0 : i32, i32
  }
  func.func @transform_3(%arg0: i32) -> (i32, i32) {
    %c0_i32 = arith.constant 0 : i32
    %c0_i32_0 = arith.constant 0 : i32
    %c0_i32_1 = arith.constant 0 : i32
    return %c0_i32, %c0_i32_0 : i32, i32
  }
  func.func @transform_4(%arg0: i32) -> (i32, i32) {
    %c0_i32 = arith.constant 0 : i32
    %c0_i32_0 = arith.constant 0 : i32
    return %arg0, %c0_i32 : i32, i32
  }
  func.func @transform_5(%arg0: i32) -> (i32, i32) {
    %c0_i32 = arith.constant 0 : i32
    %c0_i32_0 = arith.constant 0 : i32
    %c0_i32_1 = arith.constant 0 : i32
    return %c0_i32, %c0_i32_0 : i32, i32
  }
  func.func @transform_6(%arg0: i32) -> (i32, i32) {
    %c0_i32 = arith.constant 0 : i32
    %c0_i32_0 = arith.constant 0 : i32
    %c0_i32_1 = arith.constant 0 : i32
    return %c0_i32, %c0_i32_0 : i32, i32
  }
}

module attributes {stable_mosaic.version = 14 : i64} {
  func.func @_m4_body(%arg0: i32, %arg1: memref<4096x128xf32, #tpu.memory_space<vmem>>, %arg2: memref<1x128xf32, #tpu.memory_space<vmem>>, %arg3: memref<1x128xf32, #tpu.memory_space<vmem>>, %arg4: memref<256x128xf32, #tpu.memory_space<vmem>>) attributes {dimension_semantics = [#tpu.dimension_semantics<arbitrary>], iteration_bounds = array<i64: 32>, scalar_prefetch = 0 : i64, scratch_operands = 0 : i64, tpu.core_type = #tpu.core_type<tc>, window_params = [{transform_indices = @transform_0, window_bounds = array<i64: 4096, 128>}, {pipeline_mode = #tpu.pipeline_mode<synchronous>, transform_indices = @transform_1, window_bounds = array<i64: 1, 128>}, {pipeline_mode = #tpu.pipeline_mode<synchronous>, transform_indices = @transform_2, window_bounds = array<i64: 1, 128>}, {transform_indices = @transform_3, window_bounds = array<i64: 256, 128>}]} {
    %get3A = arith.constant 0 : index
    %get3A_0 = arith.constant 0 : index
    %get3A_1 = vector.load %arg1[%get3A, %get3A_0] : memref<4096x128xf32, #tpu.memory_space<vmem>>, vector<4096x128xf32>
    %get3A_2 = arith.constant 0 : index
    %get3A_3 = arith.constant 0 : index
    %get3A_4 = vector.load %arg2[%get3A_2, %get3A_3] : memref<1x128xf32, #tpu.memory_space<vmem>>, vector<1x128xf32>
    %mul3A = vector.broadcast %get3A_4 : vector<1x128xf32> to vector<4096x128xf32>
    %mul3A_5 = arith.mulf %get3A_1, %mul3A : vector<4096x128xf32>
    %get3A_6 = arith.constant 0 : index
    %get3A_7 = arith.constant 0 : index
    %get3A_8 = vector.load %arg3[%get3A_6, %get3A_7] : memref<1x128xf32, #tpu.memory_space<vmem>>, vector<1x128xf32>
    %add3A = vector.broadcast %get3A_8 : vector<1x128xf32> to vector<4096x128xf32>
    %add3A_9 = arith.addf %mul3A_5, %add3A : vector<4096x128xf32>
    %max3A = arith.constant 0.000000e+00 : f32
    %max3A_10 = vector.broadcast %max3A : f32 to vector<4096x128xf32>
    %max3A_11 = arith.maximumf %add3A_9, %max3A_10 : vector<4096x128xf32>
    %reshape3A = vector.shape_cast %max3A_11 : vector<4096x128xf32> to vector<256x16x128xf32>
    %reduce_max3A = arith.constant dense<0xFF800000> : vector<256x128xf32>
    %reduce_max3A_12 = vector.multi_reduction <maximumf>, %reshape3A, %reduce_max3A [1] : vector<256x16x128xf32> to vector<256x128xf32>
    %swap3A = arith.constant 0 : index
    %swap3A_13 = arith.constant 0 : index
    %swap3A_14 = vector.load %arg4[%swap3A, %swap3A_13] : memref<256x128xf32, #tpu.memory_space<vmem>>, vector<256x128xf32>
    tpu.vector_store %arg4[%swap3A, %swap3A_13], %reduce_max3A_12 {strides = array<i32>} : memref<256x128xf32, #tpu.memory_space<vmem>>, vector<256x128xf32>,
    return
  }
  func.func @transform_0(%arg0: i32) -> (i32, i32) {
    %c0_i32 = arith.constant 0 : i32
    %c0_i32_0 = arith.constant 0 : i32
    return %arg0, %c0_i32 : i32, i32
  }
  func.func @transform_1(%arg0: i32) -> (i32, i32) {
    %c0_i32 = arith.constant 0 : i32
    %c0_i32_0 = arith.constant 0 : i32
    %c0_i32_1 = arith.constant 0 : i32
    return %c0_i32, %c0_i32_0 : i32, i32
  }
  func.func @transform_2(%arg0: i32) -> (i32, i32) {
    %c0_i32 = arith.constant 0 : i32
    %c0_i32_0 = arith.constant 0 : i32
    %c0_i32_1 = arith.constant 0 : i32
    return %c0_i32, %c0_i32_0 : i32, i32
  }
  func.func @transform_3(%arg0: i32) -> (i32, i32) {
    %c0_i32 = arith.constant 0 : i32
    %c0_i32_0 = arith.constant 0 : i32
    return %arg0, %c0_i32 : i32, i32
  }
}

module attributes {stable_mosaic.version = 14 : i64} {
  func.func @_m1_body(%arg0: i32, %arg1: memref<4096x128xf32, #tpu.memory_space<vmem>>, %arg2: memref<128x64xf32, #tpu.memory_space<vmem>>, %arg3: memref<1x64xf32, #tpu.memory_space<vmem>>, %arg4: memref<1x64xf32, #tpu.memory_space<vmem>>) attributes {dimension_semantics = [#tpu.dimension_semantics<arbitrary>], iteration_bounds = array<i64: 64>, scalar_prefetch = 0 : i64, scratch_operands = 0 : i64, tpu.core_type = #tpu.core_type<tc>, window_params = [{transform_indices = @transform_0, window_bounds = array<i64: 4096, 128>}, {transform_indices = @transform_1, window_bounds = array<i64: 128, 64>}, {pipeline_mode = #tpu.pipeline_mode<synchronous>, transform_indices = @transform_2, window_bounds = array<i64: 1, 64>}, {pipeline_mode = #tpu.pipeline_mode<synchronous>, transform_indices = @transform_3, window_bounds = array<i64: 1, 64>}]} {
    %get3A = arith.constant 0 : index
    %get3A_0 = arith.constant 0 : index
    %get3A_1 = vector.load %arg1[%get3A, %get3A_0] : memref<4096x128xf32, #tpu.memory_space<vmem>>, vector<4096x128xf32>
    %slice3A = vector.extract_strided_slice %get3A_1 {offsets = [0, 0], sizes = [4096, 64], strides = [1, 1]} : vector<4096x128xf32> to vector<4096x64xf32>
    %reshape3A = vector.shape_cast %slice3A : vector<4096x64xf32> to vector<128x32x64xf32>
    %get3A_2 = arith.constant 0 : index
    %get3A_3 = arith.constant 0 : index
    %get3A_4 = vector.load %arg2[%get3A_2, %get3A_3] : memref<128x64xf32, #tpu.memory_space<vmem>>, vector<128x64xf32>
    %broadcast_in_dim3A = vector.shape_cast %get3A_4 : vector<128x64xf32> to vector<128x1x64xf32>
    %sub3A = vector.broadcast %broadcast_in_dim3A : vector<128x1x64xf32> to vector<128x32x64xf32>
    %sub3A_5 = arith.subf %reshape3A, %sub3A : vector<128x32x64xf32>
    %reshape3A_6 = vector.shape_cast %sub3A_5 : vector<128x32x64xf32> to vector<4096x64xf32>
    %eq3A = arith.constant 0 : i32
    %eq3A_7 = arith.cmpi eq, %arg0, %eq3A : i32
    %convert_element_type3A = arith.extui %eq3A_7 : i1 to i32
    %cond3A = arith.constant 0 : i32
    %cond3A_8 = arith.cmpi ne, %convert_element_type3A, %cond3A : i32
    scf.if %cond3A_8 {
      %broadcast_in_dim3A_26 = arith.constant 0.000000e+00 : f32
      %broadcast_in_dim3A_27 = vector.broadcast %broadcast_in_dim3A_26 : f32 to vector<1x64xf32>
      %swap3A_28 = arith.constant 0 : index
      %swap3A_29 = arith.constant 0 : index
      %swap3A_30 = vector.load %arg3[%swap3A_28, %swap3A_29] : memref<1x64xf32, #tpu.memory_space<vmem>>, vector<1x64xf32>
      tpu.vector_store %arg3[%swap3A_28, %swap3A_29], %broadcast_in_dim3A_27 {strides = array<i32>} : memref<1x64xf32, #tpu.memory_space<vmem>>, vector<1x64xf32>,
      %broadcast_in_dim3A_31 = arith.constant 0.000000e+00 : f32
      %broadcast_in_dim3A_32 = vector.broadcast %broadcast_in_dim3A_31 : f32 to vector<1x64xf32>
      %swap3A_33 = arith.constant 0 : index
      %swap3A_34 = arith.constant 0 : index
      %swap3A_35 = vector.load %arg4[%swap3A_33, %swap3A_34] : memref<1x64xf32, #tpu.memory_space<vmem>>, vector<1x64xf32>
      tpu.vector_store %arg4[%swap3A_33, %swap3A_34], %broadcast_in_dim3A_32 {strides = array<i32>} : memref<1x64xf32, #tpu.memory_space<vmem>>, vector<1x64xf32>,
    } else {
    }
    %get3A_9 = arith.constant 0 : index
    %get3A_10 = arith.constant 0 : index
    %get3A_11 = vector.load %arg3[%get3A_9, %get3A_10] : memref<1x64xf32, #tpu.memory_space<vmem>>, vector<1x64xf32>
    %reduce_sum3A = arith.constant dense<0.000000e+00> : vector<64xf32>
    %reduce_sum3A_12 = vector.multi_reduction <add>, %reshape3A_6, %reduce_sum3A [0] : vector<4096x64xf32> to vector<64xf32>
    %broadcast_in_dim3A_13 = vector.shape_cast %reduce_sum3A_12 : vector<64xf32> to vector<1x64xf32>
    %add3A = arith.addf %get3A_11, %broadcast_in_dim3A_13 : vector<1x64xf32>
    %swap3A = arith.constant 0 : index
    %swap3A_14 = arith.constant 0 : index
    %swap3A_15 = vector.load %arg3[%swap3A, %swap3A_14] : memref<1x64xf32, #tpu.memory_space<vmem>>, vector<1x64xf32>
    tpu.vector_store %arg3[%swap3A, %swap3A_14], %add3A {strides = array<i32>} : memref<1x64xf32, #tpu.memory_space<vmem>>, vector<1x64xf32>,
    %get3A_16 = arith.constant 0 : index
    %get3A_17 = arith.constant 0 : index
    %get3A_18 = vector.load %arg4[%get3A_16, %get3A_17] : memref<1x64xf32, #tpu.memory_space<vmem>>, vector<1x64xf32>
    %mul3A = arith.mulf %reshape3A_6, %reshape3A_6 : vector<4096x64xf32>
    %reduce_sum3A_19 = arith.constant dense<0.000000e+00> : vector<64xf32>
    %reduce_sum3A_20 = vector.multi_reduction <add>, %mul3A, %reduce_sum3A_19 [0] : vector<4096x64xf32> to vector<64xf32>
    %broadcast_in_dim3A_21 = vector.shape_cast %reduce_sum3A_20 : vector<64xf32> to vector<1x64xf32>
    %add3A_22 = arith.addf %get3A_18, %broadcast_in_dim3A_21 : vector<1x64xf32>
    %swap3A_23 = arith.constant 0 : index
    %swap3A_24 = arith.constant 0 : index
    %swap3A_25 = vector.load %arg4[%swap3A_23, %swap3A_24] : memref<1x64xf32, #tpu.memory_space<vmem>>, vector<1x64xf32>
    tpu.vector_store %arg4[%swap3A_23, %swap3A_24], %add3A_22 {strides = array<i32>} : memref<1x64xf32, #tpu.memory_space<vmem>>, vector<1x64xf32>,
    return
  }
  func.func @transform_0(%arg0: i32) -> (i32, i32) {
    %c0_i32 = arith.constant 0 : i32
    %c0_i32_0 = arith.constant 0 : i32
    return %arg0, %c0_i32 : i32, i32
  }
  func.func @transform_1(%arg0: i32) -> (i32, i32) {
    %c0_i32 = arith.constant 0 : i32
    %c0_i32_0 = arith.constant 0 : i32
    return %arg0, %c0_i32 : i32, i32
  }
  func.func @transform_2(%arg0: i32) -> (i32, i32) {
    %c0_i32 = arith.constant 0 : i32
    %c0_i32_0 = arith.constant 0 : i32
    %c0_i32_1 = arith.constant 0 : i32
    return %c0_i32, %c0_i32_0 : i32, i32
  }
  func.func @transform_3(%arg0: i32) -> (i32, i32) {
    %c0_i32 = arith.constant 0 : i32
    %c0_i32_0 = arith.constant 0 : i32
    %c0_i32_1 = arith.constant 0 : i32
    return %c0_i32, %c0_i32_0 : i32, i32
  }
}

module attributes {stable_mosaic.version = 14 : i64} {
  func.func @_m2_body(%arg0: i32, %arg1: memref<4096x128xf32, #tpu.memory_space<vmem>>, %arg2: memref<128x64xf32, #tpu.memory_space<vmem>>, %arg3: memref<1x64xf32, #tpu.memory_space<vmem>>, %arg4: memref<1x64xf32, #tpu.memory_space<vmem>>, %arg5: memref<64x96xf32, #tpu.memory_space<vmem>>, %arg6: memref<4096x96xf32, #tpu.memory_space<vmem>>, %arg7: memref<1x96xf32, #tpu.memory_space<vmem>>, %arg8: memref<1x96xf32, #tpu.memory_space<vmem>>) attributes {dimension_semantics = [#tpu.dimension_semantics<arbitrary>], iteration_bounds = array<i64: 64>, scalar_prefetch = 0 : i64, scratch_operands = 0 : i64, tpu.core_type = #tpu.core_type<tc>, window_params = [{transform_indices = @transform_0, window_bounds = array<i64: 4096, 128>}, {transform_indices = @transform_1, window_bounds = array<i64: 128, 64>}, {pipeline_mode = #tpu.pipeline_mode<synchronous>, transform_indices = @transform_2, window_bounds = array<i64: 1, 64>}, {pipeline_mode = #tpu.pipeline_mode<synchronous>, transform_indices = @transform_3, window_bounds = array<i64: 1, 64>}, {pipeline_mode = #tpu.pipeline_mode<synchronous>, transform_indices = @transform_4, window_bounds = array<i64: 64, 96>}, {transform_indices = @transform_5, window_bounds = array<i64: 4096, 96>}, {pipeline_mode = #tpu.pipeline_mode<synchronous>, transform_indices = @transform_6, window_bounds = array<i64: 1, 96>}, {pipeline_mode = #tpu.pipeline_mode<synchronous>, transform_indices = @transform_7, window_bounds = array<i64: 1, 96>}]} {
    %get3A = arith.constant 0 : index
    %get3A_0 = arith.constant 0 : index
    %get3A_1 = vector.load %arg1[%get3A, %get3A_0] : memref<4096x128xf32, #tpu.memory_space<vmem>>, vector<4096x128xf32>
    %slice3A = vector.extract_strided_slice %get3A_1 {offsets = [0, 0], sizes = [4096, 64], strides = [1, 1]} : vector<4096x128xf32> to vector<4096x64xf32>
    %reshape3A = vector.shape_cast %slice3A : vector<4096x64xf32> to vector<128x32x64xf32>
    %get3A_2 = arith.constant 0 : index
    %get3A_3 = arith.constant 0 : index
    %get3A_4 = vector.load %arg2[%get3A_2, %get3A_3] : memref<128x64xf32, #tpu.memory_space<vmem>>, vector<128x64xf32>
    %broadcast_in_dim3A = vector.shape_cast %get3A_4 : vector<128x64xf32> to vector<128x1x64xf32>
    %sub3A = vector.broadcast %broadcast_in_dim3A : vector<128x1x64xf32> to vector<128x32x64xf32>
    %sub3A_5 = arith.subf %reshape3A, %sub3A : vector<128x32x64xf32>
    %reshape3A_6 = vector.shape_cast %sub3A_5 : vector<128x32x64xf32> to vector<4096x64xf32>
    %get3A_7 = arith.constant 0 : index
    %get3A_8 = arith.constant 0 : index
    %get3A_9 = vector.load %arg3[%get3A_7, %get3A_8] : memref<1x64xf32, #tpu.memory_space<vmem>>, vector<1x64xf32>
    %mul3A = vector.broadcast %get3A_9 : vector<1x64xf32> to vector<4096x64xf32>
    %mul3A_10 = arith.mulf %reshape3A_6, %mul3A : vector<4096x64xf32>
    %get3A_11 = arith.constant 0 : index
    %get3A_12 = arith.constant 0 : index
    %get3A_13 = vector.load %arg4[%get3A_11, %get3A_12] : memref<1x64xf32, #tpu.memory_space<vmem>>, vector<1x64xf32>
    %add3A = vector.broadcast %get3A_13 : vector<1x64xf32> to vector<4096x64xf32>
    %add3A_14 = arith.addf %mul3A_10, %add3A : vector<4096x64xf32>
    %max3A = arith.constant 0.000000e+00 : f32
    %max3A_15 = vector.broadcast %max3A : f32 to vector<4096x64xf32>
    %max3A_16 = arith.maximumf %add3A_14, %max3A_15 : vector<4096x64xf32>
    %get3A_17 = arith.constant 0 : index
    %get3A_18 = arith.constant 0 : index
    %get3A_19 = vector.load %arg5[%get3A_17, %get3A_18] : memref<64x96xf32, #tpu.memory_space<vmem>>, vector<64x96xf32>
    %dot_general3A = arith.constant dense<0.000000e+00> : vector<4096x96xf32>
    %dot_general3A_20 = tpu.matmul %max3A_16, %get3A_19, %dot_general3A {dimension_numbers = #tpu.dot_dimension_numbers<[1], [0], [0], [1], [0, 0, 1, 1], [], []>, transpose_lhs_hint = false} : vector<4096x64xf32>, vector<64x96xf32>, vector<4096x96xf32> -> vector<4096x96xf32>
    %swap3A = arith.constant 0 : index
    %swap3A_21 = arith.constant 0 : index
    %swap3A_22 = vector.load %arg6[%swap3A, %swap3A_21] : memref<4096x96xf32, #tpu.memory_space<vmem>>, vector<4096x96xf32>
    tpu.vector_store %arg6[%swap3A, %swap3A_21], %dot_general3A_20 {strides = array<i32>} : memref<4096x96xf32, #tpu.memory_space<vmem>>, vector<4096x96xf32>,
    %eq3A = arith.constant 0 : i32
    %eq3A_23 = arith.cmpi eq, %arg0, %eq3A : i32
    %convert_element_type3A = arith.extui %eq3A_23 : i1 to i32
    %cond3A = arith.constant 0 : i32
    %cond3A_24 = arith.cmpi ne, %convert_element_type3A, %cond3A : i32
    scf.if %cond3A_24 {
      %broadcast_in_dim3A_45 = arith.constant 0.000000e+00 : f32
      %broadcast_in_dim3A_46 = vector.broadcast %broadcast_in_dim3A_45 : f32 to vector<1x96xf32>
      %swap3A_47 = arith.constant 0 : index
      %swap3A_48 = arith.constant 0 : index
      %swap3A_49 = vector.load %arg7[%swap3A_47, %swap3A_48] : memref<1x96xf32, #tpu.memory_space<vmem>>, vector<1x96xf32>
      tpu.vector_store %arg7[%swap3A_47, %swap3A_48], %broadcast_in_dim3A_46 {strides = array<i32>} : memref<1x96xf32, #tpu.memory_space<vmem>>, vector<1x96xf32>,
      %broadcast_in_dim3A_50 = arith.constant 0.000000e+00 : f32
      %broadcast_in_dim3A_51 = vector.broadcast %broadcast_in_dim3A_50 : f32 to vector<1x96xf32>
      %swap3A_52 = arith.constant 0 : index
      %swap3A_53 = arith.constant 0 : index
      %swap3A_54 = vector.load %arg8[%swap3A_52, %swap3A_53] : memref<1x96xf32, #tpu.memory_space<vmem>>, vector<1x96xf32>
      tpu.vector_store %arg8[%swap3A_52, %swap3A_53], %broadcast_in_dim3A_51 {strides = array<i32>} : memref<1x96xf32, #tpu.memory_space<vmem>>, vector<1x96xf32>,
    } else {
    }
    %get3A_25 = arith.constant 0 : index
    %get3A_26 = arith.constant 0 : index
    %get3A_27 = vector.load %arg7[%get3A_25, %get3A_26] : memref<1x96xf32, #tpu.memory_space<vmem>>, vector<1x96xf32>
    %reduce_sum3A = arith.constant dense<0.000000e+00> : vector<96xf32>
    %reduce_sum3A_28 = vector.multi_reduction <add>, %dot_general3A_20, %reduce_sum3A [0] : vector<4096x96xf32> to vector<96xf32>
    %broadcast_in_dim3A_29 = vector.shape_cast %reduce_sum3A_28 : vector<96xf32> to vector<1x96xf32>
    %add3A_30 = arith.addf %get3A_27, %broadcast_in_dim3A_29 : vector<1x96xf32>
    %swap3A_31 = arith.constant 0 : index
    %swap3A_32 = arith.constant 0 : index
    %swap3A_33 = vector.load %arg7[%swap3A_31, %swap3A_32] : memref<1x96xf32, #tpu.memory_space<vmem>>, vector<1x96xf32>
    tpu.vector_store %arg7[%swap3A_31, %swap3A_32], %add3A_30 {strides = array<i32>} : memref<1x96xf32, #tpu.memory_space<vmem>>, vector<1x96xf32>,
    %get3A_34 = arith.constant 0 : index
    %get3A_35 = arith.constant 0 : index
    %get3A_36 = vector.load %arg8[%get3A_34, %get3A_35] : memref<1x96xf32, #tpu.memory_space<vmem>>, vector<1x96xf32>
    %mul3A_37 = arith.mulf %dot_general3A_20, %dot_general3A_20 : vector<4096x96xf32>
    %reduce_sum3A_38 = arith.constant dense<0.000000e+00> : vector<96xf32>
    %reduce_sum3A_39 = vector.multi_reduction <add>, %mul3A_37, %reduce_sum3A_38 [0] : vector<4096x96xf32> to vector<96xf32>
    %broadcast_in_dim3A_40 = vector.shape_cast %reduce_sum3A_39 : vector<96xf32> to vector<1x96xf32>
    %add3A_41 = arith.addf %get3A_36, %broadcast_in_dim3A_40 : vector<1x96xf32>
    %swap3A_42 = arith.constant 0 : index
    %swap3A_43 = arith.constant 0 : index
    %swap3A_44 = vector.load %arg8[%swap3A_42, %swap3A_43] : memref<1x96xf32, #tpu.memory_space<vmem>>, vector<1x96xf32>
    tpu.vector_store %arg8[%swap3A_42, %swap3A_43], %add3A_41 {strides = array<i32>} : memref<1x96xf32, #tpu.memory_space<vmem>>, vector<1x96xf32>,
    return
  }
  func.func @transform_0(%arg0: i32) -> (i32, i32) {
    %c0_i32 = arith.constant 0 : i32
    %c0_i32_0 = arith.constant 0 : i32
    return %arg0, %c0_i32 : i32, i32
  }
  func.func @transform_1(%arg0: i32) -> (i32, i32) {
    %c0_i32 = arith.constant 0 : i32
    %c0_i32_0 = arith.constant 0 : i32
    return %arg0, %c0_i32 : i32, i32
  }
  func.func @transform_2(%arg0: i32) -> (i32, i32) {
    %c0_i32 = arith.constant 0 : i32
    %c0_i32_0 = arith.constant 0 : i32
    %c0_i32_1 = arith.constant 0 : i32
    return %c0_i32, %c0_i32_0 : i32, i32
  }
  func.func @transform_3(%arg0: i32) -> (i32, i32) {
    %c0_i32 = arith.constant 0 : i32
    %c0_i32_0 = arith.constant 0 : i32
    %c0_i32_1 = arith.constant 0 : i32
    return %c0_i32, %c0_i32_0 : i32, i32
  }
  func.func @transform_4(%arg0: i32) -> (i32, i32) {
    %c0_i32 = arith.constant 0 : i32
    %c0_i32_0 = arith.constant 0 : i32
    %c0_i32_1 = arith.constant 0 : i32
    return %c0_i32, %c0_i32_0 : i32, i32
  }
  func.func @transform_5(%arg0: i32) -> (i32, i32) {
    %c0_i32 = arith.constant 0 : i32
    %c0_i32_0 = arith.constant 0 : i32
    return %arg0, %c0_i32 : i32, i32
  }
  func.func @transform_6(%arg0: i32) -> (i32, i32) {
    %c0_i32 = arith.constant 0 : i32
    %c0_i32_0 = arith.constant 0 : i32
    %c0_i32_1 = arith.constant 0 : i32
    return %c0_i32, %c0_i32_0 : i32, i32
  }
  func.func @transform_7(%arg0: i32) -> (i32, i32) {
    %c0_i32 = arith.constant 0 : i32
    %c0_i32_0 = arith.constant 0 : i32
    %c0_i32_1 = arith.constant 0 : i32
    return %c0_i32, %c0_i32_0 : i32, i32
  }
}

module attributes {stable_mosaic.version = 14 : i64} {
  func.func @_m3_body(%arg0: i32, %arg1: memref<4096x96xf32, #tpu.memory_space<vmem>>, %arg2: memref<1x96xf32, #tpu.memory_space<vmem>>, %arg3: memref<1x96xf32, #tpu.memory_space<vmem>>, %arg4: memref<96x128xf32, #tpu.memory_space<vmem>>, %arg5: memref<4096x128xf32, #tpu.memory_space<vmem>>, %arg6: memref<1x128xf32, #tpu.memory_space<vmem>>, %arg7: memref<1x128xf32, #tpu.memory_space<vmem>>) attributes {dimension_semantics = [#tpu.dimension_semantics<arbitrary>], iteration_bounds = array<i64: 64>, scalar_prefetch = 0 : i64, scratch_operands = 0 : i64, tpu.core_type = #tpu.core_type<tc>, window_params = [{transform_indices = @transform_0, window_bounds = array<i64: 4096, 96>}, {pipeline_mode = #tpu.pipeline_mode<synchronous>, transform_indices = @transform_1, window_bounds = array<i64: 1, 96>}, {pipeline_mode = #tpu.pipeline_mode<synchronous>, transform_indices = @transform_2, window_bounds = array<i64: 1, 96>}, {pipeline_mode = #tpu.pipeline_mode<synchronous>, transform_indices = @transform_3, window_bounds = array<i64: 96, 128>}, {transform_indices = @transform_4, window_bounds = array<i64: 4096, 128>}, {pipeline_mode = #tpu.pipeline_mode<synchronous>, transform_indices = @transform_5, window_bounds = array<i64: 1, 128>}, {pipeline_mode = #tpu.pipeline_mode<synchronous>, transform_indices = @transform_6, window_bounds = array<i64: 1, 128>}]} {
    %get3A = arith.constant 0 : index
    %get3A_0 = arith.constant 0 : index
    %get3A_1 = vector.load %arg1[%get3A, %get3A_0] : memref<4096x96xf32, #tpu.memory_space<vmem>>, vector<4096x96xf32>
    %get3A_2 = arith.constant 0 : index
    %get3A_3 = arith.constant 0 : index
    %get3A_4 = vector.load %arg2[%get3A_2, %get3A_3] : memref<1x96xf32, #tpu.memory_space<vmem>>, vector<1x96xf32>
    %mul3A = vector.broadcast %get3A_4 : vector<1x96xf32> to vector<4096x96xf32>
    %mul3A_5 = arith.mulf %get3A_1, %mul3A : vector<4096x96xf32>
    %get3A_6 = arith.constant 0 : index
    %get3A_7 = arith.constant 0 : index
    %get3A_8 = vector.load %arg3[%get3A_6, %get3A_7] : memref<1x96xf32, #tpu.memory_space<vmem>>, vector<1x96xf32>
    %add3A = vector.broadcast %get3A_8 : vector<1x96xf32> to vector<4096x96xf32>
    %add3A_9 = arith.addf %mul3A_5, %add3A : vector<4096x96xf32>
    %max3A = arith.constant 0.000000e+00 : f32
    %max3A_10 = vector.broadcast %max3A : f32 to vector<4096x96xf32>
    %max3A_11 = arith.maximumf %add3A_9, %max3A_10 : vector<4096x96xf32>
    %get3A_12 = arith.constant 0 : index
    %get3A_13 = arith.constant 0 : index
    %get3A_14 = vector.load %arg4[%get3A_12, %get3A_13] : memref<96x128xf32, #tpu.memory_space<vmem>>, vector<96x128xf32>
    %dot_general3A = arith.constant dense<0.000000e+00> : vector<4096x128xf32>
    %dot_general3A_15 = tpu.matmul %max3A_11, %get3A_14, %dot_general3A {dimension_numbers = #tpu.dot_dimension_numbers<[1], [0], [0], [1], [0, 0, 1, 1], [], []>, transpose_lhs_hint = false} : vector<4096x96xf32>, vector<96x128xf32>, vector<4096x128xf32> -> vector<4096x128xf32>
    %swap3A = arith.constant 0 : index
    %swap3A_16 = arith.constant 0 : index
    %swap3A_17 = vector.load %arg5[%swap3A, %swap3A_16] : memref<4096x128xf32, #tpu.memory_space<vmem>>, vector<4096x128xf32>
    tpu.vector_store %arg5[%swap3A, %swap3A_16], %dot_general3A_15 {strides = array<i32>} : memref<4096x128xf32, #tpu.memory_space<vmem>>, vector<4096x128xf32>,
    %eq3A = arith.constant 0 : i32
    %eq3A_18 = arith.cmpi eq, %arg0, %eq3A : i32
    %convert_element_type3A = arith.extui %eq3A_18 : i1 to i32
    %cond3A = arith.constant 0 : i32
    %cond3A_19 = arith.cmpi ne, %convert_element_type3A, %cond3A : i32
    scf.if %cond3A_19 {
      %broadcast_in_dim3A_39 = arith.constant 0.000000e+00 : f32
      %broadcast_in_dim3A_40 = vector.broadcast %broadcast_in_dim3A_39 : f32 to vector<1x128xf32>
      %swap3A_41 = arith.constant 0 : index
      %swap3A_42 = arith.constant 0 : index
      %swap3A_43 = vector.load %arg6[%swap3A_41, %swap3A_42] : memref<1x128xf32, #tpu.memory_space<vmem>>, vector<1x128xf32>
      tpu.vector_store %arg6[%swap3A_41, %swap3A_42], %broadcast_in_dim3A_40 {strides = array<i32>} : memref<1x128xf32, #tpu.memory_space<vmem>>, vector<1x128xf32>,
      %broadcast_in_dim3A_44 = arith.constant 0.000000e+00 : f32
      %broadcast_in_dim3A_45 = vector.broadcast %broadcast_in_dim3A_44 : f32 to vector<1x128xf32>
      %swap3A_46 = arith.constant 0 : index
      %swap3A_47 = arith.constant 0 : index
      %swap3A_48 = vector.load %arg7[%swap3A_46, %swap3A_47] : memref<1x128xf32, #tpu.memory_space<vmem>>, vector<1x128xf32>
      tpu.vector_store %arg7[%swap3A_46, %swap3A_47], %broadcast_in_dim3A_45 {strides = array<i32>} : memref<1x128xf32, #tpu.memory_space<vmem>>, vector<1x128xf32>,
    } else {
    }
    %get3A_20 = arith.constant 0 : index
    %get3A_21 = arith.constant 0 : index
    %get3A_22 = vector.load %arg6[%get3A_20, %get3A_21] : memref<1x128xf32, #tpu.memory_space<vmem>>, vector<1x128xf32>
    %reduce_sum3A = arith.constant dense<0.000000e+00> : vector<128xf32>
    %reduce_sum3A_23 = vector.multi_reduction <add>, %dot_general3A_15, %reduce_sum3A [0] : vector<4096x128xf32> to vector<128xf32>
    %broadcast_in_dim3A = vector.shape_cast %reduce_sum3A_23 : vector<128xf32> to vector<1x128xf32>
    %add3A_24 = arith.addf %get3A_22, %broadcast_in_dim3A : vector<1x128xf32>
    %swap3A_25 = arith.constant 0 : index
    %swap3A_26 = arith.constant 0 : index
    %swap3A_27 = vector.load %arg6[%swap3A_25, %swap3A_26] : memref<1x128xf32, #tpu.memory_space<vmem>>, vector<1x128xf32>
    tpu.vector_store %arg6[%swap3A_25, %swap3A_26], %add3A_24 {strides = array<i32>} : memref<1x128xf32, #tpu.memory_space<vmem>>, vector<1x128xf32>,
    %get3A_28 = arith.constant 0 : index
    %get3A_29 = arith.constant 0 : index
    %get3A_30 = vector.load %arg7[%get3A_28, %get3A_29] : memref<1x128xf32, #tpu.memory_space<vmem>>, vector<1x128xf32>
    %mul3A_31 = arith.mulf %dot_general3A_15, %dot_general3A_15 : vector<4096x128xf32>
    %reduce_sum3A_32 = arith.constant dense<0.000000e+00> : vector<128xf32>
    %reduce_sum3A_33 = vector.multi_reduction <add>, %mul3A_31, %reduce_sum3A_32 [0] : vector<4096x128xf32> to vector<128xf32>
    %broadcast_in_dim3A_34 = vector.shape_cast %reduce_sum3A_33 : vector<128xf32> to vector<1x128xf32>
    %add3A_35 = arith.addf %get3A_30, %broadcast_in_dim3A_34 : vector<1x128xf32>
    %swap3A_36 = arith.constant 0 : index
    %swap3A_37 = arith.constant 0 : index
    %swap3A_38 = vector.load %arg7[%swap3A_36, %swap3A_37] : memref<1x128xf32, #tpu.memory_space<vmem>>, vector<1x128xf32>
    tpu.vector_store %arg7[%swap3A_36, %swap3A_37], %add3A_35 {strides = array<i32>} : memref<1x128xf32, #tpu.memory_space<vmem>>, vector<1x128xf32>,
    return
  }
  func.func @transform_0(%arg0: i32) -> (i32, i32) {
    %c0_i32 = arith.constant 0 : i32
    %c0_i32_0 = arith.constant 0 : i32
    return %arg0, %c0_i32 : i32, i32
  }
  func.func @transform_1(%arg0: i32) -> (i32, i32) {
    %c0_i32 = arith.constant 0 : i32
    %c0_i32_0 = arith.constant 0 : i32
    %c0_i32_1 = arith.constant 0 : i32
    return %c0_i32, %c0_i32_0 : i32, i32
  }
  func.func @transform_2(%arg0: i32) -> (i32, i32) {
    %c0_i32 = arith.constant 0 : i32
    %c0_i32_0 = arith.constant 0 : i32
    %c0_i32_1 = arith.constant 0 : i32
    return %c0_i32, %c0_i32_0 : i32, i32
  }
  func.func @transform_3(%arg0: i32) -> (i32, i32) {
    %c0_i32 = arith.constant 0 : i32
    %c0_i32_0 = arith.constant 0 : i32
    %c0_i32_1 = arith.constant 0 : i32
    return %c0_i32, %c0_i32_0 : i32, i32
  }
  func.func @transform_4(%arg0: i32) -> (i32, i32) {
    %c0_i32 = arith.constant 0 : i32
    %c0_i32_0 = arith.constant 0 : i32
    return %arg0, %c0_i32 : i32, i32
  }
  func.func @transform_5(%arg0: i32) -> (i32, i32) {
    %c0_i32 = arith.constant 0 : i32
    %c0_i32_0 = arith.constant 0 : i32
    %c0_i32_1 = arith.constant 0 : i32
    return %c0_i32, %c0_i32_0 : i32, i32
  }
  func.func @transform_6(%arg0: i32) -> (i32, i32) {
    %c0_i32 = arith.constant 0 : i32
    %c0_i32_0 = arith.constant 0 : i32
    %c0_i32_1 = arith.constant 0 : i32
    return %c0_i32, %c0_i32_0 : i32, i32
  }
}

module attributes {stable_mosaic.version = 14 : i64} {
  func.func @_m4_body(%arg0: i32, %arg1: memref<4096x128xf32, #tpu.memory_space<vmem>>, %arg2: memref<1x128xf32, #tpu.memory_space<vmem>>, %arg3: memref<1x128xf32, #tpu.memory_space<vmem>>, %arg4: memref<128x128xf32, #tpu.memory_space<vmem>>) attributes {dimension_semantics = [#tpu.dimension_semantics<arbitrary>], iteration_bounds = array<i64: 64>, scalar_prefetch = 0 : i64, scratch_operands = 0 : i64, tpu.core_type = #tpu.core_type<tc>, window_params = [{transform_indices = @transform_0, window_bounds = array<i64: 4096, 128>}, {pipeline_mode = #tpu.pipeline_mode<synchronous>, transform_indices = @transform_1, window_bounds = array<i64: 1, 128>}, {pipeline_mode = #tpu.pipeline_mode<synchronous>, transform_indices = @transform_2, window_bounds = array<i64: 1, 128>}, {transform_indices = @transform_3, window_bounds = array<i64: 128, 128>}]} {
    %get3A = arith.constant 0 : index
    %get3A_0 = arith.constant 0 : index
    %get3A_1 = vector.load %arg1[%get3A, %get3A_0] : memref<4096x128xf32, #tpu.memory_space<vmem>>, vector<4096x128xf32>
    %get3A_2 = arith.constant 0 : index
    %get3A_3 = arith.constant 0 : index
    %get3A_4 = vector.load %arg2[%get3A_2, %get3A_3] : memref<1x128xf32, #tpu.memory_space<vmem>>, vector<1x128xf32>
    %mul3A = vector.broadcast %get3A_4 : vector<1x128xf32> to vector<4096x128xf32>
    %mul3A_5 = arith.mulf %get3A_1, %mul3A : vector<4096x128xf32>
    %get3A_6 = arith.constant 0 : index
    %get3A_7 = arith.constant 0 : index
    %get3A_8 = vector.load %arg3[%get3A_6, %get3A_7] : memref<1x128xf32, #tpu.memory_space<vmem>>, vector<1x128xf32>
    %add3A = vector.broadcast %get3A_8 : vector<1x128xf32> to vector<4096x128xf32>
    %add3A_9 = arith.addf %mul3A_5, %add3A : vector<4096x128xf32>
    %max3A = arith.constant 0.000000e+00 : f32
    %max3A_10 = vector.broadcast %max3A : f32 to vector<4096x128xf32>
    %max3A_11 = arith.maximumf %add3A_9, %max3A_10 : vector<4096x128xf32>
    %reshape3A = vector.shape_cast %max3A_11 : vector<4096x128xf32> to vector<128x32x128xf32>
    %reduce_max3A = arith.constant dense<0xFF800000> : vector<128x128xf32>
    %reduce_max3A_12 = vector.multi_reduction <maximumf>, %reshape3A, %reduce_max3A [1] : vector<128x32x128xf32> to vector<128x128xf32>
    %swap3A = arith.constant 0 : index
    %swap3A_13 = arith.constant 0 : index
    %swap3A_14 = vector.load %arg4[%swap3A, %swap3A_13] : memref<128x128xf32, #tpu.memory_space<vmem>>, vector<128x128xf32>
    tpu.vector_store %arg4[%swap3A, %swap3A_13], %reduce_max3A_12 {strides = array<i32>} : memref<128x128xf32, #tpu.memory_space<vmem>>, vector<128x128xf32>,
    return
  }
  func.func @transform_0(%arg0: i32) -> (i32, i32) {
    %c0_i32 = arith.constant 0 : i32
    %c0_i32_0 = arith.constant 0 : i32
    return %arg0, %c0_i32 : i32, i32
  }
  func.func @transform_1(%arg0: i32) -> (i32, i32) {
    %c0_i32 = arith.constant 0 : i32
    %c0_i32_0 = arith.constant 0 : i32
    %c0_i32_1 = arith.constant 0 : i32
    return %c0_i32, %c0_i32_0 : i32, i32
  }
  func.func @transform_2(%arg0: i32) -> (i32, i32) {
    %c0_i32 = arith.constant 0 : i32
    %c0_i32_0 = arith.constant 0 : i32
    %c0_i32_1 = arith.constant 0 : i32
    return %c0_i32, %c0_i32_0 : i32, i32
  }
  func.func @transform_3(%arg0: i32) -> (i32, i32) {
    %c0_i32 = arith.constant 0 : i32
    %c0_i32_0 = arith.constant 0 : i32
    return %arg0, %c0_i32 : i32, i32
  }
}

</mosaic_0001>

<sc_bundles>
// kernel: kernel.19.cloned.1.call-start
scs
__scs_entry_jumppad:
0x0: {  	(pc) =	sbr.rel $0x88, $3  }
0x1: {  	(tag) =	ssettag $0x0;
	lr =	simm.s32 $0x1  }
0x2: {  	[smem:$0x3F8D] =	sst lr;
	_ =	strace $0xD0000000  }
0x3: {  	_ = 	snop  }
0x4: {  	_ = 	snop  }
0x5: {  	_ = 	snop  }
0x6: {  	_ = 	snop  }
0x7: {  	_ = 	snop  }
__scs_overlays_trampoline_lowered:
0x8: {  	[smem:$0x3F9C] =	sst s0  }
0x9: {  	[smem:$0x3F9D] =	sst s1  }
0xa: {  	[smem:$0x3F9E] =	sst s2  }
0xb: {  	[smem:$0x3F9F] =	sst s3  }
0xc: {  	[smem:$0x3FA0] =	sst s4  }
0xd: {  	[smem:$0x3FA1] =	sst s5  }
0xe: {  	[smem:$0x3FA2] =	sst s6  }
0xf: {  	[smem:$0x3FA3] =	sst s7  }
0x10: {  	[smem:$0x3FA4] =	sst s8  }
0x11: {  	[smem:$0x3FA5] =	sst s9;
	s0 =	simm.s32 @!p0 $0x0  }
0x12: {  	s1 =	sld [smem:$0x3F8B];
	s0 =	simm.s32 @p0 $0x1  }
0x13: {  	[smem:$0x3FA6] =	sst s0;
	s0 =	simm.s32 @!p1 $0x0  }
0x14: {  	s2 =	sld [smem:$0x3F8A];
	s0 =	simm.s32 @p1 $0x1  }
0x15: {  	[smem:$0x3FA7] =	sst s0;
	s0 =	simm.s32 @!p2 $0x0  }
0x16: {  	s3 =	sld [smem:$0x3FDB];
	s0 =	simm.s32 @p2 $0x1  }
0x17: {  	s4 =	simm.s32 $0x1BF5;
	[smem:$0x3FA9] =	sst s0  }
0x18: {  	s0 =	sld [smem:$0x3F8C];
	_ =	swait.ge [sflag:s4], $0x0  }
0x19: {  	s7 =	sld [smem:$0x3F8D]  }
0x1a: {  	s8 =	sadd.s32 $0xFFFFE003, lr  }
0x1b: {  	s9 =	sadd.s32 $0xFFFFFEF7, lr;
	s5 =	simm.s32 $0xFFFFFFFF;
	p2 =	slt.u32 s8, $0xFFFFF086  }
0x1c: {  	p1 =	slt.u32 s9, $0xF7A;
	s5 =	simm.s32 @!p2 $0x0  }
0x1d: {  	s5 =	simm.s32 @p1 $0x1;
	p0 =	seq.s32 s7, s2  }
0x1e: {  	s7 =	smul.u32 @!p0 $0xF7A, s2;
	p2 =	seq.s32 @!p0 s5, $0x0  }
0x1f: {  	s9 =	smul.u32 $0xF7A, s1;
	s8 =	simm.s32 @!p0 $0x1BF5;
	p2 =	por !p2, p0  }
0x20: {  	[sflag:s8] =	ssyncset.s32 @!p0 $0xFFFFF086;
	s6 =	sadd.s32 @!p0 s3, s7;
	s7 =	simm.s32 @!p0 $0x108  }
0x21: {  	s3 =	sadd.s32 s3, s9;
	s6 =	sadd.s32 @!p0 $0x88, s6;
	s7 =	simm.s32 @p2 $0x1082  }
0x22: {  	[simem:s7], [sflag:s8] =	dma.local @!p0 [hbm:s6], $0xF7A  }
0x23: {  	s9 =	sor.u32 $0xD0000000, s2;
	s6 =	simm.s32 $0x108;
	_ =	swait.ge @!p0 [sflag:s8], $0x0  }
0x24: {  	s3 =	sadd.s32 $0x88, s3;
	s6 =	simm.s32 @!p1 $0x1082;
	[sflag:s4] =	ssyncset.s32 $0xFFFFF086  }
0x25: {  	[simem:s6], [sflag:s4] =	dma.local [hbm:s3], $0xF7A  }
0x26: {  	[smem:$0x3F8D] =	sst s1;
	(tag) =	ssettag s2;
	_ =	strace s9  }
0x27: {  	s1 =	sld [smem:$0x3F9D]  }
0x28: {  	s2 =	sld [smem:$0x3F9E]  }
0x29: {  	s4 =	sld [smem:$0x3FA0]  }
0x2a: {  	p0 =	seq.s32 s5, $0x0;
	s5 =	sld [smem:$0x3FA1]  }
0x2b: {  	s6 =	sld [smem:$0x3FA2]  }
0x2c: {  	s7 =	sld [smem:$0x3FA3]  }
0x2d: {  	s3 =	simm.s32 $0x108;
	s8 =	sld [smem:$0x3FA4]  }
0x2e: {  	s3 =	simm.s32 @!p0 $0x1082;
	s9 =	sld [smem:$0x3FA5]  }
0x2f: {  	lr =	sadd.s32 s0, s3;
	s0 =	sld [smem:$0x3F9C]  }
0x30: {  	s3 =	sld [smem:$0x3F9F]  }
0x31: {  	[smem:$0x3FA8] =	sst s10  }
0x32: {  	s10 =	sld [smem:$0x3FA6];
	_ =	sdelay $0x3  }
0x33: {  	p0 =	seq.s32 s10, $0x1;
	s10 =	sld [smem:$0x3FA8];
	_ =	sdelay $0x3  }
0x34: {  	[smem:$0x3FA8] =	sst s10  }
0x35: {  	s10 =	sld [smem:$0x3FA7];
	_ =	sdelay $0x3  }
0x36: {  	p1 =	seq.s32 s10, $0x1;
	s10 =	sld [smem:$0x3FA8];
	_ =	sdelay $0x3  }
0x37: {  	[smem:$0x3FA8] =	sst s10  }
0x38: {  	s10 =	sld [smem:$0x3FA9]  }
0x39: {  	_ = 	snop;
	(pc) =	sbr.ind lr, $3  }
0x3a: {  	_ = 	snop  }
0x3b: {  	_ = 	snop  }
0x3c: {  	p2 =	seq.s32 s10, $0x1;
	s10 =	sld [smem:$0x3FA8]  }
0x3d: {  	_ =	shalt  }
0x3e: {  	_ =	shalt  }
0x3f: {  	_ =	shalt  }
0x40: {  	_ =	shalt  }
0x41: {  	_ =	shalt  }
0x42: {  	_ =	shalt  }
0x43: {  	_ =	shalt  }
0x44: {  	_ =	shalt  }
0x45: {  	_ =	shalt  }
0x46: {  	_ =	shalt  }
0x47: {  	_ =	shalt  }
0x48: {  	_ =	shalt  }
0x49: {  	_ =	shalt  }
0x4a: {  	_ =	shalt  }
0x4b: {  	_ =	shalt  }
0x4c: {  	_ =	shalt  }
0x4d: {  	_ =	shalt  }
0x4e: {  	_ =	shalt  }
0x4f: {  	_ =	shalt  }
0x50: {  	_ =	shalt  }
0x51: {  	_ =	shalt  }
0x52: {  	_ =	shalt  }
0x53: {  	_ =	shalt  }
0x54: {  	_ =	shalt  }
0x55: {  	_ =	shalt  }
0x56: {  	_ =	shalt  }
0x57: {  	_ =	shalt  }
0x58: {  	_ =	shalt  }
0x59: {  	_ =	shalt  }
0x5a: {  	_ =	shalt  }
0x5b: {  	_ =	shalt  }
0x5c: {  	_ =	shalt  }
0x5d: {  	_ =	shalt  }
0x5e: {  	_ =	shalt  }
0x5f: {  	_ =	shalt  }
0x60: {  	_ =	shalt  }
0x61: {  	_ =	shalt  }
0x62: {  	_ =	shalt  }
0x63: {  	_ =	shalt  }
0x64: {  	_ =	shalt  }
0x65: {  	_ =	shalt  }
0x66: {  	_ =	shalt  }
0x67: {  	_ =	shalt  }
0x68: {  	_ =	shalt  }
0x69: {  	_ =	shalt  }
0x6a: {  	_ =	shalt  }
0x6b: {  	_ =	shalt  }
0x6c: {  	_ =	shalt  }
0x6d: {  	_ =	shalt  }
0x6e: {  	_ =	shalt  }
0x6f: {  	_ =	shalt  }
0x70: {  	_ =	shalt  }
0x71: {  	_ =	shalt  }
0x72: {  	_ =	shalt  }
0x73: {  	_ =	shalt  }
0x74: {  	_ =	shalt  }
0x75: {  	_ =	shalt  }
0x76: {  	_ =	shalt  }
0x77: {  	_ =	shalt  }
0x78: {  	_ =	shalt  }
0x79: {  	_ =	shalt  }
0x7a: {  	_ =	shalt  }
0x7b: {  	_ =	shalt  }
0x7c: {  	_ =	shalt  }
0x7d: {  	_ =	shalt  }
0x7e: {  	_ =	shalt  }
0x7f: {  	_ =	shalt  }
0x80: {  	_ =	shalt  }
0x81: {  	_ =	shalt  }
0x82: {  	_ =	shalt  }
0x83: {  	_ =	shalt  }
0x84: {  	_ =	shalt  }
0x85: {  	_ =	shalt  }
0x86: {  	_ =	shalt  }
0x87: {  	_ =	shalt  }
.Lfunc_end0:
.L_simem_size_0:
called_computation_lowered:
.L_overlay_start_0:
0x88: {  	s2 =	sld [smem:$0x3FD9]  }
0x89: {  	s3 =	sld [smem:$0x3FFE];
	_ =	sdelay $0x1  }
0x8a: {  	s1 =	srdreg.scid  }
0x8b: {  	s0 =	sand.u32 $0x1, s1  }
0x8c: {  	s16 =	sshll.u32 s0, $0xA;
	s2 =	sadd.s32 s3, s2  }
0x8d: {  	s2 =	sadd.s32 s2, s16  }
0x8e: {  	[smem:$0x3FB4] =	sst s2  }
0x8f: {  	_ = 	snop  }
0x90: {  	(tm) =	ssettm $0x1  }
0x91: {  	s17 =	sld [smem:$0x3FFB];
	_ =	sdelay $0x3  }
0x92: {  	_ =	strace s17  }
0x93: {  	s2 =	sld [smem:$0x3FFC];
	_ =	sdelay $0x3  }
0x94: {  	_ =	strace s2  }
0x95: {  	s2 =	sld [smem:$0x3FFD];
	_ =	sdelay $0x3  }
0x96: {  	_ =	strace s2  }
0x97: {  	_ =	strace $0x8FFFFFFF  }
0x98: {  	s18 =	sld [smem:$0x3FDB];
	_ =	sdelay $0x1  }
0x99: {  	s19 =	simm.s32 $_scs_section_size  }
0x9a: {  	s4 =	simm.s32 $_size__tile_overlayer_lowered;
	s5 =	simm.s32 $_tile_overlayer_lowered  }
0x9b: {  	s22 =	simm.s32 $0x1BFF;
	s21 =	sshll.u32 s5, $0x1;
	s2 =	sadd.s32 s19, s18  }
0x9c: {  	s6 =	simm.s32 $0x0;
	s20 =	sshll.u32 s4, $0x1;
	s4 =	sadd.s32 s21, s2  }
0x9d: {  	[timem:s6], [sflag:s22] =	dma.local [hbm:s4], s20  }
0x9e: {  	_ =	swait.ge [sflag:s22], s20  }
0x9f: {  	s3 =	ssub.s32 $0x0, s20;
	[sflag:s22] =	ssyncset.done $0x0  }
0xa0: {  	[sflag:s22] =	ssyncadd.s32 s3;
	_ =	sdelay $0x1  }
0xa1: {  	s23 =	simm.s32 $0x1B8B  }
0xa2: {  	_ =	swait.ge [sflag:s23], $0x1  }
0xa3: {  	[sflag:s23] =	ssyncset.done $0x0  }
0xa4: {  	s25 =	simm.s32 $0x1B8E;
	s24 =	sld [smem:$0x3FFE];
	[sflag:s23] =	ssyncadd.s32 $0xFFFFFFFF  }
0xa5: {  	s26 =	simm.s32 $execute0_lowered;
	[smem:$0x3FD2] =	sst s25  }
0xa6: {  	s4 =	sshll.u32 s26, $0x1;
	_ =	strace $0x80000046;
	[dreg:$0x1] =	wrdreg $0xFFFFFFFF  }
0xa7: {  	s28 =	simm.s32 $_size_execute0_lowered;
	s2 =	sadd.s32 s2, s4;
	[dreg:$0x0] =	wrdreg $0x0  }
0xa8: {  	s4 =	sshll.u32 s28, $0x1;
	[dreg:$0x2] =	wrdreg s2  }
0xa9: {  	[dreg:$0x3] =	wrdreg s4  }
0xaa: {  	[dreg:$0x4] =	wrdreg $0xC0  }
0xab: {  	_ =	task [dreg:s6], $0x5FFFF  }
0xac: {  	[dreg:$0x1] =	wrdreg $0xFFFFFFFF  }
0xad: {  	[dreg:$0x0] =	wrdreg $0x60  }
0xae: {  	[dreg:$0x2] =	wrdreg s24  }
0xaf: {  	[dreg:$0x3] =	wrdreg $0x9  }
0xb0: {  	_ =	task.clear_ibuf [dreg:s6], $0x4FFFF;
	_ =	strace $0x90000046  }
0xb1: {  	s29 =	simm.s32 $0x9;
	_ =	strace $0x80000048  }
0xb2: {  	_ =	swait.ge [sflag:s29], $0x1  }
0xb3: {  	[sflag:s29] =	ssyncadd.s32 $0xFFFFFFFF  }
0xb4: {  	_ =	strace $0x90000048  }
0xb5: {  	_ =	sfence  }
0xb6: {  	s30 =	sld [smem:$0x0];
	_ =	sdelay $0x2  }
0xb7: {  	s31 =	sshll.u32 s1, $0xD;
	s1 =	sshrl.u32 s1, $0x2  }
0xb8: {  	s3 =	sand.u32 $0x4000, s31;
	s1 =	sadd.s32 s1, s30  }
0xb9: {  	s0 =	sor.u32 s3, s0;
	s1 =	sshll.u32 s1, $0x11  }
0xba: {  	s0 =	sor.u32 s1, s0  }
0xbb: {  	s0 =	sadd.s32 $0x8F2B, s0  }
0xbc: {  	[sflag:s0] =	ssyncadd.remote.s32 $0x1  }
0xbd: {  	_ =	sfence.sel $0xFFFF  }
0xbe: {  	[dreg:$0x0] =	wrdreg $0xFFFFFFFF;
	(pc) =	sbr.abs _section_cstart, $3  }
0xbf: {  	[dreg:$0x1] =	wrdreg $0xFFFFFFFF  }
0xc0: {  	_ =	task.clear_ibuf [dreg:s6], $0x2FFFF;
	_ =	strace $0x9FFFFFFF  }
0xc1: {  	(tm) =	ssettm $0x7FFFFFFF  }
tec
execute0_lowered:
.L_overlay_start_1:
0x0: {  	(tag) =	ssettag $0x1  }
0x1: {  	s4 =	rddreg [dreg:$0x0]  }
0x2: {  	s0 =	rddreg [dreg:$0x1];
	s2 =	simm.s32 $0x0;
	s3 =	srdreg.scid  }
0x3: {  	s1 =	stileid.u32;
	s10 =	simm.s32 $0x0;
	[smem:$0x7FF] =	sst s2  }
0x4: {  	s5 =	sand.u32 $0x1, s3;
	s6 =	sshll.u32 s1, $0xD;
	s3 =	sadd.s32 $0x10A800, s4  }
0x5: {  	s8 =	sshll.u32 s1, $0x11;
	_ =	strace $0x80000047;
	s7 =	sshll.u32 s5, $0xC  }
0x6: {  	s31 =	ssub.s32 $0x2, s5;
	s8 =	sadd.s32 s8, s4;
	s5 =	sshll.u32 s5, $0x10  }
0x7: {  	s6 =	sor.u32 s7, s6;
	s9 =	sshrl.u32 s31, $0x1;
	s5 =	sadd.s32 s5, s8  }
0x8: {  	s8 =	simm.s32 $0x80;
	s6 =	sshrl.u32 s6, $0x3;
	s7 =	ssub.s32 s31, s9  }
0x9: {  	s5 =	sadd.s32 $0x18A800, s5;
	s9 =	simm.s32 $0x1;
	s6 =	sadd.s32 s6, s4  }
0xa: {  	s4 =	smax.u32 s7, $0x1;
	s7 =	simm.s32 $0x2;
	s6 =	sadd.s32 $0x86800, s6  }
.LBB2_1:
0xb: {  	s11 =	sadd.s32 $0x0, s6  }
0xc: {  	[tilespmem:s2], [sflag:$0x2] =	stream.linear.gather [hbm4b:s11+s2], $0x80, $0x38;
	[tilespmem:$0x4080] =	vst v63  }
0xd: {  	_ =	swait.ge [sflag:s7], $0x80  }
0xe: {  	[sflag:s7] =	ssyncset.done $0x0  }
0xf: {  	[sflag:s7] =	ssyncadd.s32 $0xFFFFFF80  }
0x10: {  	[tilespmem:s8], [sflag:$0x1] =	stream.indirect.gather [hbm4b:s3+s8], $0x80, s2, s8, $0xb8;
	[tilespmem:$0x4080] =	vst v63  }
0x11: {  	_ =	swait.ge [sflag:s9], $0x4000  }
0x12: {  	[sflag:s9] =	ssyncset.done $0x0  }
0x13: {  	[sflag:s9] =	ssyncadd.s32 $0xFFFFC000  }
0x14: {  	[hbm4b:s5+s2] =	stream.linear.scatter [tilespmem:s8], [sflag:$0x2], $0x4000, $0x38;
	[tilespmem:$0x4080] =	vst v63  }
0x15: {  	s12 =	simm.s32 $0x10;
	_ =	swait.ge [sflag:s7], $0x4000  }
0x16: {  	s13 =	simm.s32 $0x20;
	s11 =	sadd.s32 $0x800, s5;
	[sflag:s7] =	ssyncset.done $0x0  }
.LBB2_2:
0x17: {  	s14 =	sadd.s32 s12, s6  }
0x18: {  	[sflag:s7] =	ssyncadd.s32 $0xFFFFC000;
	s12 =	smov.u32 s13;
	s15 =	sadd.s32 $0x10, s13  }
0x19: {  	[tilespmem:s2], [sflag:$0x2] =	stream.linear.gather [hbm4b:s14+s2], $0x80, $0x38;
	[tilespmem:$0x4080] =	vst v63  }
0x1a: {  	p0 =	sne.s32 s13, $0x1F0;
	_ =	swait.ge [sflag:s7], $0x80  }
0x1b: {  	[sflag:s7] =	ssyncset.done $0x0  }
0x1c: {  	[sflag:s7] =	ssyncadd.s32 $0xFFFFFF80  }
0x1d: {  	[tilespmem:s8], [sflag:$0x1] =	stream.indirect.gather [hbm4b:s3+s8], $0x80, s2, s8, $0xb8;
	[tilespmem:$0x4080] =	vst v63  }
0x1e: {  	_ =	swait.ge [sflag:s9], $0x4000  }
.Ltmp0:
0x1f: {  	[sflag:s9] =	ssyncset.done $0x0;
	(pc) =	sbr.rel @p0 .LBB2_2-.Ltmp0, $4  }
0x20: {  	[sflag:s9] =	ssyncadd.s32 $0xFFFFC000  }
0x21: {  	[hbm4b:s11+s2] =	stream.linear.scatter [tilespmem:s8], [sflag:$0x2], $0x4000, $0x38;
	[tilespmem:$0x4080] =	vst v63  }
0x22: {  	_ =	swait.ge [sflag:s7], $0x4000  }
0x23: {  	s13 =	smov.u32 s15;
	s11 =	sadd.s32 $0x800, s11;
	[sflag:s7] =	ssyncset.done $0x0  }
0x24: {  	s12 =	sadd.s32 s12, s6;
	[sflag:s7] =	ssyncadd.s32 $0xFFFFC000  }
0x25: {  	[tilespmem:s2], [sflag:$0x2] =	stream.linear.gather [hbm4b:s12+s2], $0x80, $0x38;
	[tilespmem:$0x4080] =	vst v63  }
0x26: {  	_ =	swait.ge [sflag:s7], $0x80  }
0x27: {  	[sflag:s7] =	ssyncset.done $0x0  }
0x28: {  	[sflag:s7] =	ssyncadd.s32 $0xFFFFFF80  }
0x29: {  	[tilespmem:s8], [sflag:$0x1] =	stream.indirect.gather [hbm4b:s3+s8], $0x80, s2, s8, $0xb8;
	[tilespmem:$0x4080] =	vst v63  }
0x2a: {  	s10 =	sadd.s32 $0x1, s10;
	_ =	swait.ge [sflag:s9], $0x4000  }
0x2b: {  	p0 =	sne.s32 s10, s4;
	[sflag:s9] =	ssyncset.done $0x0  }
.Ltmp1:
0x2c: {  	[sflag:s9] =	ssyncadd.s32 $0xFFFFC000;
	(pc) =	sbr.rel @p0 .LBB2_1-.Ltmp1, $4  }
0x2d: {  	[hbm4b:s11+s2] =	stream.linear.scatter [tilespmem:s8], [sflag:$0x2], $0x4000, $0x38;
	[tilespmem:$0x4080] =	vst v63  }
0x2e: {  	_ =	swait.ge [sflag:s7], $0x4000  }
0x2f: {  	[sflag:s7] =	ssyncset.done $0x0  }
0x30: {  	[sflag:s7] =	ssyncadd.s32 $0xFFFFC000  }
0x31: {  	_ =	sfence.sel $0x180000  }
0x32: {  	[bflag:$0x0] =	sbarrier.arrive $0xFFFF  }
0x33: {  	p0 =	sne.s32 s1, $0x0;
	_ =	strace $0x90000047  }
0x34: {  	s0 =	sadd.s32 @!p0 $0x100000, s0;
	[bflag:$0x2] =	sbarrier.arrive $0xFFFF  }
0x35: {  	[sflag:s0] =	ssyncadd.tile.s32 @!p0 $0x1;
	_ =	shalt  }
.Lfunc_end2:
_tile_overlayer_lowered:
.L_overlay_start_2:
0x36: {  	(tag) =	ssettag $0x2  }
0x37: {  	s0 =	rddreg [dreg:$0x0];
	s2 =	stileid.u32  }
0x38: {  	s1 =	rddreg [dreg:$0x1];
	p0 =	sne.s32 s2, $0x0  }
0x39: {  	s3 =	rddreg [dreg:$0x2];
	[bflag:$0x3] =	sbarrier.arrive $0xFFFF;
	s2 =	simm.s32 @!p0 $0x1C02  }
0x3a: {  	[timem:s3], [sflag:s2] =	dma.local @!p0 [hbm:s0], s1  }
0x3b: {  	s0 =	simm.s32 @!p0 $0x2  }
0x3c: {  	_ =	swait.ge @!p0 [sflag:s0], s1  }
0x3d: {  	s1 =	ssub.s32 @!p0 $0x0, s1;
	[sflag:s0] =	ssyncset.done @!p0 $0x0  }
0x3e: {  	[sflag:s0] =	ssyncadd.s32 @!p0 s1  }
0x3f: {  	[bflag:$0x3] =	sbarrier.arrive $0xFFFF  }
0x40: {  	_ =	shalt  }

// kernel: kernel.22.cloned.1.call-start
scs
__scs_entry_jumppad:
0x0: {  	(pc) =	sbr.rel $0x88, $3  }
0x1: {  	(tag) =	ssettag $0x0;
	lr =	simm.s32 $0x1  }
0x2: {  	[smem:$0x3F8D] =	sst lr;
	_ =	strace $0xD0000000  }
0x3: {  	_ = 	snop  }
0x4: {  	_ = 	snop  }
0x5: {  	_ = 	snop  }
0x6: {  	_ = 	snop  }
0x7: {  	_ = 	snop  }
__scs_overlays_trampoline_lowered:
0x8: {  	[smem:$0x3F9C] =	sst s0  }
0x9: {  	[smem:$0x3F9D] =	sst s1  }
0xa: {  	[smem:$0x3F9E] =	sst s2  }
0xb: {  	[smem:$0x3F9F] =	sst s3  }
0xc: {  	[smem:$0x3FA0] =	sst s4  }
0xd: {  	[smem:$0x3FA1] =	sst s5  }
0xe: {  	[smem:$0x3FA2] =	sst s6  }
0xf: {  	[smem:$0x3FA3] =	sst s7  }
0x10: {  	[smem:$0x3FA4] =	sst s8  }
0x11: {  	[smem:$0x3FA5] =	sst s9;
	s0 =	simm.s32 @!p0 $0x0  }
0x12: {  	s1 =	sld [smem:$0x3F8B];
	s0 =	simm.s32 @p0 $0x1  }
0x13: {  	[smem:$0x3FA6] =	sst s0;
	s0 =	simm.s32 @!p1 $0x0  }
0x14: {  	s2 =	sld [smem:$0x3F8A];
	s0 =	simm.s32 @p1 $0x1  }
0x15: {  	[smem:$0x3FA7] =	sst s0;
	s0 =	simm.s32 @!p2 $0x0  }
0x16: {  	s3 =	sld [smem:$0x3FDB];
	s0 =	simm.s32 @p2 $0x1  }
0x17: {  	s4 =	simm.s32 $0x1BF5;
	[smem:$0x3FA9] =	sst s0  }
0x18: {  	s0 =	sld [smem:$0x3F8C];
	_ =	swait.ge [sflag:s4], $0x0  }
0x19: {  	s7 =	sld [smem:$0x3F8D]  }
0x1a: {  	s8 =	sadd.s32 $0xFFFFE003, lr  }
0x1b: {  	s9 =	sadd.s32 $0xFFFFFEF7, lr;
	s5 =	simm.s32 $0xFFFFFFFF;
	p2 =	slt.u32 s8, $0xFFFFF086  }
0x1c: {  	p1 =	slt.u32 s9, $0xF7A;
	s5 =	simm.s32 @!p2 $0x0  }
0x1d: {  	s5 =	simm.s32 @p1 $0x1;
	p0 =	seq.s32 s7, s2  }
0x1e: {  	s7 =	smul.u32 @!p0 $0xF7A, s2;
	p2 =	seq.s32 @!p0 s5, $0x0  }
0x1f: {  	s9 =	smul.u32 $0xF7A, s1;
	s8 =	simm.s32 @!p0 $0x1BF5;
	p2 =	por !p2, p0  }
0x20: {  	[sflag:s8] =	ssyncset.s32 @!p0 $0xFFFFF086;
	s6 =	sadd.s32 @!p0 s3, s7;
	s7 =	simm.s32 @!p0 $0x108  }
0x21: {  	s3 =	sadd.s32 s3, s9;
	s6 =	sadd.s32 @!p0 $0x88, s6;
	s7 =	simm.s32 @p2 $0x1082  }
0x22: {  	[simem:s7], [sflag:s8] =	dma.local @!p0 [hbm:s6], $0xF7A  }
0x23: {  	s9 =	sor.u32 $0xD0000000, s2;
	s6 =	simm.s32 $0x108;
	_ =	swait.ge @!p0 [sflag:s8], $0x0  }
0x24: {  	s3 =	sadd.s32 $0x88, s3;
	s6 =	simm.s32 @!p1 $0x1082;
	[sflag:s4] =	ssyncset.s32 $0xFFFFF086  }
0x25: {  	[simem:s6], [sflag:s4] =	dma.local [hbm:s3], $0xF7A  }
0x26: {  	[smem:$0x3F8D] =	sst s1;
	(tag) =	ssettag s2;
	_ =	strace s9  }
0x27: {  	s1 =	sld [smem:$0x3F9D]  }
0x28: {  	s2 =	sld [smem:$0x3F9E]  }
0x29: {  	s4 =	sld [smem:$0x3FA0]  }
0x2a: {  	p0 =	seq.s32 s5, $0x0;
	s5 =	sld [smem:$0x3FA1]  }
0x2b: {  	s6 =	sld [smem:$0x3FA2]  }
0x2c: {  	s7 =	sld [smem:$0x3FA3]  }
0x2d: {  	s3 =	simm.s32 $0x108;
	s8 =	sld [smem:$0x3FA4]  }
0x2e: {  	s3 =	simm.s32 @!p0 $0x1082;
	s9 =	sld [smem:$0x3FA5]  }
0x2f: {  	lr =	sadd.s32 s0, s3;
	s0 =	sld [smem:$0x3F9C]  }
0x30: {  	s3 =	sld [smem:$0x3F9F]  }
0x31: {  	[smem:$0x3FA8] =	sst s10  }
0x32: {  	s10 =	sld [smem:$0x3FA6];
	_ =	sdelay $0x3  }
0x33: {  	p0 =	seq.s32 s10, $0x1;
	s10 =	sld [smem:$0x3FA8];
	_ =	sdelay $0x3  }
0x34: {  	[smem:$0x3FA8] =	sst s10  }
0x35: {  	s10 =	sld [smem:$0x3FA7];
	_ =	sdelay $0x3  }
0x36: {  	p1 =	seq.s32 s10, $0x1;
	s10 =	sld [smem:$0x3FA8];
	_ =	sdelay $0x3  }
0x37: {  	[smem:$0x3FA8] =	sst s10  }
0x38: {  	s10 =	sld [smem:$0x3FA9]  }
0x39: {  	_ = 	snop;
	(pc) =	sbr.ind lr, $3  }
0x3a: {  	_ = 	snop  }
0x3b: {  	_ = 	snop  }
0x3c: {  	p2 =	seq.s32 s10, $0x1;
	s10 =	sld [smem:$0x3FA8]  }
0x3d: {  	_ =	shalt  }
0x3e: {  	_ =	shalt  }
0x3f: {  	_ =	shalt  }
0x40: {  	_ =	shalt  }
0x41: {  	_ =	shalt  }
0x42: {  	_ =	shalt  }
0x43: {  	_ =	shalt  }
0x44: {  	_ =	shalt  }
0x45: {  	_ =	shalt  }
0x46: {  	_ =	shalt  }
0x47: {  	_ =	shalt  }
0x48: {  	_ =	shalt  }
0x49: {  	_ =	shalt  }
0x4a: {  	_ =	shalt  }
0x4b: {  	_ =	shalt  }
0x4c: {  	_ =	shalt  }
0x4d: {  	_ =	shalt  }
0x4e: {  	_ =	shalt  }
0x4f: {  	_ =	shalt  }
0x50: {  	_ =	shalt  }
0x51: {  	_ =	shalt  }
0x52: {  	_ =	shalt  }
0x53: {  	_ =	shalt  }
0x54: {  	_ =	shalt  }
0x55: {  	_ =	shalt  }
0x56: {  	_ =	shalt  }
0x57: {  	_ =	shalt  }
0x58: {  	_ =	shalt  }
0x59: {  	_ =	shalt  }
0x5a: {  	_ =	shalt  }
0x5b: {  	_ =	shalt  }
0x5c: {  	_ =	shalt  }
0x5d: {  	_ =	shalt  }
0x5e: {  	_ =	shalt  }
0x5f: {  	_ =	shalt  }
0x60: {  	_ =	shalt  }
0x61: {  	_ =	shalt  }
0x62: {  	_ =	shalt  }
0x63: {  	_ =	shalt  }
0x64: {  	_ =	shalt  }
0x65: {  	_ =	shalt  }
0x66: {  	_ =	shalt  }
0x67: {  	_ =	shalt  }
0x68: {  	_ =	shalt  }
0x69: {  	_ =	shalt  }
0x6a: {  	_ =	shalt  }
0x6b: {  	_ =	shalt  }
0x6c: {  	_ =	shalt  }
0x6d: {  	_ =	shalt  }
0x6e: {  	_ =	shalt  }
0x6f: {  	_ =	shalt  }
0x70: {  	_ =	shalt  }
0x71: {  	_ =	shalt  }
0x72: {  	_ =	shalt  }
0x73: {  	_ =	shalt  }
0x74: {  	_ =	shalt  }
0x75: {  	_ =	shalt  }
0x76: {  	_ =	shalt  }
0x77: {  	_ =	shalt  }
0x78: {  	_ =	shalt  }
0x79: {  	_ =	shalt  }
0x7a: {  	_ =	shalt  }
0x7b: {  	_ =	shalt  }
0x7c: {  	_ =	shalt  }
0x7d: {  	_ =	shalt  }
0x7e: {  	_ =	shalt  }
0x7f: {  	_ =	shalt  }
0x80: {  	_ =	shalt  }
0x81: {  	_ =	shalt  }
0x82: {  	_ =	shalt  }
0x83: {  	_ =	shalt  }
0x84: {  	_ =	shalt  }
0x85: {  	_ =	shalt  }
0x86: {  	_ =	shalt  }
0x87: {  	_ =	shalt  }
.Lfunc_end0:
.L_simem_size_0:
called_computation.1_lowered:
.L_overlay_start_0:
0x88: {  	s2 =	sld [smem:$0x3FD9]  }
0x89: {  	s3 =	sld [smem:$0x3FFE];
	_ =	sdelay $0x1  }
0x8a: {  	s1 =	srdreg.scid  }
0x8b: {  	s0 =	sand.u32 $0x1, s1  }
0x8c: {  	s17 =	sshll.u32 s0, $0xA;
	s2 =	sadd.s32 s3, s2  }
0x8d: {  	s2 =	sadd.s32 s2, s17  }
0x8e: {  	[smem:$0x3FB4] =	sst s2  }
0x8f: {  	_ = 	snop  }
0x90: {  	(tm) =	ssettm $0x1  }
0x91: {  	s18 =	sld [smem:$0x3FFB];
	_ =	sdelay $0x3  }
0x92: {  	_ =	strace s18  }
0x93: {  	s2 =	sld [smem:$0x3FFC];
	_ =	sdelay $0x3  }
0x94: {  	_ =	strace s2  }
0x95: {  	s2 =	sld [smem:$0x3FFD];
	_ =	sdelay $0x3  }
0x96: {  	_ =	strace s2  }
0x97: {  	_ =	strace $0x8FFFFFFF  }
0x98: {  	s19 =	sld [smem:$0x3FDB];
	_ =	sdelay $0x1  }
0x99: {  	s20 =	simm.s32 $_scs_section_size  }
0x9a: {  	s4 =	simm.s32 $_size__tile_overlayer_lowered;
	s5 =	simm.s32 $_tile_overlayer_lowered  }
0x9b: {  	s6 =	simm.s32 $0x1BFF;
	s21 =	sshll.u32 s5, $0x1;
	s3 =	sadd.s32 s20, s19  }
0x9c: {  	s22 =	simm.s32 $0x0;
	s4 =	sshll.u32 s4, $0x1;
	s5 =	sadd.s32 s21, s3  }
0x9d: {  	[timem:s22], [sflag:s6] =	dma.local [hbm:s5], s4  }
0x9e: {  	_ =	swait.ge [sflag:s6], s4  }
0x9f: {  	s4 =	ssub.s32 $0x0, s4;
	[sflag:s6] =	ssyncset.done $0x0  }
0xa0: {  	[sflag:s6] =	ssyncadd.s32 s4;
	_ =	sdelay $0x1  }
0xa1: {  	s23 =	simm.s32 $0x1B8B  }
0xa2: {  	_ =	swait.ge [sflag:s23], $0x1  }
0xa3: {  	[sflag:s23] =	ssyncset.done $0x0  }
0xa4: {  	[sflag:s23] =	ssyncadd.s32 $0xFFFFFFFF  }
0xa5: {  	s4 =	sld [smem:$0x0]  }
0xa6: {  	s5 =	sand.u32 $0xFFFFFFFE, s1  }
0xa7: {  	p0 =	sne.s32 s1, s5  }
0xa8: {  	s5 =	sshll.u32 @p0 s5, $0xE  }
0xa9: {  	s5 =	sadd.s32 @p0 $0x11B8D, s5;
	s6 =	sshll.u32 @p0 s4, $0x11  }
0xaa: {  	s5 =	sor.u32 @p0 s6, s5  }
0xab: {  	[sflag:s5] =	ssyncadd.remote.s32 @p0 $0x1;
	_ =	sdelay $0x1  }
0xac: {  	s5 =	simm.s32 @p0 $0x1B8D  }
0xad: {  	_ =	swait.eq @p0 [sflag:s5], $0x1  }
0xae: {  	[sflag:s5] =	ssyncadd.s32 @p0 $0xFFFFFFFF  }
0xaf: {  	s6 =	sshll.u32 @!p0 s1, $0xE  }
0xb0: {  	s6 =	sor.u32 @!p0 $0x4000, s6;
	s5 =	simm.s32 @!p0 $0x1B8D  }
0xb1: {  	s4 =	sshll.u32 @!p0 s4, $0x11;
	s6 =	sadd.s32 @!p0 $0x11B8D, s6;
	_ =	swait.eq @!p0 [sflag:s5], $0x1  }
0xb2: {  	s4 =	sor.u32 @!p0 s4, s6;
	[sflag:s5] =	ssyncadd.s32 @!p0 $0xFFFFFFFF  }
0xb3: {  	s25 =	simm.s32 $0x1B8E;
	s24 =	sld [smem:$0x3FFE];
	[sflag:s4] =	ssyncadd.remote.s32 @!p0 $0x1  }
0xb4: {  	s26 =	simm.s32 $execute0_lowered;
	[smem:$0x3FD2] =	sst s25  }
0xb5: {  	s5 =	sshll.u32 s26, $0x1;
	_ =	strace $0x80000049;
	[dreg:$0x1] =	wrdreg $0xFFFFFFFF  }
0xb6: {  	s28 =	simm.s32 $_size_execute0_lowered;
	s3 =	sadd.s32 s3, s5;
	[dreg:$0x0] =	wrdreg $0x0  }
0xb7: {  	s5 =	sshll.u32 s28, $0x1;
	[dreg:$0x2] =	wrdreg s3  }
0xb8: {  	[dreg:$0x3] =	wrdreg s5  }
0xb9: {  	[dreg:$0x4] =	wrdreg $0xC0  }
0xba: {  	_ =	task [dreg:s22], $0x5FFFF  }
0xbb: {  	[dreg:$0x1] =	wrdreg $0xFFFFFFFF  }
0xbc: {  	[dreg:$0x0] =	wrdreg $0x60  }
0xbd: {  	[dreg:$0x2] =	wrdreg s24  }
0xbe: {  	[dreg:$0x3] =	wrdreg $0xA  }
0xbf: {  	_ =	task.clear_ibuf [dreg:s22], $0x4FFFF;
	_ =	strace $0x90000049  }
0xc0: {  	s29 =	simm.s32 $0xA;
	_ =	strace $0x8000004B  }
0xc1: {  	_ =	swait.ge [sflag:s29], $0x1  }
0xc2: {  	[sflag:s29] =	ssyncadd.s32 $0xFFFFFFFF  }
0xc3: {  	_ =	strace $0x9000004B  }
0xc4: {  	_ =	sfence  }
0xc5: {  	s30 =	sld [smem:$0x0];
	_ =	sdelay $0x2  }
0xc6: {  	s31 =	sshll.u32 s1, $0xD;
	s1 =	sshrl.u32 s1, $0x2  }
0xc7: {  	s4 =	sand.u32 $0x4000, s31;
	s1 =	sadd.s32 s1, s30  }
0xc8: {  	s0 =	sor.u32 s4, s0;
	s1 =	sshll.u32 s1, $0x11  }
0xc9: {  	s0 =	sor.u32 s1, s0  }
0xca: {  	s0 =	sadd.s32 $0x8F2B, s0  }
0xcb: {  	[sflag:s0] =	ssyncadd.remote.s32 $0x1  }
0xcc: {  	_ =	sfence.sel $0xFFFF  }
0xcd: {  	[dreg:$0x0] =	wrdreg $0xFFFFFFFF;
	(pc) =	sbr.abs _section_cstart, $3  }
0xce: {  	[dreg:$0x1] =	wrdreg $0xFFFFFFFF  }
0xcf: {  	_ =	task.clear_ibuf [dreg:s22], $0x2FFFF;
	_ =	strace $0x9FFFFFFF  }
0xd0: {  	(tm) =	ssettm $0x7FFFFFFF  }
0xd1: {  	_ =	shalt  }
tec
execute0_lowered:
.L_overlay_start_1:
0x0: {  	(tag) =	ssettag $0x1  }
0x1: {  	s4 =	rddreg [dreg:$0x0]  }
0x2: {  	s0 =	rddreg [dreg:$0x1];
	s2 =	simm.s32 $0x0;
	s3 =	srdreg.scid  }
0x3: {  	s1 =	stileid.u32;
	s10 =	simm.s32 $0x0;
	[smem:$0x7FF] =	sst s2  }
0x4: {  	s5 =	sand.u32 $0x1, s3;
	s6 =	sshll.u32 s1, $0xE;
	s3 =	sadd.s32 $0x6600, s4  }
0x5: {  	s8 =	sshll.u32 s1, $0x12;
	_ =	strace $0x8000004A;
	s7 =	sshll.u32 s5, $0xD  }
0x6: {  	s31 =	ssub.s32 $0x2, s5;
	s8 =	sadd.s32 s8, s4;
	s5 =	sshll.u32 s5, $0x11  }
0x7: {  	s6 =	sor.u32 s7, s6;
	s9 =	sshrl.u32 s31, $0x1;
	s5 =	sadd.s32 s5, s8  }
0x8: {  	s8 =	simm.s32 $0x80;
	s6 =	sshrl.u32 s6, $0x3;
	s7 =	ssub.s32 s31, s9  }
0x9: {  	s5 =	sadd.s32 $0x392A00, s5;
	s9 =	simm.s32 $0x1;
	s6 =	sadd.s32 s6, s4  }
0xa: {  	s4 =	smax.u32 s7, $0x1;
	s7 =	simm.s32 $0x2;
	s6 =	sadd.s32 $0x38AA00, s6  }
.LBB2_1:
0xb: {  	s11 =	sadd.s32 $0x0, s6  }
0xc: {  	[tilespmem:s2], [sflag:$0x2] =	stream.linear.gather [hbm4b:s11+s2], $0x80, $0x38;
	[tilespmem:$0x4080] =	vst v63  }
0xd: {  	_ =	swait.ge [sflag:s7], $0x80  }
0xe: {  	[sflag:s7] =	ssyncset.done $0x0  }
0xf: {  	[sflag:s7] =	ssyncadd.s32 $0xFFFFFF80  }
0x10: {  	[tilespmem:s8], [sflag:$0x1] =	stream.indirect.gather [hbm4b:s3+s8], $0x80, s2, s8, $0xb8;
	[tilespmem:$0x4080] =	vst v63  }
0x11: {  	_ =	swait.ge [sflag:s9], $0x4000  }
0x12: {  	[sflag:s9] =	ssyncset.done $0x0  }
0x13: {  	[sflag:s9] =	ssyncadd.s32 $0xFFFFC000  }
0x14: {  	[hbm4b:s5+s2] =	stream.linear.scatter [tilespmem:s8], [sflag:$0x2], $0x4000, $0x38;
	[tilespmem:$0x4080] =	vst v63  }
0x15: {  	s12 =	simm.s32 $0x10;
	_ =	swait.ge [sflag:s7], $0x4000  }
0x16: {  	s13 =	simm.s32 $0x20;
	s11 =	sadd.s32 $0x800, s5;
	[sflag:s7] =	ssyncset.done $0x0  }
.LBB2_2:
0x17: {  	s14 =	sadd.s32 s12, s6  }
0x18: {  	[sflag:s7] =	ssyncadd.s32 $0xFFFFC000;
	s12 =	smov.u32 s13;
	s15 =	sadd.s32 $0x10, s13  }
0x19: {  	[tilespmem:s2], [sflag:$0x2] =	stream.linear.gather [hbm4b:s14+s2], $0x80, $0x38;
	[tilespmem:$0x4080] =	vst v63  }
0x1a: {  	p0 =	sne.s32 s13, $0x3F0;
	_ =	swait.ge [sflag:s7], $0x80  }
0x1b: {  	[sflag:s7] =	ssyncset.done $0x0  }
0x1c: {  	[sflag:s7] =	ssyncadd.s32 $0xFFFFFF80  }
0x1d: {  	[tilespmem:s8], [sflag:$0x1] =	stream.indirect.gather [hbm4b:s3+s8], $0x80, s2, s8, $0xb8;
	[tilespmem:$0x4080] =	vst v63  }
0x1e: {  	_ =	swait.ge [sflag:s9], $0x4000  }
.Ltmp0:
0x1f: {  	[sflag:s9] =	ssyncset.done $0x0;
	(pc) =	sbr.rel @p0 .LBB2_2-.Ltmp0, $4  }
0x20: {  	[sflag:s9] =	ssyncadd.s32 $0xFFFFC000  }
0x21: {  	[hbm4b:s11+s2] =	stream.linear.scatter [tilespmem:s8], [sflag:$0x2], $0x4000, $0x38;
	[tilespmem:$0x4080] =	vst v63  }
0x22: {  	_ =	swait.ge [sflag:s7], $0x4000  }
0x23: {  	s13 =	smov.u32 s15;
	s11 =	sadd.s32 $0x800, s11;
	[sflag:s7] =	ssyncset.done $0x0  }
0x24: {  	s12 =	sadd.s32 s12, s6;
	[sflag:s7] =	ssyncadd.s32 $0xFFFFC000  }
0x25: {  	[tilespmem:s2], [sflag:$0x2] =	stream.linear.gather [hbm4b:s12+s2], $0x80, $0x38;
	[tilespmem:$0x4080] =	vst v63  }
0x26: {  	_ =	swait.ge [sflag:s7], $0x80  }
0x27: {  	[sflag:s7] =	ssyncset.done $0x0  }
0x28: {  	[sflag:s7] =	ssyncadd.s32 $0xFFFFFF80  }
0x29: {  	[tilespmem:s8], [sflag:$0x1] =	stream.indirect.gather [hbm4b:s3+s8], $0x80, s2, s8, $0xb8;
	[tilespmem:$0x4080] =	vst v63  }
0x2a: {  	s10 =	sadd.s32 $0x1, s10;
	_ =	swait.ge [sflag:s9], $0x4000  }
0x2b: {  	p0 =	sne.s32 s10, s4;
	[sflag:s9] =	ssyncset.done $0x0  }
.Ltmp1:
0x2c: {  	[sflag:s9] =	ssyncadd.s32 $0xFFFFC000;
	(pc) =	sbr.rel @p0 .LBB2_1-.Ltmp1, $4  }
0x2d: {  	[hbm4b:s11+s2] =	stream.linear.scatter [tilespmem:s8], [sflag:$0x2], $0x4000, $0x38;
	[tilespmem:$0x4080] =	vst v63  }
0x2e: {  	_ =	swait.ge [sflag:s7], $0x4000  }
0x2f: {  	[sflag:s7] =	ssyncset.done $0x0  }
0x30: {  	[sflag:s7] =	ssyncadd.s32 $0xFFFFC000  }
0x31: {  	_ =	sfence.sel $0x180000  }
0x32: {  	[bflag:$0x0] =	sbarrier.arrive $0xFFFF  }
0x33: {  	p0 =	sne.s32 s1, $0x0;
	_ =	strace $0x9000004A  }
0x34: {  	s0 =	sadd.s32 @!p0 $0x100000, s0;
	[bflag:$0x2] =	sbarrier.arrive $0xFFFF  }
0x35: {  	[sflag:s0] =	ssyncadd.tile.s32 @!p0 $0x1;
	_ =	shalt  }
.Lfunc_end2:
_tile_overlayer_lowered:
.L_overlay_start_2:
0x36: {  	(tag) =	ssettag $0x2  }
0x37: {  	s0 =	rddreg [dreg:$0x0];
	s2 =	stileid.u32  }
0x38: {  	s1 =	rddreg [dreg:$0x1];
	p0 =	sne.s32 s2, $0x0  }
0x39: {  	s3 =	rddreg [dreg:$0x2];
	[bflag:$0x3] =	sbarrier.arrive $0xFFFF;
	s2 =	simm.s32 @!p0 $0x1C02  }
0x3a: {  	[timem:s3], [sflag:s2] =	dma.local @!p0 [hbm:s0], s1  }
0x3b: {  	s0 =	simm.s32 @!p0 $0x2  }
0x3c: {  	_ =	swait.ge @!p0 [sflag:s0], s1  }
0x3d: {  	s1 =	ssub.s32 @!p0 $0x0, s1;
	[sflag:s0] =	ssyncset.done @!p0 $0x0  }
0x3e: {  	[sflag:s0] =	ssyncadd.s32 @!p0 s1  }
0x3f: {  	[bflag:$0x3] =	sbarrier.arrive $0xFFFF  }
0x40: {  	_ =	shalt  }

</sc_bundles>
